<compile_context>
chip_gen: v7x
topology: tpu7x:2x2x1
jax: 0.10.2.dev20260603
libtpu: 0.0.44.dev20260713+nightly
codegen_flags: <defaults>
</compile_context>

<pallas_src>
import functools

import jax
import jax.numpy as jnp
from jax import lax
from jax.experimental import pallas as pl
from jax.experimental.pallas import tpu as pltpu
from jax.experimental.pallas import tpu_sc as plsc

N = 10000
DIN = 128
H = 64
W0 = 80
OUT = 2
E = 320000
CHUNK = 125
NC = 2
NS = 16
NW = NC * NS
C = 80
NBUF = 4
RPT = N // NS
ZCH = 125

_F32 = jnp.float32


def _sc_aggregate(p, src_t, dst_t, zeros_w, aw):
  mesh = plsc.VectorSubcoreMesh(core_axis_name="c", subcore_axis_name="s")

  @functools.partial(
      pl.kernel,
      out_type=jax.ShapeDtypeStruct((NC, N, aw), _F32),
      mesh=mesh,
      scratch_types=[
          pltpu.VMEM((C, CHUNK), jnp.int32),
          pltpu.VMEM((C, CHUNK), jnp.int32),
      ] + [pltpu.VMEM((CHUNK, aw), _F32) for _ in range(NBUF)]
        + [pltpu.VMEM((ZCH, aw), _F32),
           pltpu.VMEM_SHARED((N, aw), _F32)]
        + [pltpu.SemaphoreType.DMA for _ in range(NBUF)],
      compiler_params=pltpu.CompilerParams(use_tc_tiling_on_sc=False),
      name="sc_edge_aggregate%d" % aw)
  def run(p_hbm, src_hbm, dst_hbm, z_hbm, acc_out, src_v, dst_v, *rest):
    bufs = rest[:NBUF]
    zstage = rest[NBUF]
    acc_sh = rest[NBUF + 1]
    sems = rest[NBUF + 2:]
    c = lax.axis_index("c")
    s = lax.axis_index("s")
    w = c * NS + s
    r0 = s * RPT

    def zbody(k, carry):
      rk = r0 + k * ZCH
      pltpu.sync_copy(z_hbm.at[pl.ds(rk, ZCH)], zstage)
      pltpu.sync_copy(zstage, acc_sh.at[pl.ds(rk, ZCH)])
      return carry

    lax.fori_loop(0, RPT // ZCH, zbody, 0)
    pltpu.sync_copy(src_hbm.at[w], src_v)
    pltpu.sync_copy(dst_hbm.at[w], dst_v)
    plsc.subcore_barrier()

    for b in range(NBUF):
      pltpu.async_copy(p_hbm.at[src_v.at[b]], bufs[b], sems[b])

    def body(kk, carry):
      j0 = NBUF * kk
      for b in range(NBUF):
        j = j0 + b
        pltpu.make_async_copy(p_hbm.at[src_v.at[j]], bufs[b], sems[b]).wait()
        pltpu.sync_copy(bufs[b], acc_sh.at[dst_v.at[j]], add=True)

        @pl.when(j + NBUF < C)
        def _():
          pltpu.async_copy(p_hbm.at[src_v.at[j + NBUF]], bufs[b], sems[b])

      return carry

    lax.fori_loop(0, C // NBUF, body, 0)
    plsc.subcore_barrier()

    def rbody(k, carry):
      rk = r0 + k * ZCH
      pltpu.sync_copy(acc_sh.at[pl.ds(rk, ZCH)], zstage)
      pltpu.sync_copy(zstage, acc_out.at[c, pl.ds(rk, ZCH)])
      return carry

    lax.fori_loop(0, RPT // ZCH, rbody, 0)

  return run(p, src_t, dst_t, zeros_w)


def _dot(a, b):
  return jnp.dot(a, b, preferred_element_type=_F32)


def _tc_proj(x, wlT, wrT, bl):
  def body(x_ref, wl_ref, wr_ref, bl_ref, p_ref, r_ref):
    xv = x_ref[...]
    pw = _dot(xv, wl_ref[...])
    p_ref[...] = jnp.concatenate([pw, jnp.ones((N, W0 - H), _F32)], axis=1)
    r_ref[...] = _dot(xv, wr_ref[...]) + bl_ref[...]

  return pl.pallas_call(
      body,
      out_shape=[jax.ShapeDtypeStruct((N, W0), _F32),
                 jax.ShapeDtypeStruct((N, H), _F32)],
      name="tc_proj",
  )(x, wlT, wrT, bl)


def _tc_combine(acc, inv, r, wlT, wrT, bl):
  first = inv is None

  def body(*refs):
    if first:
      acc_ref, r_ref, wl_ref, wr_ref, bl_ref, p_ref, rn_ref, inv_ref = refs
      deg = acc_ref[0, :, H:H + 1] + acc_ref[1, :, H:H + 1]
      invv = 1.0 / jnp.maximum(deg, 1.0)
      inv_ref[...] = jnp.broadcast_to(invv, (N, H))
    else:
      acc_ref, inv_in, r_ref, wl_ref, wr_ref, bl_ref, p_ref, rn_ref = refs
      invv = inv_in[...]
    a = acc_ref[0, :, :H] + acc_ref[1, :, :H]
    h = jnp.maximum(a * invv + r_ref[...], 0.0)
    p_ref[...] = _dot(h, wl_ref[...])
    rn_ref[...] = _dot(h, wr_ref[...]) + bl_ref[...]

  out_shape = [jax.ShapeDtypeStruct((N, H), _F32),
               jax.ShapeDtypeStruct((N, H), _F32)]
  if first:
    out_shape.append(jax.ShapeDtypeStruct((N, H), _F32))
    return pl.pallas_call(body, out_shape=out_shape, name="tc_combine0")(
        acc, r, wlT, wrT, bl)
  return pl.pallas_call(body, out_shape=out_shape, name="tc_combine")(
      acc, inv, r, wlT, wrT, bl)


def _tc_head(acc, inv, r, whT, bh):
  def body(acc_ref, inv_ref, r_ref, wh_ref, bh_ref, o_ref):
    a = acc_ref[0] + acc_ref[1]
    h = jnp.maximum(a * inv_ref[...] + r_ref[...], 0.0)
    o_ref[...] = _dot(h, wh_ref[...]) + bh_ref[...]

  return pl.pallas_call(
      body,
      out_shape=jax.ShapeDtypeStruct((N, OUT), _F32),
      name="tc_head",
  )(acc, inv, r, whT, bh)


def kernel(x, edge_index, Wl0, bl0, Wr0, Wl1, bl1, Wr1, Wl2, bl2, Wr2,
           Wh, bh):
  src_t = edge_index[0].reshape(NW, C, CHUNK)
  dst_t = edge_index[1].reshape(NW, C, CHUNK)

  zeros_w0 = jnp.zeros((N, W0), _F32)
  zeros_h = jnp.zeros((N, H), _F32)

  wl0T, wr0T = Wl0.T, Wr0.T
  wl1T, wr1T = Wl1.T, Wr1.T
  wl2T, wr2T = Wl2.T, Wr2.T
  whT = Wh.T
  bl0r, bl1r, bl2r, bhr = (b.reshape(1, -1) for b in (bl0, bl1, bl2, bh))

  p0, r0 = _tc_proj(x, wl0T, wr0T, bl0r)
  acc0 = _sc_aggregate(p0, src_t, dst_t, zeros_w0, W0)
  p1, r1, inv = _tc_combine(acc0, None, r0, wl1T, wr1T, bl1r)
  acc1 = _sc_aggregate(p1, src_t, dst_t, zeros_h, H)
  p2, r2 = _tc_combine(acc1, inv, r1, wl2T, wr2T, bl2r)
  acc2 = _sc_aggregate(p2, src_t, dst_t, zeros_h, H)
  return _tc_head(acc2, inv, r2, whT, bhr)

# --- scband reference (transcript-rebuilt; emitter-appended) ---
"""Pipeline reference for scband-flexible-gnn-85633057947768 (READ-ONLY COPY).

The authoritative reference and input builder live on the scoring server;
editing this copy changes nothing except your own understanding.
"""

import jax, jax.numpy as jnp
import numpy as np

N = 10000
E = 320000
D_IN = 128
H = 64
OUT = 2


def setup_inputs(seed: int = 0) -> dict:
    key = jax.random.key(seed)
    ks = jax.random.split(key, 16)
    x = jax.random.normal(ks[0], (N, D_IN), dtype=jnp.float32)
    edge_index = jax.random.randint(ks[1], (2, E), 0, N, dtype=jnp.int32)
    s = 0.05
    Wl0 = jax.random.normal(ks[2], (H, D_IN), dtype=jnp.float32) * s
    bl0 = jnp.zeros((H,), dtype=jnp.float32)
    Wr0 = jax.random.normal(ks[3], (H, D_IN), dtype=jnp.float32) * s
    Wl1 = jax.random.normal(ks[4], (H, H), dtype=jnp.float32) * s
    bl1 = jnp.zeros((H,), dtype=jnp.float32)
    Wr1 = jax.random.normal(ks[5], (H, H), dtype=jnp.float32) * s
    Wl2 = jax.random.normal(ks[6], (H, H), dtype=jnp.float32) * s
    bl2 = jnp.zeros((H,), dtype=jnp.float32)
    Wr2 = jax.random.normal(ks[7], (H, H), dtype=jnp.float32) * s
    Wh = jax.random.normal(ks[8], (OUT, H), dtype=jnp.float32) * s
    bh = jnp.zeros((OUT,), dtype=jnp.float32)
    return {"x": x, "edge_index": edge_index, "Wl0": Wl0, "bl0": bl0, "Wr0": Wr0,
            "Wl1": Wl1, "bl1": bl1, "Wr1": Wr1, "Wl2": Wl2, "bl2": bl2, "Wr2": Wr2,
            "Wh": Wh, "bh": bh}


def _sage(h, src, dst, Wl, bl, Wr):
    # PyG SAGEConv with aggr='mean': out = lin_l(mean_j x_j) + lin_r(x_i)
    msgs = h[src]
    agg = jax.ops.segment_sum(msgs, dst, num_segments=N)
    deg = jax.ops.segment_sum(jnp.ones((src.shape[0],), h.dtype), dst, num_segments=N)
    mean = agg / jnp.maximum(deg, 1.0)[:, None]
    return mean @ Wl.T + bl + h @ Wr.T


def reference(x, edge_index, Wl0, bl0, Wr0, Wl1, bl1, Wr1, Wl2, bl2, Wr2, Wh, bh):
    src = edge_index[0]
    dst = edge_index[1]
    h = jax.nn.relu(_sage(x, src, dst, Wl0, bl0, Wr0))
    # dropout is identity in eval mode
    h = jax.nn.relu(_sage(h, src, dst, Wl1, bl1, Wr1))
    h = jax.nn.relu(_sage(h, src, dst, Wl2, bl2, Wr2))
    return h @ Wh.T + bh

if __name__ == "__main__":
    import jax
    _d = setup_inputs()
    print(jax.jit(kernel)(*tuple(_d.values())))

</pallas_src>

<mosaic_0001>
#map = affine_map<(d0, d1) -> (0, 0)>
#map1 = affine_map<(d0, d1) -> (0, 0, 0)>
module attributes {stable_mosaic.version = 14 : i64} {
  func.func @sc_edge_aggregate64(%arg0: i32, %arg1: i32, %arg2: memref<10000x64xf32, #tpu.memory_space<hbm>>, %arg3: memref<32x80x125xi32, #tpu.memory_space<hbm>>, %arg4: memref<32x80x125xi32, #tpu.memory_space<hbm>>, %arg5: memref<10000x64xf32, #tpu.memory_space<hbm>>, %arg6: memref<2x10000x64xf32, #tpu.memory_space<hbm>>, %arg7: memref<80x125xi32, #tpu.memory_space<vmem>>, %arg8: memref<80x125xi32, #tpu.memory_space<vmem>>, %arg9: memref<125x64xf32, #tpu.memory_space<vmem>>, %arg10: memref<125x64xf32, #tpu.memory_space<vmem>>, %arg11: memref<125x64xf32, #tpu.memory_space<vmem>>, %arg12: memref<125x64xf32, #tpu.memory_space<vmem>>, %arg13: memref<125x64xf32, #tpu.memory_space<vmem>>, %arg14: memref<10000x64xf32, #tpu.memory_space<vmem_shared>>, %arg15: memref<!tpu.dma_semaphore, #tpu.memory_space<semaphore_mem>>, %arg16: memref<!tpu.dma_semaphore, #tpu.memory_space<semaphore_mem>>, %arg17: memref<!tpu.dma_semaphore, #tpu.memory_space<semaphore_mem>>, %arg18: memref<!tpu.dma_semaphore, #tpu.memory_space<semaphore_mem>>) attributes {dimension_semantics = [#tpu.dimension_semantics<core_parallel>, #tpu.dimension_semantics<subcore_parallel>], iteration_bounds = array<i64: 2, 16>, scalar_prefetch = 0 : i64, scratch_operands = 12 : i64, tpu.core_type = #tpu.core_type<sc_vector_subcore>, window_params = [{transform_indices = #map}, {transform_indices = #map1}, {transform_indices = #map1}, {transform_indices = #map}, {transform_indices = #map1}]} {
    %mul3A = arith.constant 16 : i32
    %mul3A_0 = arith.muli %arg0, %mul3A : i32
    %add3A = arith.addi %mul3A_0, %arg1 : i32
    %mul3A_1 = arith.constant 625 : i32
    %mul3A_2 = arith.muli %arg1, %mul3A_1 : i32
    %scan3A = arith.constant 0 : i32
    %scan3A_3 = arith.constant 0 : i32
    %scan3A_4 = arith.constant 5 : i32
    %scan3A_5 = arith.addi %scan3A_3, %scan3A_4 : i32
    %scan3A_6 = arith.constant 1 : i32
    scf.for %scan3A_48 = %scan3A_3 to %scan3A_5 step %scan3A_6  : i32 {
      %mul3A_49 = arith.constant 125 : i32
      %mul3A_50 = arith.muli %scan3A_48, %mul3A_49 : i32
      %add3A_51 = arith.addi %mul3A_2, %mul3A_50 : i32
      "tpu.region"() ({
        %run_scoped3A = tpu.sem_alloc : memref<!tpu.dma_semaphore, #tpu.memory_space<semaphore_mem>>
        %dma_start3A_52 = arith.constant 0 : i32
        %dma_start3A_53 = tpu.memref_slice %arg5[%add3A_51, %dma_start3A_52] : memref<10000x64xf32, #tpu.memory_space<hbm>> -> memref<125x64xf32, #tpu.memory_space<hbm>>
        %dma_start3A_54 = arith.constant 0 : i32
        %dma_start3A_55 = tpu.memref_slice %arg5[%add3A_51, %dma_start3A_54] : memref<10000x64xf32, #tpu.memory_space<hbm>> -> memref<125x64xf32, #tpu.memory_space<hbm>>
        tpu.enqueue_dma source(%dma_start3A_55 : memref<125x64xf32, #tpu.memory_space<hbm>>) target(%arg13 : memref<125x64xf32, #tpu.memory_space<vmem>>) target_semaphore(%run_scoped3A : memref<!tpu.dma_semaphore, #tpu.memory_space<semaphore_mem>>)
        %dma_wait3A = arith.constant 0 : i32
        %dma_wait3A_56 = tpu.memref_slice %arg5[%add3A_51, %dma_wait3A] : memref<10000x64xf32, #tpu.memory_space<hbm>> -> memref<125x64xf32, #tpu.memory_space<hbm>>
        %dma_wait3A_57 = arith.constant 0 : i32
        %dma_wait3A_58 = tpu.memref_slice %arg5[%add3A_51, %dma_wait3A_57] : memref<10000x64xf32, #tpu.memory_space<hbm>> -> memref<125x64xf32, #tpu.memory_space<hbm>>
        tpu.wait_dma2 semaphore(%run_scoped3A : memref<!tpu.dma_semaphore, #tpu.memory_space<semaphore_mem>>) src(%dma_wait3A_58 : memref<125x64xf32, #tpu.memory_space<hbm>>) dst(%arg13 : memref<125x64xf32, #tpu.memory_space<vmem>>)
        tpu.yield
      }) : () -> ()
      "tpu.region"() ({
        %run_scoped3A = tpu.sem_alloc : memref<!tpu.dma_semaphore, #tpu.memory_space<semaphore_mem>>
        %dma_start3A_52 = arith.constant 0 : i32
        %dma_start3A_53 = tpu.memref_slice %arg14[%add3A_51, %dma_start3A_52] : memref<10000x64xf32, #tpu.memory_space<vmem_shared>> -> memref<125x64xf32, #tpu.memory_space<vmem_shared>>
        %dma_start3A_54 = arith.constant 0 : i32
        %dma_start3A_55 = tpu.memref_slice %arg14[%add3A_51, %dma_start3A_54] : memref<10000x64xf32, #tpu.memory_space<vmem_shared>> -> memref<125x64xf32, #tpu.memory_space<vmem_shared>>
        tpu.enqueue_dma source(%arg13 : memref<125x64xf32, #tpu.memory_space<vmem>>) target(%dma_start3A_55 : memref<125x64xf32, #tpu.memory_space<vmem_shared>>) target_semaphore(%run_scoped3A : memref<!tpu.dma_semaphore, #tpu.memory_space<semaphore_mem>>)
        %dma_wait3A = arith.constant 0 : i32
        %dma_wait3A_56 = tpu.memref_slice %arg14[%add3A_51, %dma_wait3A] : memref<10000x64xf32, #tpu.memory_space<vmem_shared>> -> memref<125x64xf32, #tpu.memory_space<vmem_shared>>
        %dma_wait3A_57 = arith.constant 0 : i32
        %dma_wait3A_58 = tpu.memref_slice %arg14[%add3A_51, %dma_wait3A_57] : memref<10000x64xf32, #tpu.memory_space<vmem_shared>> -> memref<125x64xf32, #tpu.memory_space<vmem_shared>>
        tpu.wait_dma2 semaphore(%run_scoped3A : memref<!tpu.dma_semaphore, #tpu.memory_space<semaphore_mem>>) src(%arg13 : memref<125x64xf32, #tpu.memory_space<vmem>>) dst(%dma_wait3A_58 : memref<125x64xf32, #tpu.memory_space<vmem_shared>>)
        tpu.yield
      }) : () -> ()
    }
    %scan3A_7 = arith.constant 5 : i32
    "tpu.region"() ({
      %run_scoped3A = tpu.sem_alloc : memref<!tpu.dma_semaphore, #tpu.memory_space<semaphore_mem>>
      %dma_start3A_48 = arith.constant 0 : i32
      %dma_start3A_49 = arith.constant 0 : i32
      %dma_start3A_50 = tpu.memref_slice %arg3[%add3A, %dma_start3A_48, %dma_start3A_49] : memref<32x80x125xi32, #tpu.memory_space<hbm>> -> memref<1x80x125xi32, #tpu.memory_space<hbm>>
      %dma_start3A_51 = tpu.memref_squeeze %dma_start3A_50 : memref<1x80x125xi32, #tpu.memory_space<hbm>> -> memref<80x125xi32, #tpu.memory_space<hbm>>
      %dma_start3A_52 = arith.constant 0 : i32
      %dma_start3A_53 = arith.constant 0 : i32
      %dma_start3A_54 = tpu.memref_slice %arg3[%add3A, %dma_start3A_52, %dma_start3A_53] : memref<32x80x125xi32, #tpu.memory_space<hbm>> -> memref<1x80x125xi32, #tpu.memory_space<hbm>>
      %dma_start3A_55 = tpu.memref_squeeze %dma_start3A_54 : memref<1x80x125xi32, #tpu.memory_space<hbm>> -> memref<80x125xi32, #tpu.memory_space<hbm>>
      tpu.enqueue_dma source(%dma_start3A_55 : memref<80x125xi32, #tpu.memory_space<hbm>>) target(%arg7 : memref<80x125xi32, #tpu.memory_space<vmem>>) target_semaphore(%run_scoped3A : memref<!tpu.dma_semaphore, #tpu.memory_space<semaphore_mem>>)
      %dma_wait3A = arith.constant 0 : i32
      %dma_wait3A_56 = arith.constant 0 : i32
      %dma_wait3A_57 = tpu.memref_slice %arg3[%add3A, %dma_wait3A, %dma_wait3A_56] : memref<32x80x125xi32, #tpu.memory_space<hbm>> -> memref<1x80x125xi32, #tpu.memory_space<hbm>>
      %dma_wait3A_58 = tpu.memref_squeeze %dma_wait3A_57 : memref<1x80x125xi32, #tpu.memory_space<hbm>> -> memref<80x125xi32, #tpu.memory_space<hbm>>
      %dma_wait3A_59 = arith.constant 0 : i32
      %dma_wait3A_60 = arith.constant 0 : i32
      %dma_wait3A_61 = tpu.memref_slice %arg3[%add3A, %dma_wait3A_59, %dma_wait3A_60] : memref<32x80x125xi32, #tpu.memory_space<hbm>> -> memref<1x80x125xi32, #tpu.memory_space<hbm>>
      %dma_wait3A_62 = tpu.memref_squeeze %dma_wait3A_61 : memref<1x80x125xi32, #tpu.memory_space<hbm>> -> memref<80x125xi32, #tpu.memory_space<hbm>>
      tpu.wait_dma2 semaphore(%run_scoped3A : memref<!tpu.dma_semaphore, #tpu.memory_space<semaphore_mem>>) src(%dma_wait3A_62 : memref<80x125xi32, #tpu.memory_space<hbm>>) dst(%arg7 : memref<80x125xi32, #tpu.memory_space<vmem>>)
      tpu.yield
    }) : () -> ()
    "tpu.region"() ({
      %run_scoped3A = tpu.sem_alloc : memref<!tpu.dma_semaphore, #tpu.memory_space<semaphore_mem>>
      %dma_start3A_48 = arith.constant 0 : i32
      %dma_start3A_49 = arith.constant 0 : i32
      %dma_start3A_50 = tpu.memref_slice %arg4[%add3A, %dma_start3A_48, %dma_start3A_49] : memref<32x80x125xi32, #tpu.memory_space<hbm>> -> memref<1x80x125xi32, #tpu.memory_space<hbm>>
      %dma_start3A_51 = tpu.memref_squeeze %dma_start3A_50 : memref<1x80x125xi32, #tpu.memory_space<hbm>> -> memref<80x125xi32, #tpu.memory_space<hbm>>
      %dma_start3A_52 = arith.constant 0 : i32
      %dma_start3A_53 = arith.constant 0 : i32
      %dma_start3A_54 = tpu.memref_slice %arg4[%add3A, %dma_start3A_52, %dma_start3A_53] : memref<32x80x125xi32, #tpu.memory_space<hbm>> -> memref<1x80x125xi32, #tpu.memory_space<hbm>>
      %dma_start3A_55 = tpu.memref_squeeze %dma_start3A_54 : memref<1x80x125xi32, #tpu.memory_space<hbm>> -> memref<80x125xi32, #tpu.memory_space<hbm>>
      tpu.enqueue_dma source(%dma_start3A_55 : memref<80x125xi32, #tpu.memory_space<hbm>>) target(%arg8 : memref<80x125xi32, #tpu.memory_space<vmem>>) target_semaphore(%run_scoped3A : memref<!tpu.dma_semaphore, #tpu.memory_space<semaphore_mem>>)
      %dma_wait3A = arith.constant 0 : i32
      %dma_wait3A_56 = arith.constant 0 : i32
      %dma_wait3A_57 = tpu.memref_slice %arg4[%add3A, %dma_wait3A, %dma_wait3A_56] : memref<32x80x125xi32, #tpu.memory_space<hbm>> -> memref<1x80x125xi32, #tpu.memory_space<hbm>>
      %dma_wait3A_58 = tpu.memref_squeeze %dma_wait3A_57 : memref<1x80x125xi32, #tpu.memory_space<hbm>> -> memref<80x125xi32, #tpu.memory_space<hbm>>
      %dma_wait3A_59 = arith.constant 0 : i32
      %dma_wait3A_60 = arith.constant 0 : i32
      %dma_wait3A_61 = tpu.memref_slice %arg4[%add3A, %dma_wait3A_59, %dma_wait3A_60] : memref<32x80x125xi32, #tpu.memory_space<hbm>> -> memref<1x80x125xi32, #tpu.memory_space<hbm>>
      %dma_wait3A_62 = tpu.memref_squeeze %dma_wait3A_61 : memref<1x80x125xi32, #tpu.memory_space<hbm>> -> memref<80x125xi32, #tpu.memory_space<hbm>>
      tpu.wait_dma2 semaphore(%run_scoped3A : memref<!tpu.dma_semaphore, #tpu.memory_space<semaphore_mem>>) src(%dma_wait3A_62 : memref<80x125xi32, #tpu.memory_space<hbm>>) dst(%arg8 : memref<80x125xi32, #tpu.memory_space<vmem>>)
      tpu.yield
    }) : () -> ()
    %barrier3A = arith.constant 0 : index
    tpu.barrier barrier_id(%barrier3A)
    %dma_start3A = arith.constant 0 : i32
    %dma_start3A_8 = arith.constant 0 : i32
    %dma_start3A_9 = tpu.memref_slice %arg7[%dma_start3A, %dma_start3A_8] : memref<80x125xi32, #tpu.memory_space<vmem>> -> memref<1x125xi32, #tpu.memory_space<vmem>>
    %dma_start3A_10 = tpu.memref_squeeze %dma_start3A_9 : memref<1x125xi32, #tpu.memory_space<vmem>> -> memref<125xi32, #tpu.memory_space<vmem>>
    %dma_start3A_11 = arith.constant 0 : i32
    %dma_start3A_12 = arith.constant 0 : i32
    %dma_start3A_13 = tpu.memref_slice %arg2[%dma_start3A_11, %dma_start3A_12] : memref<10000x64xf32, #tpu.memory_space<hbm>> -> memref<10000x64xf32, #tpu.memory_space<hbm>>
    tpu.enqueue_indirect_dma source(%dma_start3A_13 : memref<10000x64xf32, #tpu.memory_space<hbm>>) target(%arg9 : memref<125x64xf32, #tpu.memory_space<vmem>>) offsets(%dma_start3A_10 : memref<125xi32, #tpu.memory_space<vmem>>) semaphore(%arg15 : memref<!tpu.dma_semaphore, #tpu.memory_space<semaphore_mem>>)
    %dma_start3A_14 = arith.constant 1 : i32
    %dma_start3A_15 = arith.constant 0 : i32
    %dma_start3A_16 = tpu.memref_slice %arg7[%dma_start3A_14, %dma_start3A_15] : memref<80x125xi32, #tpu.memory_space<vmem>> -> memref<1x125xi32, #tpu.memory_space<vmem>>
    %dma_start3A_17 = tpu.memref_squeeze %dma_start3A_16 : memref<1x125xi32, #tpu.memory_space<vmem>> -> memref<125xi32, #tpu.memory_space<vmem>>
    %dma_start3A_18 = arith.constant 0 : i32
    %dma_start3A_19 = arith.constant 0 : i32
    %dma_start3A_20 = tpu.memref_slice %arg2[%dma_start3A_18, %dma_start3A_19] : memref<10000x64xf32, #tpu.memory_space<hbm>> -> memref<10000x64xf32, #tpu.memory_space<hbm>>
    tpu.enqueue_indirect_dma source(%dma_start3A_20 : memref<10000x64xf32, #tpu.memory_space<hbm>>) target(%arg10 : memref<125x64xf32, #tpu.memory_space<vmem>>) offsets(%dma_start3A_17 : memref<125xi32, #tpu.memory_space<vmem>>) semaphore(%arg16 : memref<!tpu.dma_semaphore, #tpu.memory_space<semaphore_mem>>)
    %dma_start3A_21 = arith.constant 2 : i32
    %dma_start3A_22 = arith.constant 0 : i32
    %dma_start3A_23 = tpu.memref_slice %arg7[%dma_start3A_21, %dma_start3A_22] : memref<80x125xi32, #tpu.memory_space<vmem>> -> memref<1x125xi32, #tpu.memory_space<vmem>>
    %dma_start3A_24 = tpu.memref_squeeze %dma_start3A_23 : memref<1x125xi32, #tpu.memory_space<vmem>> -> memref<125xi32, #tpu.memory_space<vmem>>
    %dma_start3A_25 = arith.constant 0 : i32
    %dma_start3A_26 = arith.constant 0 : i32
    %dma_start3A_27 = tpu.memref_slice %arg2[%dma_start3A_25, %dma_start3A_26] : memref<10000x64xf32, #tpu.memory_space<hbm>> -> memref<10000x64xf32, #tpu.memory_space<hbm>>
    tpu.enqueue_indirect_dma source(%dma_start3A_27 : memref<10000x64xf32, #tpu.memory_space<hbm>>) target(%arg11 : memref<125x64xf32, #tpu.memory_space<vmem>>) offsets(%dma_start3A_24 : memref<125xi32, #tpu.memory_space<vmem>>) semaphore(%arg17 : memref<!tpu.dma_semaphore, #tpu.memory_space<semaphore_mem>>)
    %dma_start3A_28 = arith.constant 3 : i32
    %dma_start3A_29 = arith.constant 0 : i32
    %dma_start3A_30 = tpu.memref_slice %arg7[%dma_start3A_28, %dma_start3A_29] : memref<80x125xi32, #tpu.memory_space<vmem>> -> memref<1x125xi32, #tpu.memory_space<vmem>>
    %dma_start3A_31 = tpu.memref_squeeze %dma_start3A_30 : memref<1x125xi32, #tpu.memory_space<vmem>> -> memref<125xi32, #tpu.memory_space<vmem>>
    %dma_start3A_32 = arith.constant 0 : i32
    %dma_start3A_33 = arith.constant 0 : i32
    %dma_start3A_34 = tpu.memref_slice %arg2[%dma_start3A_32, %dma_start3A_33] : memref<10000x64xf32, #tpu.memory_space<hbm>> -> memref<10000x64xf32, #tpu.memory_space<hbm>>
    tpu.enqueue_indirect_dma source(%dma_start3A_34 : memref<10000x64xf32, #tpu.memory_space<hbm>>) target(%arg12 : memref<125x64xf32, #tpu.memory_space<vmem>>) offsets(%dma_start3A_31 : memref<125xi32, #tpu.memory_space<vmem>>) semaphore(%arg18 : memref<!tpu.dma_semaphore, #tpu.memory_space<semaphore_mem>>)
    %scan3A_35 = arith.constant 0 : i32
    %scan3A_36 = arith.constant 0 : i32
    %scan3A_37 = arith.constant 20 : i32
    %scan3A_38 = arith.addi %scan3A_36, %scan3A_37 : i32
    %scan3A_39 = arith.constant 1 : i32
    scf.for %scan3A_48 = %scan3A_36 to %scan3A_38 step %scan3A_39  : i32 {
      %mul3A_49 = arith.constant 4 : i32
      %mul3A_50 = arith.muli %mul3A_49, %scan3A_48 : i32
      %add3A_51 = arith.constant 0 : i32
      %add3A_52 = arith.addi %mul3A_50, %add3A_51 : i32
      %dma_wait3A = arith.constant 0 : i32
      %dma_wait3A_53 = tpu.memref_slice %arg7[%add3A_52, %dma_wait3A] : memref<80x125xi32, #tpu.memory_space<vmem>> -> memref<1x125xi32, #tpu.memory_space<vmem>>
      %dma_wait3A_54 = tpu.memref_squeeze %dma_wait3A_53 : memref<1x125xi32, #tpu.memory_space<vmem>> -> memref<125xi32, #tpu.memory_space<vmem>>
      %dma_wait3A_55 = arith.constant 0 : i32
      %dma_wait3A_56 = arith.constant 0 : i32
      %dma_wait3A_57 = tpu.memref_slice %arg2[%dma_wait3A_55, %dma_wait3A_56] : memref<10000x64xf32, #tpu.memory_space<hbm>> -> memref<10000x64xf32, #tpu.memory_space<hbm>>
      tpu.wait_indirect_dma semaphore(%arg15 : memref<!tpu.dma_semaphore, #tpu.memory_space<semaphore_mem>>) src(%dma_wait3A_57 : memref<10000x64xf32, #tpu.memory_space<hbm>>) dst(%arg9 : memref<125x64xf32, #tpu.memory_space<vmem>>)
      "tpu.region"() ({
        %run_scoped3A = tpu.sem_alloc : memref<!tpu.dma_semaphore, #tpu.memory_space<semaphore_mem>>
        %dma_start3A_107 = arith.constant 0 : i32
        %dma_start3A_108 = tpu.memref_slice %arg8[%add3A_52, %dma_start3A_107] : memref<80x125xi32, #tpu.memory_space<vmem>> -> memref<1x125xi32, #tpu.memory_space<vmem>>
        %dma_start3A_109 = tpu.memref_squeeze %dma_start3A_108 : memref<1x125xi32, #tpu.memory_space<vmem>> -> memref<125xi32, #tpu.memory_space<vmem>>
        %dma_start3A_110 = arith.constant 0 : i32
        %dma_start3A_111 = arith.constant 0 : i32
        %dma_start3A_112 = tpu.memref_slice %arg14[%dma_start3A_110, %dma_start3A_111] : memref<10000x64xf32, #tpu.memory_space<vmem_shared>> -> memref<10000x64xf32, #tpu.memory_space<vmem_shared>>
        tpu.enqueue_indirect_dma source(%arg9 : memref<125x64xf32, #tpu.memory_space<vmem>>) target(%dma_start3A_112 : memref<10000x64xf32, #tpu.memory_space<vmem_shared>>) offsets(%dma_start3A_109 : memref<125xi32, #tpu.memory_space<vmem>>) semaphore(%run_scoped3A : memref<!tpu.dma_semaphore, #tpu.memory_space<semaphore_mem>>) {add = true}
        %dma_wait3A_113 = arith.constant 0 : i32
        %dma_wait3A_114 = tpu.memref_slice %arg8[%add3A_52, %dma_wait3A_113] : memref<80x125xi32, #tpu.memory_space<vmem>> -> memref<1x125xi32, #tpu.memory_space<vmem>>
        %dma_wait3A_115 = tpu.memref_squeeze %dma_wait3A_114 : memref<1x125xi32, #tpu.memory_space<vmem>> -> memref<125xi32, #tpu.memory_space<vmem>>
        %dma_wait3A_116 = arith.constant 0 : i32
        %dma_wait3A_117 = arith.constant 0 : i32
        %dma_wait3A_118 = tpu.memref_slice %arg14[%dma_wait3A_116, %dma_wait3A_117] : memref<10000x64xf32, #tpu.memory_space<vmem_shared>> -> memref<10000x64xf32, #tpu.memory_space<vmem_shared>>
        tpu.wait_indirect_dma semaphore(%run_scoped3A : memref<!tpu.dma_semaphore, #tpu.memory_space<semaphore_mem>>) src(%arg9 : memref<125x64xf32, #tpu.memory_space<vmem>>) dst(%dma_wait3A_118 : memref<10000x64xf32, #tpu.memory_space<vmem_shared>>)
        tpu.yield
      }) : () -> ()
      %add3A_58 = arith.constant 4 : i32
      %add3A_59 = arith.addi %add3A_52, %add3A_58 : i32
      %lt3A = arith.constant 80 : i32
      %lt3A_60 = arith.cmpi slt, %add3A_59, %lt3A : i32
      %convert_element_type3A = arith.extui %lt3A_60 : i1 to i32
      %cond3A = arith.constant 0 : i32
      %cond3A_61 = arith.cmpi ne, %convert_element_type3A, %cond3A : i32
      scf.if %cond3A_61 {
        %add3A_107 = arith.constant 4 : i32
        %add3A_108 = arith.addi %add3A_52, %add3A_107 : i32
        %dma_start3A_109 = arith.constant 0 : i32
        %dma_start3A_110 = tpu.memref_slice %arg7[%add3A_108, %dma_start3A_109] : memref<80x125xi32, #tpu.memory_space<vmem>> -> memref<1x125xi32, #tpu.memory_space<vmem>>
        %dma_start3A_111 = tpu.memref_squeeze %dma_start3A_110 : memref<1x125xi32, #tpu.memory_space<vmem>> -> memref<125xi32, #tpu.memory_space<vmem>>
        %dma_start3A_112 = arith.constant 0 : i32
        %dma_start3A_113 = arith.constant 0 : i32
        %dma_start3A_114 = tpu.memref_slice %arg2[%dma_start3A_112, %dma_start3A_113] : memref<10000x64xf32, #tpu.memory_space<hbm>> -> memref<10000x64xf32, #tpu.memory_space<hbm>>
        tpu.enqueue_indirect_dma source(%dma_start3A_114 : memref<10000x64xf32, #tpu.memory_space<hbm>>) target(%arg9 : memref<125x64xf32, #tpu.memory_space<vmem>>) offsets(%dma_start3A_111 : memref<125xi32, #tpu.memory_space<vmem>>) semaphore(%arg15 : memref<!tpu.dma_semaphore, #tpu.memory_space<semaphore_mem>>)
      } else {
      }
      %add3A_62 = arith.constant 1 : i32
      %add3A_63 = arith.addi %mul3A_50, %add3A_62 : i32
      %dma_wait3A_64 = arith.constant 0 : i32
      %dma_wait3A_65 = tpu.memref_slice %arg7[%add3A_63, %dma_wait3A_64] : memref<80x125xi32, #tpu.memory_space<vmem>> -> memref<1x125xi32, #tpu.memory_space<vmem>>
      %dma_wait3A_66 = tpu.memref_squeeze %dma_wait3A_65 : memref<1x125xi32, #tpu.memory_space<vmem>> -> memref<125xi32, #tpu.memory_space<vmem>>
      %dma_wait3A_67 = arith.constant 0 : i32
      %dma_wait3A_68 = arith.constant 0 : i32
      %dma_wait3A_69 = tpu.memref_slice %arg2[%dma_wait3A_67, %dma_wait3A_68] : memref<10000x64xf32, #tpu.memory_space<hbm>> -> memref<10000x64xf32, #tpu.memory_space<hbm>>
      tpu.wait_indirect_dma semaphore(%arg16 : memref<!tpu.dma_semaphore, #tpu.memory_space<semaphore_mem>>) src(%dma_wait3A_69 : memref<10000x64xf32, #tpu.memory_space<hbm>>) dst(%arg10 : memref<125x64xf32, #tpu.memory_space<vmem>>)
      "tpu.region"() ({
        %run_scoped3A = tpu.sem_alloc : memref<!tpu.dma_semaphore, #tpu.memory_space<semaphore_mem>>
        %dma_start3A_107 = arith.constant 0 : i32
        %dma_start3A_108 = tpu.memref_slice %arg8[%add3A_63, %dma_start3A_107] : memref<80x125xi32, #tpu.memory_space<vmem>> -> memref<1x125xi32, #tpu.memory_space<vmem>>
        %dma_start3A_109 = tpu.memref_squeeze %dma_start3A_108 : memref<1x125xi32, #tpu.memory_space<vmem>> -> memref<125xi32, #tpu.memory_space<vmem>>
        %dma_start3A_110 = arith.constant 0 : i32
        %dma_start3A_111 = arith.constant 0 : i32
        %dma_start3A_112 = tpu.memref_slice %arg14[%dma_start3A_110, %dma_start3A_111] : memref<10000x64xf32, #tpu.memory_space<vmem_shared>> -> memref<10000x64xf32, #tpu.memory_space<vmem_shared>>
        tpu.enqueue_indirect_dma source(%arg10 : memref<125x64xf32, #tpu.memory_space<vmem>>) target(%dma_start3A_112 : memref<10000x64xf32, #tpu.memory_space<vmem_shared>>) offsets(%dma_start3A_109 : memref<125xi32, #tpu.memory_space<vmem>>) semaphore(%run_scoped3A : memref<!tpu.dma_semaphore, #tpu.memory_space<semaphore_mem>>) {add = true}
        %dma_wait3A_113 = arith.constant 0 : i32
        %dma_wait3A_114 = tpu.memref_slice %arg8[%add3A_63, %dma_wait3A_113] : memref<80x125xi32, #tpu.memory_space<vmem>> -> memref<1x125xi32, #tpu.memory_space<vmem>>
        %dma_wait3A_115 = tpu.memref_squeeze %dma_wait3A_114 : memref<1x125xi32, #tpu.memory_space<vmem>> -> memref<125xi32, #tpu.memory_space<vmem>>
        %dma_wait3A_116 = arith.constant 0 : i32
        %dma_wait3A_117 = arith.constant 0 : i32
        %dma_wait3A_118 = tpu.memref_slice %arg14[%dma_wait3A_116, %dma_wait3A_117] : memref<10000x64xf32, #tpu.memory_space<vmem_shared>> -> memref<10000x64xf32, #tpu.memory_space<vmem_shared>>
        tpu.wait_indirect_dma semaphore(%run_scoped3A : memref<!tpu.dma_semaphore, #tpu.memory_space<semaphore_mem>>) src(%arg10 : memref<125x64xf32, #tpu.memory_space<vmem>>) dst(%dma_wait3A_118 : memref<10000x64xf32, #tpu.memory_space<vmem_shared>>)
        tpu.yield
      }) : () -> ()
      %add3A_70 = arith.constant 4 : i32
      %add3A_71 = arith.addi %add3A_63, %add3A_70 : i32
      %lt3A_72 = arith.constant 80 : i32
      %lt3A_73 = arith.cmpi slt, %add3A_71, %lt3A_72 : i32
      %convert_element_type3A_74 = arith.extui %lt3A_73 : i1 to i32
      %cond3A_75 = arith.constant 0 : i32
      %cond3A_76 = arith.cmpi ne, %convert_element_type3A_74, %cond3A_75 : i32
      scf.if %cond3A_76 {
        %add3A_107 = arith.constant 4 : i32
        %add3A_108 = arith.addi %add3A_63, %add3A_107 : i32
        %dma_start3A_109 = arith.constant 0 : i32
        %dma_start3A_110 = tpu.memref_slice %arg7[%add3A_108, %dma_start3A_109] : memref<80x125xi32, #tpu.memory_space<vmem>> -> memref<1x125xi32, #tpu.memory_space<vmem>>
        %dma_start3A_111 = tpu.memref_squeeze %dma_start3A_110 : memref<1x125xi32, #tpu.memory_space<vmem>> -> memref<125xi32, #tpu.memory_space<vmem>>
        %dma_start3A_112 = arith.constant 0 : i32
        %dma_start3A_113 = arith.constant 0 : i32
        %dma_start3A_114 = tpu.memref_slice %arg2[%dma_start3A_112, %dma_start3A_113] : memref<10000x64xf32, #tpu.memory_space<hbm>> -> memref<10000x64xf32, #tpu.memory_space<hbm>>
        tpu.enqueue_indirect_dma source(%dma_start3A_114 : memref<10000x64xf32, #tpu.memory_space<hbm>>) target(%arg10 : memref<125x64xf32, #tpu.memory_space<vmem>>) offsets(%dma_start3A_111 : memref<125xi32, #tpu.memory_space<vmem>>) semaphore(%arg16 : memref<!tpu.dma_semaphore, #tpu.memory_space<semaphore_mem>>)
      } else {
      }
      %add3A_77 = arith.constant 2 : i32
      %add3A_78 = arith.addi %mul3A_50, %add3A_77 : i32
      %dma_wait3A_79 = arith.constant 0 : i32
      %dma_wait3A_80 = tpu.memref_slice %arg7[%add3A_78, %dma_wait3A_79] : memref<80x125xi32, #tpu.memory_space<vmem>> -> memref<1x125xi32, #tpu.memory_space<vmem>>
      %dma_wait3A_81 = tpu.memref_squeeze %dma_wait3A_80 : memref<1x125xi32, #tpu.memory_space<vmem>> -> memref<125xi32, #tpu.memory_space<vmem>>
      %dma_wait3A_82 = arith.constant 0 : i32
      %dma_wait3A_83 = arith.constant 0 : i32
      %dma_wait3A_84 = tpu.memref_slice %arg2[%dma_wait3A_82, %dma_wait3A_83] : memref<10000x64xf32, #tpu.memory_space<hbm>> -> memref<10000x64xf32, #tpu.memory_space<hbm>>
      tpu.wait_indirect_dma semaphore(%arg17 : memref<!tpu.dma_semaphore, #tpu.memory_space<semaphore_mem>>) src(%dma_wait3A_84 : memref<10000x64xf32, #tpu.memory_space<hbm>>) dst(%arg11 : memref<125x64xf32, #tpu.memory_space<vmem>>)
      "tpu.region"() ({
        %run_scoped3A = tpu.sem_alloc : memref<!tpu.dma_semaphore, #tpu.memory_space<semaphore_mem>>
        %dma_start3A_107 = arith.constant 0 : i32
        %dma_start3A_108 = tpu.memref_slice %arg8[%add3A_78, %dma_start3A_107] : memref<80x125xi32, #tpu.memory_space<vmem>> -> memref<1x125xi32, #tpu.memory_space<vmem>>
        %dma_start3A_109 = tpu.memref_squeeze %dma_start3A_108 : memref<1x125xi32, #tpu.memory_space<vmem>> -> memref<125xi32, #tpu.memory_space<vmem>>
        %dma_start3A_110 = arith.constant 0 : i32
        %dma_start3A_111 = arith.constant 0 : i32
        %dma_start3A_112 = tpu.memref_slice %arg14[%dma_start3A_110, %dma_start3A_111] : memref<10000x64xf32, #tpu.memory_space<vmem_shared>> -> memref<10000x64xf32, #tpu.memory_space<vmem_shared>>
        tpu.enqueue_indirect_dma source(%arg11 : memref<125x64xf32, #tpu.memory_space<vmem>>) target(%dma_start3A_112 : memref<10000x64xf32, #tpu.memory_space<vmem_shared>>) offsets(%dma_start3A_109 : memref<125xi32, #tpu.memory_space<vmem>>) semaphore(%run_scoped3A : memref<!tpu.dma_semaphore, #tpu.memory_space<semaphore_mem>>) {add = true}
        %dma_wait3A_113 = arith.constant 0 : i32
        %dma_wait3A_114 = tpu.memref_slice %arg8[%add3A_78, %dma_wait3A_113] : memref<80x125xi32, #tpu.memory_space<vmem>> -> memref<1x125xi32, #tpu.memory_space<vmem>>
        %dma_wait3A_115 = tpu.memref_squeeze %dma_wait3A_114 : memref<1x125xi32, #tpu.memory_space<vmem>> -> memref<125xi32, #tpu.memory_space<vmem>>
        %dma_wait3A_116 = arith.constant 0 : i32
        %dma_wait3A_117 = arith.constant 0 : i32
        %dma_wait3A_118 = tpu.memref_slice %arg14[%dma_wait3A_116, %dma_wait3A_117] : memref<10000x64xf32, #tpu.memory_space<vmem_shared>> -> memref<10000x64xf32, #tpu.memory_space<vmem_shared>>
        tpu.wait_indirect_dma semaphore(%run_scoped3A : memref<!tpu.dma_semaphore, #tpu.memory_space<semaphore_mem>>) src(%arg11 : memref<125x64xf32, #tpu.memory_space<vmem>>) dst(%dma_wait3A_118 : memref<10000x64xf32, #tpu.memory_space<vmem_shared>>)
        tpu.yield
      }) : () -> ()
      %add3A_85 = arith.constant 4 : i32
      %add3A_86 = arith.addi %add3A_78, %add3A_85 : i32
      %lt3A_87 = arith.constant 80 : i32
      %lt3A_88 = arith.cmpi slt, %add3A_86, %lt3A_87 : i32
      %convert_element_type3A_89 = arith.extui %lt3A_88 : i1 to i32
      %cond3A_90 = arith.constant 0 : i32
      %cond3A_91 = arith.cmpi ne, %convert_element_type3A_89, %cond3A_90 : i32
      scf.if %cond3A_91 {
        %add3A_107 = arith.constant 4 : i32
        %add3A_108 = arith.addi %add3A_78, %add3A_107 : i32
        %dma_start3A_109 = arith.constant 0 : i32
        %dma_start3A_110 = tpu.memref_slice %arg7[%add3A_108, %dma_start3A_109] : memref<80x125xi32, #tpu.memory_space<vmem>> -> memref<1x125xi32, #tpu.memory_space<vmem>>
        %dma_start3A_111 = tpu.memref_squeeze %dma_start3A_110 : memref<1x125xi32, #tpu.memory_space<vmem>> -> memref<125xi32, #tpu.memory_space<vmem>>
        %dma_start3A_112 = arith.constant 0 : i32
        %dma_start3A_113 = arith.constant 0 : i32
        %dma_start3A_114 = tpu.memref_slice %arg2[%dma_start3A_112, %dma_start3A_113] : memref<10000x64xf32, #tpu.memory_space<hbm>> -> memref<10000x64xf32, #tpu.memory_space<hbm>>
        tpu.enqueue_indirect_dma source(%dma_start3A_114 : memref<10000x64xf32, #tpu.memory_space<hbm>>) target(%arg11 : memref<125x64xf32, #tpu.memory_space<vmem>>) offsets(%dma_start3A_111 : memref<125xi32, #tpu.memory_space<vmem>>) semaphore(%arg17 : memref<!tpu.dma_semaphore, #tpu.memory_space<semaphore_mem>>)
      } else {
      }
      %add3A_92 = arith.constant 3 : i32
      %add3A_93 = arith.addi %mul3A_50, %add3A_92 : i32
      %dma_wait3A_94 = arith.constant 0 : i32
      %dma_wait3A_95 = tpu.memref_slice %arg7[%add3A_93, %dma_wait3A_94] : memref<80x125xi32, #tpu.memory_space<vmem>> -> memref<1x125xi32, #tpu.memory_space<vmem>>
      %dma_wait3A_96 = tpu.memref_squeeze %dma_wait3A_95 : memref<1x125xi32, #tpu.memory_space<vmem>> -> memref<125xi32, #tpu.memory_space<vmem>>
      %dma_wait3A_97 = arith.constant 0 : i32
      %dma_wait3A_98 = arith.constant 0 : i32
      %dma_wait3A_99 = tpu.memref_slice %arg2[%dma_wait3A_97, %dma_wait3A_98] : memref<10000x64xf32, #tpu.memory_space<hbm>> -> memref<10000x64xf32, #tpu.memory_space<hbm>>
      tpu.wait_indirect_dma semaphore(%arg18 : memref<!tpu.dma_semaphore, #tpu.memory_space<semaphore_mem>>) src(%dma_wait3A_99 : memref<10000x64xf32, #tpu.memory_space<hbm>>) dst(%arg12 : memref<125x64xf32, #tpu.memory_space<vmem>>)
      "tpu.region"() ({
        %run_scoped3A = tpu.sem_alloc : memref<!tpu.dma_semaphore, #tpu.memory_space<semaphore_mem>>
        %dma_start3A_107 = arith.constant 0 : i32
        %dma_start3A_108 = tpu.memref_slice %arg8[%add3A_93, %dma_start3A_107] : memref<80x125xi32, #tpu.memory_space<vmem>> -> memref<1x125xi32, #tpu.memory_space<vmem>>
        %dma_start3A_109 = tpu.memref_squeeze %dma_start3A_108 : memref<1x125xi32, #tpu.memory_space<vmem>> -> memref<125xi32, #tpu.memory_space<vmem>>
        %dma_start3A_110 = arith.constant 0 : i32
        %dma_start3A_111 = arith.constant 0 : i32
        %dma_start3A_112 = tpu.memref_slice %arg14[%dma_start3A_110, %dma_start3A_111] : memref<10000x64xf32, #tpu.memory_space<vmem_shared>> -> memref<10000x64xf32, #tpu.memory_space<vmem_shared>>
        tpu.enqueue_indirect_dma source(%arg12 : memref<125x64xf32, #tpu.memory_space<vmem>>) target(%dma_start3A_112 : memref<10000x64xf32, #tpu.memory_space<vmem_shared>>) offsets(%dma_start3A_109 : memref<125xi32, #tpu.memory_space<vmem>>) semaphore(%run_scoped3A : memref<!tpu.dma_semaphore, #tpu.memory_space<semaphore_mem>>) {add = true}
        %dma_wait3A_113 = arith.constant 0 : i32
        %dma_wait3A_114 = tpu.memref_slice %arg8[%add3A_93, %dma_wait3A_113] : memref<80x125xi32, #tpu.memory_space<vmem>> -> memref<1x125xi32, #tpu.memory_space<vmem>>
        %dma_wait3A_115 = tpu.memref_squeeze %dma_wait3A_114 : memref<1x125xi32, #tpu.memory_space<vmem>> -> memref<125xi32, #tpu.memory_space<vmem>>
        %dma_wait3A_116 = arith.constant 0 : i32
        %dma_wait3A_117 = arith.constant 0 : i32
        %dma_wait3A_118 = tpu.memref_slice %arg14[%dma_wait3A_116, %dma_wait3A_117] : memref<10000x64xf32, #tpu.memory_space<vmem_shared>> -> memref<10000x64xf32, #tpu.memory_space<vmem_shared>>
        tpu.wait_indirect_dma semaphore(%run_scoped3A : memref<!tpu.dma_semaphore, #tpu.memory_space<semaphore_mem>>) src(%arg12 : memref<125x64xf32, #tpu.memory_space<vmem>>) dst(%dma_wait3A_118 : memref<10000x64xf32, #tpu.memory_space<vmem_shared>>)
        tpu.yield
      }) : () -> ()
      %add3A_100 = arith.constant 4 : i32
      %add3A_101 = arith.addi %add3A_93, %add3A_100 : i32
      %lt3A_102 = arith.constant 80 : i32
      %lt3A_103 = arith.cmpi slt, %add3A_101, %lt3A_102 : i32
      %convert_element_type3A_104 = arith.extui %lt3A_103 : i1 to i32
      %cond3A_105 = arith.constant 0 : i32
      %cond3A_106 = arith.cmpi ne, %convert_element_type3A_104, %cond3A_105 : i32
      scf.if %cond3A_106 {
        %add3A_107 = arith.constant 4 : i32
        %add3A_108 = arith.addi %add3A_93, %add3A_107 : i32
        %dma_start3A_109 = arith.constant 0 : i32
        %dma_start3A_110 = tpu.memref_slice %arg7[%add3A_108, %dma_start3A_109] : memref<80x125xi32, #tpu.memory_space<vmem>> -> memref<1x125xi32, #tpu.memory_space<vmem>>
        %dma_start3A_111 = tpu.memref_squeeze %dma_start3A_110 : memref<1x125xi32, #tpu.memory_space<vmem>> -> memref<125xi32, #tpu.memory_space<vmem>>
        %dma_start3A_112 = arith.constant 0 : i32
        %dma_start3A_113 = arith.constant 0 : i32
        %dma_start3A_114 = tpu.memref_slice %arg2[%dma_start3A_112, %dma_start3A_113] : memref<10000x64xf32, #tpu.memory_space<hbm>> -> memref<10000x64xf32, #tpu.memory_space<hbm>>
        tpu.enqueue_indirect_dma source(%dma_start3A_114 : memref<10000x64xf32, #tpu.memory_space<hbm>>) target(%arg12 : memref<125x64xf32, #tpu.memory_space<vmem>>) offsets(%dma_start3A_111 : memref<125xi32, #tpu.memory_space<vmem>>) semaphore(%arg18 : memref<!tpu.dma_semaphore, #tpu.memory_space<semaphore_mem>>)
      } else {
      }
    }
    %scan3A_40 = arith.constant 20 : i32
    %barrier3A_41 = arith.constant 0 : index
    tpu.barrier barrier_id(%barrier3A_41)
    %scan3A_42 = arith.constant 0 : i32
    %scan3A_43 = arith.constant 0 : i32
    %scan3A_44 = arith.constant 5 : i32
    %scan3A_45 = arith.addi %scan3A_43, %scan3A_44 : i32
    %scan3A_46 = arith.constant 1 : i32
    scf.for %scan3A_48 = %scan3A_43 to %scan3A_45 step %scan3A_46  : i32 {
      %mul3A_49 = arith.constant 125 : i32
      %mul3A_50 = arith.muli %scan3A_48, %mul3A_49 : i32
      %add3A_51 = arith.addi %mul3A_2, %mul3A_50 : i32
      "tpu.region"() ({
        %run_scoped3A = tpu.sem_alloc : memref<!tpu.dma_semaphore, #tpu.memory_space<semaphore_mem>>
        %dma_start3A_52 = arith.constant 0 : i32
        %dma_start3A_53 = tpu.memref_slice %arg14[%add3A_51, %dma_start3A_52] : memref<10000x64xf32, #tpu.memory_space<vmem_shared>> -> memref<125x64xf32, #tpu.memory_space<vmem_shared>>
        %dma_start3A_54 = arith.constant 0 : i32
        %dma_start3A_55 = tpu.memref_slice %arg14[%add3A_51, %dma_start3A_54] : memref<10000x64xf32, #tpu.memory_space<vmem_shared>> -> memref<125x64xf32, #tpu.memory_space<vmem_shared>>
        tpu.enqueue_dma source(%dma_start3A_55 : memref<125x64xf32, #tpu.memory_space<vmem_shared>>) target(%arg13 : memref<125x64xf32, #tpu.memory_space<vmem>>) target_semaphore(%run_scoped3A : memref<!tpu.dma_semaphore, #tpu.memory_space<semaphore_mem>>)
        %dma_wait3A = arith.constant 0 : i32
        %dma_wait3A_56 = tpu.memref_slice %arg14[%add3A_51, %dma_wait3A] : memref<10000x64xf32, #tpu.memory_space<vmem_shared>> -> memref<125x64xf32, #tpu.memory_space<vmem_shared>>
        %dma_wait3A_57 = arith.constant 0 : i32
        %dma_wait3A_58 = tpu.memref_slice %arg14[%add3A_51, %dma_wait3A_57] : memref<10000x64xf32, #tpu.memory_space<vmem_shared>> -> memref<125x64xf32, #tpu.memory_space<vmem_shared>>
        tpu.wait_dma2 semaphore(%run_scoped3A : memref<!tpu.dma_semaphore, #tpu.memory_space<semaphore_mem>>) src(%dma_wait3A_58 : memref<125x64xf32, #tpu.memory_space<vmem_shared>>) dst(%arg13 : memref<125x64xf32, #tpu.memory_space<vmem>>)
        tpu.yield
      }) : () -> ()
      "tpu.region"() ({
        %run_scoped3A = tpu.sem_alloc : memref<!tpu.dma_semaphore, #tpu.memory_space<semaphore_mem>>
        %dma_start3A_52 = arith.constant 0 : i32
        %dma_start3A_53 = tpu.memref_slice %arg6[%arg0, %add3A_51, %dma_start3A_52] : memref<2x10000x64xf32, #tpu.memory_space<hbm>> -> memref<1x125x64xf32, #tpu.memory_space<hbm>>
        %dma_start3A_54 = tpu.memref_squeeze %dma_start3A_53 : memref<1x125x64xf32, #tpu.memory_space<hbm>> -> memref<125x64xf32, #tpu.memory_space<hbm>>
        %dma_start3A_55 = arith.constant 0 : i32
        %dma_start3A_56 = tpu.memref_slice %arg6[%arg0, %add3A_51, %dma_start3A_55] : memref<2x10000x64xf32, #tpu.memory_space<hbm>> -> memref<1x125x64xf32, #tpu.memory_space<hbm>>
        %dma_start3A_57 = tpu.memref_squeeze %dma_start3A_56 : memref<1x125x64xf32, #tpu.memory_space<hbm>> -> memref<125x64xf32, #tpu.memory_space<hbm>>
        tpu.enqueue_dma source(%arg13 : memref<125x64xf32, #tpu.memory_space<vmem>>) target(%dma_start3A_57 : memref<125x64xf32, #tpu.memory_space<hbm>>) target_semaphore(%run_scoped3A : memref<!tpu.dma_semaphore, #tpu.memory_space<semaphore_mem>>)
        %dma_wait3A = arith.constant 0 : i32
        %dma_wait3A_58 = tpu.memref_slice %arg6[%arg0, %add3A_51, %dma_wait3A] : memref<2x10000x64xf32, #tpu.memory_space<hbm>> -> memref<1x125x64xf32, #tpu.memory_space<hbm>>
        %dma_wait3A_59 = tpu.memref_squeeze %dma_wait3A_58 : memref<1x125x64xf32, #tpu.memory_space<hbm>> -> memref<125x64xf32, #tpu.memory_space<hbm>>
        %dma_wait3A_60 = arith.constant 0 : i32
        %dma_wait3A_61 = tpu.memref_slice %arg6[%arg0, %add3A_51, %dma_wait3A_60] : memref<2x10000x64xf32, #tpu.memory_space<hbm>> -> memref<1x125x64xf32, #tpu.memory_space<hbm>>
        %dma_wait3A_62 = tpu.memref_squeeze %dma_wait3A_61 : memref<1x125x64xf32, #tpu.memory_space<hbm>> -> memref<125x64xf32, #tpu.memory_space<hbm>>
        tpu.wait_dma2 semaphore(%run_scoped3A : memref<!tpu.dma_semaphore, #tpu.memory_space<semaphore_mem>>) src(%arg13 : memref<125x64xf32, #tpu.memory_space<vmem>>) dst(%dma_wait3A_62 : memref<125x64xf32, #tpu.memory_space<hbm>>)
        tpu.yield
      }) : () -> ()
    }
    %scan3A_47 = arith.constant 5 : i32
    return
  }
}

#map = affine_map<(d0, d1) -> (0, 0)>
#map1 = affine_map<(d0, d1) -> (0, 0, 0)>
module attributes {stable_mosaic.version = 14 : i64} {
  func.func @sc_edge_aggregate64(%arg0: i32, %arg1: i32, %arg2: memref<10000x64xf32, #tpu.memory_space<hbm>>, %arg3: memref<32x80x125xi32, #tpu.memory_space<hbm>>, %arg4: memref<32x80x125xi32, #tpu.memory_space<hbm>>, %arg5: memref<10000x64xf32, #tpu.memory_space<hbm>>, %arg6: memref<2x10000x64xf32, #tpu.memory_space<hbm>>, %arg7: memref<80x125xi32, #tpu.memory_space<vmem>>, %arg8: memref<80x125xi32, #tpu.memory_space<vmem>>, %arg9: memref<125x64xf32, #tpu.memory_space<vmem>>, %arg10: memref<125x64xf32, #tpu.memory_space<vmem>>, %arg11: memref<125x64xf32, #tpu.memory_space<vmem>>, %arg12: memref<125x64xf32, #tpu.memory_space<vmem>>, %arg13: memref<125x64xf32, #tpu.memory_space<vmem>>, %arg14: memref<10000x64xf32, #tpu.memory_space<vmem_shared>>, %arg15: memref<!tpu.dma_semaphore, #tpu.memory_space<semaphore_mem>>, %arg16: memref<!tpu.dma_semaphore, #tpu.memory_space<semaphore_mem>>, %arg17: memref<!tpu.dma_semaphore, #tpu.memory_space<semaphore_mem>>, %arg18: memref<!tpu.dma_semaphore, #tpu.memory_space<semaphore_mem>>) attributes {dimension_semantics = [#tpu.dimension_semantics<core_parallel>, #tpu.dimension_semantics<subcore_parallel>], iteration_bounds = array<i64: 2, 16>, scalar_prefetch = 0 : i64, scratch_operands = 12 : i64, tpu.core_type = #tpu.core_type<sc_vector_subcore>, window_params = [{transform_indices = #map}, {transform_indices = #map1}, {transform_indices = #map1}, {transform_indices = #map}, {transform_indices = #map1}]} {
    %mul3A = arith.constant 16 : i32
    %mul3A_0 = arith.muli %arg0, %mul3A : i32
    %add3A = arith.addi %mul3A_0, %arg1 : i32
    %mul3A_1 = arith.constant 625 : i32
    %mul3A_2 = arith.muli %arg1, %mul3A_1 : i32
    %scan3A = arith.constant 0 : i32
    %scan3A_3 = arith.constant 0 : i32
    %scan3A_4 = arith.constant 5 : i32
    %scan3A_5 = arith.addi %scan3A_3, %scan3A_4 : i32
    %scan3A_6 = arith.constant 1 : i32
    scf.for %scan3A_48 = %scan3A_3 to %scan3A_5 step %scan3A_6  : i32 {
      %mul3A_49 = arith.constant 125 : i32
      %mul3A_50 = arith.muli %scan3A_48, %mul3A_49 : i32
      %add3A_51 = arith.addi %mul3A_2, %mul3A_50 : i32
      "tpu.region"() ({
        %run_scoped3A = tpu.sem_alloc : memref<!tpu.dma_semaphore, #tpu.memory_space<semaphore_mem>>
        %dma_start3A_52 = arith.constant 0 : i32
        %dma_start3A_53 = tpu.memref_slice %arg5[%add3A_51, %dma_start3A_52] : memref<10000x64xf32, #tpu.memory_space<hbm>> -> memref<125x64xf32, #tpu.memory_space<hbm>>
        %dma_start3A_54 = arith.constant 0 : i32
        %dma_start3A_55 = tpu.memref_slice %arg5[%add3A_51, %dma_start3A_54] : memref<10000x64xf32, #tpu.memory_space<hbm>> -> memref<125x64xf32, #tpu.memory_space<hbm>>
        tpu.enqueue_dma source(%dma_start3A_55 : memref<125x64xf32, #tpu.memory_space<hbm>>) target(%arg13 : memref<125x64xf32, #tpu.memory_space<vmem>>) target_semaphore(%run_scoped3A : memref<!tpu.dma_semaphore, #tpu.memory_space<semaphore_mem>>)
        %dma_wait3A = arith.constant 0 : i32
        %dma_wait3A_56 = tpu.memref_slice %arg5[%add3A_51, %dma_wait3A] : memref<10000x64xf32, #tpu.memory_space<hbm>> -> memref<125x64xf32, #tpu.memory_space<hbm>>
        %dma_wait3A_57 = arith.constant 0 : i32
        %dma_wait3A_58 = tpu.memref_slice %arg5[%add3A_51, %dma_wait3A_57] : memref<10000x64xf32, #tpu.memory_space<hbm>> -> memref<125x64xf32, #tpu.memory_space<hbm>>
        tpu.wait_dma2 semaphore(%run_scoped3A : memref<!tpu.dma_semaphore, #tpu.memory_space<semaphore_mem>>) src(%dma_wait3A_58 : memref<125x64xf32, #tpu.memory_space<hbm>>) dst(%arg13 : memref<125x64xf32, #tpu.memory_space<vmem>>)
        tpu.yield
      }) : () -> ()
      "tpu.region"() ({
        %run_scoped3A = tpu.sem_alloc : memref<!tpu.dma_semaphore, #tpu.memory_space<semaphore_mem>>
        %dma_start3A_52 = arith.constant 0 : i32
        %dma_start3A_53 = tpu.memref_slice %arg14[%add3A_51, %dma_start3A_52] : memref<10000x64xf32, #tpu.memory_space<vmem_shared>> -> memref<125x64xf32, #tpu.memory_space<vmem_shared>>
        %dma_start3A_54 = arith.constant 0 : i32
        %dma_start3A_55 = tpu.memref_slice %arg14[%add3A_51, %dma_start3A_54] : memref<10000x64xf32, #tpu.memory_space<vmem_shared>> -> memref<125x64xf32, #tpu.memory_space<vmem_shared>>
        tpu.enqueue_dma source(%arg13 : memref<125x64xf32, #tpu.memory_space<vmem>>) target(%dma_start3A_55 : memref<125x64xf32, #tpu.memory_space<vmem_shared>>) target_semaphore(%run_scoped3A : memref<!tpu.dma_semaphore, #tpu.memory_space<semaphore_mem>>)
        %dma_wait3A = arith.constant 0 : i32
        %dma_wait3A_56 = tpu.memref_slice %arg14[%add3A_51, %dma_wait3A] : memref<10000x64xf32, #tpu.memory_space<vmem_shared>> -> memref<125x64xf32, #tpu.memory_space<vmem_shared>>
        %dma_wait3A_57 = arith.constant 0 : i32
        %dma_wait3A_58 = tpu.memref_slice %arg14[%add3A_51, %dma_wait3A_57] : memref<10000x64xf32, #tpu.memory_space<vmem_shared>> -> memref<125x64xf32, #tpu.memory_space<vmem_shared>>
        tpu.wait_dma2 semaphore(%run_scoped3A : memref<!tpu.dma_semaphore, #tpu.memory_space<semaphore_mem>>) src(%arg13 : memref<125x64xf32, #tpu.memory_space<vmem>>) dst(%dma_wait3A_58 : memref<125x64xf32, #tpu.memory_space<vmem_shared>>)
        tpu.yield
      }) : () -> ()
    }
    %scan3A_7 = arith.constant 5 : i32
    "tpu.region"() ({
      %run_scoped3A = tpu.sem_alloc : memref<!tpu.dma_semaphore, #tpu.memory_space<semaphore_mem>>
      %dma_start3A_48 = arith.constant 0 : i32
      %dma_start3A_49 = arith.constant 0 : i32
      %dma_start3A_50 = tpu.memref_slice %arg3[%add3A, %dma_start3A_48, %dma_start3A_49] : memref<32x80x125xi32, #tpu.memory_space<hbm>> -> memref<1x80x125xi32, #tpu.memory_space<hbm>>
      %dma_start3A_51 = tpu.memref_squeeze %dma_start3A_50 : memref<1x80x125xi32, #tpu.memory_space<hbm>> -> memref<80x125xi32, #tpu.memory_space<hbm>>
      %dma_start3A_52 = arith.constant 0 : i32
      %dma_start3A_53 = arith.constant 0 : i32
      %dma_start3A_54 = tpu.memref_slice %arg3[%add3A, %dma_start3A_52, %dma_start3A_53] : memref<32x80x125xi32, #tpu.memory_space<hbm>> -> memref<1x80x125xi32, #tpu.memory_space<hbm>>
      %dma_start3A_55 = tpu.memref_squeeze %dma_start3A_54 : memref<1x80x125xi32, #tpu.memory_space<hbm>> -> memref<80x125xi32, #tpu.memory_space<hbm>>
      tpu.enqueue_dma source(%dma_start3A_55 : memref<80x125xi32, #tpu.memory_space<hbm>>) target(%arg7 : memref<80x125xi32, #tpu.memory_space<vmem>>) target_semaphore(%run_scoped3A : memref<!tpu.dma_semaphore, #tpu.memory_space<semaphore_mem>>)
      %dma_wait3A = arith.constant 0 : i32
      %dma_wait3A_56 = arith.constant 0 : i32
      %dma_wait3A_57 = tpu.memref_slice %arg3[%add3A, %dma_wait3A, %dma_wait3A_56] : memref<32x80x125xi32, #tpu.memory_space<hbm>> -> memref<1x80x125xi32, #tpu.memory_space<hbm>>
      %dma_wait3A_58 = tpu.memref_squeeze %dma_wait3A_57 : memref<1x80x125xi32, #tpu.memory_space<hbm>> -> memref<80x125xi32, #tpu.memory_space<hbm>>
      %dma_wait3A_59 = arith.constant 0 : i32
      %dma_wait3A_60 = arith.constant 0 : i32
      %dma_wait3A_61 = tpu.memref_slice %arg3[%add3A, %dma_wait3A_59, %dma_wait3A_60] : memref<32x80x125xi32, #tpu.memory_space<hbm>> -> memref<1x80x125xi32, #tpu.memory_space<hbm>>
      %dma_wait3A_62 = tpu.memref_squeeze %dma_wait3A_61 : memref<1x80x125xi32, #tpu.memory_space<hbm>> -> memref<80x125xi32, #tpu.memory_space<hbm>>
      tpu.wait_dma2 semaphore(%run_scoped3A : memref<!tpu.dma_semaphore, #tpu.memory_space<semaphore_mem>>) src(%dma_wait3A_62 : memref<80x125xi32, #tpu.memory_space<hbm>>) dst(%arg7 : memref<80x125xi32, #tpu.memory_space<vmem>>)
      tpu.yield
    }) : () -> ()
    "tpu.region"() ({
      %run_scoped3A = tpu.sem_alloc : memref<!tpu.dma_semaphore, #tpu.memory_space<semaphore_mem>>
      %dma_start3A_48 = arith.constant 0 : i32
      %dma_start3A_49 = arith.constant 0 : i32
      %dma_start3A_50 = tpu.memref_slice %arg4[%add3A, %dma_start3A_48, %dma_start3A_49] : memref<32x80x125xi32, #tpu.memory_space<hbm>> -> memref<1x80x125xi32, #tpu.memory_space<hbm>>
      %dma_start3A_51 = tpu.memref_squeeze %dma_start3A_50 : memref<1x80x125xi32, #tpu.memory_space<hbm>> -> memref<80x125xi32, #tpu.memory_space<hbm>>
      %dma_start3A_52 = arith.constant 0 : i32
      %dma_start3A_53 = arith.constant 0 : i32
      %dma_start3A_54 = tpu.memref_slice %arg4[%add3A, %dma_start3A_52, %dma_start3A_53] : memref<32x80x125xi32, #tpu.memory_space<hbm>> -> memref<1x80x125xi32, #tpu.memory_space<hbm>>
      %dma_start3A_55 = tpu.memref_squeeze %dma_start3A_54 : memref<1x80x125xi32, #tpu.memory_space<hbm>> -> memref<80x125xi32, #tpu.memory_space<hbm>>
      tpu.enqueue_dma source(%dma_start3A_55 : memref<80x125xi32, #tpu.memory_space<hbm>>) target(%arg8 : memref<80x125xi32, #tpu.memory_space<vmem>>) target_semaphore(%run_scoped3A : memref<!tpu.dma_semaphore, #tpu.memory_space<semaphore_mem>>)
      %dma_wait3A = arith.constant 0 : i32
      %dma_wait3A_56 = arith.constant 0 : i32
      %dma_wait3A_57 = tpu.memref_slice %arg4[%add3A, %dma_wait3A, %dma_wait3A_56] : memref<32x80x125xi32, #tpu.memory_space<hbm>> -> memref<1x80x125xi32, #tpu.memory_space<hbm>>
      %dma_wait3A_58 = tpu.memref_squeeze %dma_wait3A_57 : memref<1x80x125xi32, #tpu.memory_space<hbm>> -> memref<80x125xi32, #tpu.memory_space<hbm>>
      %dma_wait3A_59 = arith.constant 0 : i32
      %dma_wait3A_60 = arith.constant 0 : i32
      %dma_wait3A_61 = tpu.memref_slice %arg4[%add3A, %dma_wait3A_59, %dma_wait3A_60] : memref<32x80x125xi32, #tpu.memory_space<hbm>> -> memref<1x80x125xi32, #tpu.memory_space<hbm>>
      %dma_wait3A_62 = tpu.memref_squeeze %dma_wait3A_61 : memref<1x80x125xi32, #tpu.memory_space<hbm>> -> memref<80x125xi32, #tpu.memory_space<hbm>>
      tpu.wait_dma2 semaphore(%run_scoped3A : memref<!tpu.dma_semaphore, #tpu.memory_space<semaphore_mem>>) src(%dma_wait3A_62 : memref<80x125xi32, #tpu.memory_space<hbm>>) dst(%arg8 : memref<80x125xi32, #tpu.memory_space<vmem>>)
      tpu.yield
    }) : () -> ()
    %barrier3A = arith.constant 0 : index
    tpu.barrier barrier_id(%barrier3A)
    %dma_start3A = arith.constant 0 : i32
    %dma_start3A_8 = arith.constant 0 : i32
    %dma_start3A_9 = tpu.memref_slice %arg7[%dma_start3A, %dma_start3A_8] : memref<80x125xi32, #tpu.memory_space<vmem>> -> memref<1x125xi32, #tpu.memory_space<vmem>>
    %dma_start3A_10 = tpu.memref_squeeze %dma_start3A_9 : memref<1x125xi32, #tpu.memory_space<vmem>> -> memref<125xi32, #tpu.memory_space<vmem>>
    %dma_start3A_11 = arith.constant 0 : i32
    %dma_start3A_12 = arith.constant 0 : i32
    %dma_start3A_13 = tpu.memref_slice %arg2[%dma_start3A_11, %dma_start3A_12] : memref<10000x64xf32, #tpu.memory_space<hbm>> -> memref<10000x64xf32, #tpu.memory_space<hbm>>
    tpu.enqueue_indirect_dma source(%dma_start3A_13 : memref<10000x64xf32, #tpu.memory_space<hbm>>) target(%arg9 : memref<125x64xf32, #tpu.memory_space<vmem>>) offsets(%dma_start3A_10 : memref<125xi32, #tpu.memory_space<vmem>>) semaphore(%arg15 : memref<!tpu.dma_semaphore, #tpu.memory_space<semaphore_mem>>)
    %dma_start3A_14 = arith.constant 1 : i32
    %dma_start3A_15 = arith.constant 0 : i32
    %dma_start3A_16 = tpu.memref_slice %arg7[%dma_start3A_14, %dma_start3A_15] : memref<80x125xi32, #tpu.memory_space<vmem>> -> memref<1x125xi32, #tpu.memory_space<vmem>>
    %dma_start3A_17 = tpu.memref_squeeze %dma_start3A_16 : memref<1x125xi32, #tpu.memory_space<vmem>> -> memref<125xi32, #tpu.memory_space<vmem>>
    %dma_start3A_18 = arith.constant 0 : i32
    %dma_start3A_19 = arith.constant 0 : i32
    %dma_start3A_20 = tpu.memref_slice %arg2[%dma_start3A_18, %dma_start3A_19] : memref<10000x64xf32, #tpu.memory_space<hbm>> -> memref<10000x64xf32, #tpu.memory_space<hbm>>
    tpu.enqueue_indirect_dma source(%dma_start3A_20 : memref<10000x64xf32, #tpu.memory_space<hbm>>) target(%arg10 : memref<125x64xf32, #tpu.memory_space<vmem>>) offsets(%dma_start3A_17 : memref<125xi32, #tpu.memory_space<vmem>>) semaphore(%arg16 : memref<!tpu.dma_semaphore, #tpu.memory_space<semaphore_mem>>)
    %dma_start3A_21 = arith.constant 2 : i32
    %dma_start3A_22 = arith.constant 0 : i32
    %dma_start3A_23 = tpu.memref_slice %arg7[%dma_start3A_21, %dma_start3A_22] : memref<80x125xi32, #tpu.memory_space<vmem>> -> memref<1x125xi32, #tpu.memory_space<vmem>>
    %dma_start3A_24 = tpu.memref_squeeze %dma_start3A_23 : memref<1x125xi32, #tpu.memory_space<vmem>> -> memref<125xi32, #tpu.memory_space<vmem>>
    %dma_start3A_25 = arith.constant 0 : i32
    %dma_start3A_26 = arith.constant 0 : i32
    %dma_start3A_27 = tpu.memref_slice %arg2[%dma_start3A_25, %dma_start3A_26] : memref<10000x64xf32, #tpu.memory_space<hbm>> -> memref<10000x64xf32, #tpu.memory_space<hbm>>
    tpu.enqueue_indirect_dma source(%dma_start3A_27 : memref<10000x64xf32, #tpu.memory_space<hbm>>) target(%arg11 : memref<125x64xf32, #tpu.memory_space<vmem>>) offsets(%dma_start3A_24 : memref<125xi32, #tpu.memory_space<vmem>>) semaphore(%arg17 : memref<!tpu.dma_semaphore, #tpu.memory_space<semaphore_mem>>)
    %dma_start3A_28 = arith.constant 3 : i32
    %dma_start3A_29 = arith.constant 0 : i32
    %dma_start3A_30 = tpu.memref_slice %arg7[%dma_start3A_28, %dma_start3A_29] : memref<80x125xi32, #tpu.memory_space<vmem>> -> memref<1x125xi32, #tpu.memory_space<vmem>>
    %dma_start3A_31 = tpu.memref_squeeze %dma_start3A_30 : memref<1x125xi32, #tpu.memory_space<vmem>> -> memref<125xi32, #tpu.memory_space<vmem>>
    %dma_start3A_32 = arith.constant 0 : i32
    %dma_start3A_33 = arith.constant 0 : i32
    %dma_start3A_34 = tpu.memref_slice %arg2[%dma_start3A_32, %dma_start3A_33] : memref<10000x64xf32, #tpu.memory_space<hbm>> -> memref<10000x64xf32, #tpu.memory_space<hbm>>
    tpu.enqueue_indirect_dma source(%dma_start3A_34 : memref<10000x64xf32, #tpu.memory_space<hbm>>) target(%arg12 : memref<125x64xf32, #tpu.memory_space<vmem>>) offsets(%dma_start3A_31 : memref<125xi32, #tpu.memory_space<vmem>>) semaphore(%arg18 : memref<!tpu.dma_semaphore, #tpu.memory_space<semaphore_mem>>)
    %scan3A_35 = arith.constant 0 : i32
    %scan3A_36 = arith.constant 0 : i32
    %scan3A_37 = arith.constant 20 : i32
    %scan3A_38 = arith.addi %scan3A_36, %scan3A_37 : i32
    %scan3A_39 = arith.constant 1 : i32
    scf.for %scan3A_48 = %scan3A_36 to %scan3A_38 step %scan3A_39  : i32 {
      %mul3A_49 = arith.constant 4 : i32
      %mul3A_50 = arith.muli %mul3A_49, %scan3A_48 : i32
      %add3A_51 = arith.constant 0 : i32
      %add3A_52 = arith.addi %mul3A_50, %add3A_51 : i32
      %dma_wait3A = arith.constant 0 : i32
      %dma_wait3A_53 = tpu.memref_slice %arg7[%add3A_52, %dma_wait3A] : memref<80x125xi32, #tpu.memory_space<vmem>> -> memref<1x125xi32, #tpu.memory_space<vmem>>
      %dma_wait3A_54 = tpu.memref_squeeze %dma_wait3A_53 : memref<1x125xi32, #tpu.memory_space<vmem>> -> memref<125xi32, #tpu.memory_space<vmem>>
      %dma_wait3A_55 = arith.constant 0 : i32
      %dma_wait3A_56 = arith.constant 0 : i32
      %dma_wait3A_57 = tpu.memref_slice %arg2[%dma_wait3A_55, %dma_wait3A_56] : memref<10000x64xf32, #tpu.memory_space<hbm>> -> memref<10000x64xf32, #tpu.memory_space<hbm>>
      tpu.wait_indirect_dma semaphore(%arg15 : memref<!tpu.dma_semaphore, #tpu.memory_space<semaphore_mem>>) src(%dma_wait3A_57 : memref<10000x64xf32, #tpu.memory_space<hbm>>) dst(%arg9 : memref<125x64xf32, #tpu.memory_space<vmem>>)
      "tpu.region"() ({
        %run_scoped3A = tpu.sem_alloc : memref<!tpu.dma_semaphore, #tpu.memory_space<semaphore_mem>>
        %dma_start3A_107 = arith.constant 0 : i32
        %dma_start3A_108 = tpu.memref_slice %arg8[%add3A_52, %dma_start3A_107] : memref<80x125xi32, #tpu.memory_space<vmem>> -> memref<1x125xi32, #tpu.memory_space<vmem>>
        %dma_start3A_109 = tpu.memref_squeeze %dma_start3A_108 : memref<1x125xi32, #tpu.memory_space<vmem>> -> memref<125xi32, #tpu.memory_space<vmem>>
        %dma_start3A_110 = arith.constant 0 : i32
        %dma_start3A_111 = arith.constant 0 : i32
        %dma_start3A_112 = tpu.memref_slice %arg14[%dma_start3A_110, %dma_start3A_111] : memref<10000x64xf32, #tpu.memory_space<vmem_shared>> -> memref<10000x64xf32, #tpu.memory_space<vmem_shared>>
        tpu.enqueue_indirect_dma source(%arg9 : memref<125x64xf32, #tpu.memory_space<vmem>>) target(%dma_start3A_112 : memref<10000x64xf32, #tpu.memory_space<vmem_shared>>) offsets(%dma_start3A_109 : memref<125xi32, #tpu.memory_space<vmem>>) semaphore(%run_scoped3A : memref<!tpu.dma_semaphore, #tpu.memory_space<semaphore_mem>>) {add = true}
        %dma_wait3A_113 = arith.constant 0 : i32
        %dma_wait3A_114 = tpu.memref_slice %arg8[%add3A_52, %dma_wait3A_113] : memref<80x125xi32, #tpu.memory_space<vmem>> -> memref<1x125xi32, #tpu.memory_space<vmem>>
        %dma_wait3A_115 = tpu.memref_squeeze %dma_wait3A_114 : memref<1x125xi32, #tpu.memory_space<vmem>> -> memref<125xi32, #tpu.memory_space<vmem>>
        %dma_wait3A_116 = arith.constant 0 : i32
        %dma_wait3A_117 = arith.constant 0 : i32
        %dma_wait3A_118 = tpu.memref_slice %arg14[%dma_wait3A_116, %dma_wait3A_117] : memref<10000x64xf32, #tpu.memory_space<vmem_shared>> -> memref<10000x64xf32, #tpu.memory_space<vmem_shared>>
        tpu.wait_indirect_dma semaphore(%run_scoped3A : memref<!tpu.dma_semaphore, #tpu.memory_space<semaphore_mem>>) src(%arg9 : memref<125x64xf32, #tpu.memory_space<vmem>>) dst(%dma_wait3A_118 : memref<10000x64xf32, #tpu.memory_space<vmem_shared>>)
        tpu.yield
      }) : () -> ()
      %add3A_58 = arith.constant 4 : i32
      %add3A_59 = arith.addi %add3A_52, %add3A_58 : i32
      %lt3A = arith.constant 80 : i32
      %lt3A_60 = arith.cmpi slt, %add3A_59, %lt3A : i32
      %convert_element_type3A = arith.extui %lt3A_60 : i1 to i32
      %cond3A = arith.constant 0 : i32
      %cond3A_61 = arith.cmpi ne, %convert_element_type3A, %cond3A : i32
      scf.if %cond3A_61 {
        %add3A_107 = arith.constant 4 : i32
        %add3A_108 = arith.addi %add3A_52, %add3A_107 : i32
        %dma_start3A_109 = arith.constant 0 : i32
        %dma_start3A_110 = tpu.memref_slice %arg7[%add3A_108, %dma_start3A_109] : memref<80x125xi32, #tpu.memory_space<vmem>> -> memref<1x125xi32, #tpu.memory_space<vmem>>
        %dma_start3A_111 = tpu.memref_squeeze %dma_start3A_110 : memref<1x125xi32, #tpu.memory_space<vmem>> -> memref<125xi32, #tpu.memory_space<vmem>>
        %dma_start3A_112 = arith.constant 0 : i32
        %dma_start3A_113 = arith.constant 0 : i32
        %dma_start3A_114 = tpu.memref_slice %arg2[%dma_start3A_112, %dma_start3A_113] : memref<10000x64xf32, #tpu.memory_space<hbm>> -> memref<10000x64xf32, #tpu.memory_space<hbm>>
        tpu.enqueue_indirect_dma source(%dma_start3A_114 : memref<10000x64xf32, #tpu.memory_space<hbm>>) target(%arg9 : memref<125x64xf32, #tpu.memory_space<vmem>>) offsets(%dma_start3A_111 : memref<125xi32, #tpu.memory_space<vmem>>) semaphore(%arg15 : memref<!tpu.dma_semaphore, #tpu.memory_space<semaphore_mem>>)
      } else {
      }
      %add3A_62 = arith.constant 1 : i32
      %add3A_63 = arith.addi %mul3A_50, %add3A_62 : i32
      %dma_wait3A_64 = arith.constant 0 : i32
      %dma_wait3A_65 = tpu.memref_slice %arg7[%add3A_63, %dma_wait3A_64] : memref<80x125xi32, #tpu.memory_space<vmem>> -> memref<1x125xi32, #tpu.memory_space<vmem>>
      %dma_wait3A_66 = tpu.memref_squeeze %dma_wait3A_65 : memref<1x125xi32, #tpu.memory_space<vmem>> -> memref<125xi32, #tpu.memory_space<vmem>>
      %dma_wait3A_67 = arith.constant 0 : i32
      %dma_wait3A_68 = arith.constant 0 : i32
      %dma_wait3A_69 = tpu.memref_slice %arg2[%dma_wait3A_67, %dma_wait3A_68] : memref<10000x64xf32, #tpu.memory_space<hbm>> -> memref<10000x64xf32, #tpu.memory_space<hbm>>
      tpu.wait_indirect_dma semaphore(%arg16 : memref<!tpu.dma_semaphore, #tpu.memory_space<semaphore_mem>>) src(%dma_wait3A_69 : memref<10000x64xf32, #tpu.memory_space<hbm>>) dst(%arg10 : memref<125x64xf32, #tpu.memory_space<vmem>>)
      "tpu.region"() ({
        %run_scoped3A = tpu.sem_alloc : memref<!tpu.dma_semaphore, #tpu.memory_space<semaphore_mem>>
        %dma_start3A_107 = arith.constant 0 : i32
        %dma_start3A_108 = tpu.memref_slice %arg8[%add3A_63, %dma_start3A_107] : memref<80x125xi32, #tpu.memory_space<vmem>> -> memref<1x125xi32, #tpu.memory_space<vmem>>
        %dma_start3A_109 = tpu.memref_squeeze %dma_start3A_108 : memref<1x125xi32, #tpu.memory_space<vmem>> -> memref<125xi32, #tpu.memory_space<vmem>>
        %dma_start3A_110 = arith.constant 0 : i32
        %dma_start3A_111 = arith.constant 0 : i32
        %dma_start3A_112 = tpu.memref_slice %arg14[%dma_start3A_110, %dma_start3A_111] : memref<10000x64xf32, #tpu.memory_space<vmem_shared>> -> memref<10000x64xf32, #tpu.memory_space<vmem_shared>>
        tpu.enqueue_indirect_dma source(%arg10 : memref<125x64xf32, #tpu.memory_space<vmem>>) target(%dma_start3A_112 : memref<10000x64xf32, #tpu.memory_space<vmem_shared>>) offsets(%dma_start3A_109 : memref<125xi32, #tpu.memory_space<vmem>>) semaphore(%run_scoped3A : memref<!tpu.dma_semaphore, #tpu.memory_space<semaphore_mem>>) {add = true}
        %dma_wait3A_113 = arith.constant 0 : i32
        %dma_wait3A_114 = tpu.memref_slice %arg8[%add3A_63, %dma_wait3A_113] : memref<80x125xi32, #tpu.memory_space<vmem>> -> memref<1x125xi32, #tpu.memory_space<vmem>>
        %dma_wait3A_115 = tpu.memref_squeeze %dma_wait3A_114 : memref<1x125xi32, #tpu.memory_space<vmem>> -> memref<125xi32, #tpu.memory_space<vmem>>
        %dma_wait3A_116 = arith.constant 0 : i32
        %dma_wait3A_117 = arith.constant 0 : i32
        %dma_wait3A_118 = tpu.memref_slice %arg14[%dma_wait3A_116, %dma_wait3A_117] : memref<10000x64xf32, #tpu.memory_space<vmem_shared>> -> memref<10000x64xf32, #tpu.memory_space<vmem_shared>>
        tpu.wait_indirect_dma semaphore(%run_scoped3A : memref<!tpu.dma_semaphore, #tpu.memory_space<semaphore_mem>>) src(%arg10 : memref<125x64xf32, #tpu.memory_space<vmem>>) dst(%dma_wait3A_118 : memref<10000x64xf32, #tpu.memory_space<vmem_shared>>)
        tpu.yield
      }) : () -> ()
      %add3A_70 = arith.constant 4 : i32
      %add3A_71 = arith.addi %add3A_63, %add3A_70 : i32
      %lt3A_72 = arith.constant 80 : i32
      %lt3A_73 = arith.cmpi slt, %add3A_71, %lt3A_72 : i32
      %convert_element_type3A_74 = arith.extui %lt3A_73 : i1 to i32
      %cond3A_75 = arith.constant 0 : i32
      %cond3A_76 = arith.cmpi ne, %convert_element_type3A_74, %cond3A_75 : i32
      scf.if %cond3A_76 {
        %add3A_107 = arith.constant 4 : i32
        %add3A_108 = arith.addi %add3A_63, %add3A_107 : i32
        %dma_start3A_109 = arith.constant 0 : i32
        %dma_start3A_110 = tpu.memref_slice %arg7[%add3A_108, %dma_start3A_109] : memref<80x125xi32, #tpu.memory_space<vmem>> -> memref<1x125xi32, #tpu.memory_space<vmem>>
        %dma_start3A_111 = tpu.memref_squeeze %dma_start3A_110 : memref<1x125xi32, #tpu.memory_space<vmem>> -> memref<125xi32, #tpu.memory_space<vmem>>
        %dma_start3A_112 = arith.constant 0 : i32
        %dma_start3A_113 = arith.constant 0 : i32
        %dma_start3A_114 = tpu.memref_slice %arg2[%dma_start3A_112, %dma_start3A_113] : memref<10000x64xf32, #tpu.memory_space<hbm>> -> memref<10000x64xf32, #tpu.memory_space<hbm>>
        tpu.enqueue_indirect_dma source(%dma_start3A_114 : memref<10000x64xf32, #tpu.memory_space<hbm>>) target(%arg10 : memref<125x64xf32, #tpu.memory_space<vmem>>) offsets(%dma_start3A_111 : memref<125xi32, #tpu.memory_space<vmem>>) semaphore(%arg16 : memref<!tpu.dma_semaphore, #tpu.memory_space<semaphore_mem>>)
      } else {
      }
      %add3A_77 = arith.constant 2 : i32
      %add3A_78 = arith.addi %mul3A_50, %add3A_77 : i32
      %dma_wait3A_79 = arith.constant 0 : i32
      %dma_wait3A_80 = tpu.memref_slice %arg7[%add3A_78, %dma_wait3A_79] : memref<80x125xi32, #tpu.memory_space<vmem>> -> memref<1x125xi32, #tpu.memory_space<vmem>>
      %dma_wait3A_81 = tpu.memref_squeeze %dma_wait3A_80 : memref<1x125xi32, #tpu.memory_space<vmem>> -> memref<125xi32, #tpu.memory_space<vmem>>
      %dma_wait3A_82 = arith.constant 0 : i32
      %dma_wait3A_83 = arith.constant 0 : i32
      %dma_wait3A_84 = tpu.memref_slice %arg2[%dma_wait3A_82, %dma_wait3A_83] : memref<10000x64xf32, #tpu.memory_space<hbm>> -> memref<10000x64xf32, #tpu.memory_space<hbm>>
      tpu.wait_indirect_dma semaphore(%arg17 : memref<!tpu.dma_semaphore, #tpu.memory_space<semaphore_mem>>) src(%dma_wait3A_84 : memref<10000x64xf32, #tpu.memory_space<hbm>>) dst(%arg11 : memref<125x64xf32, #tpu.memory_space<vmem>>)
      "tpu.region"() ({
        %run_scoped3A = tpu.sem_alloc : memref<!tpu.dma_semaphore, #tpu.memory_space<semaphore_mem>>
        %dma_start3A_107 = arith.constant 0 : i32
        %dma_start3A_108 = tpu.memref_slice %arg8[%add3A_78, %dma_start3A_107] : memref<80x125xi32, #tpu.memory_space<vmem>> -> memref<1x125xi32, #tpu.memory_space<vmem>>
        %dma_start3A_109 = tpu.memref_squeeze %dma_start3A_108 : memref<1x125xi32, #tpu.memory_space<vmem>> -> memref<125xi32, #tpu.memory_space<vmem>>
        %dma_start3A_110 = arith.constant 0 : i32
        %dma_start3A_111 = arith.constant 0 : i32
        %dma_start3A_112 = tpu.memref_slice %arg14[%dma_start3A_110, %dma_start3A_111] : memref<10000x64xf32, #tpu.memory_space<vmem_shared>> -> memref<10000x64xf32, #tpu.memory_space<vmem_shared>>
        tpu.enqueue_indirect_dma source(%arg11 : memref<125x64xf32, #tpu.memory_space<vmem>>) target(%dma_start3A_112 : memref<10000x64xf32, #tpu.memory_space<vmem_shared>>) offsets(%dma_start3A_109 : memref<125xi32, #tpu.memory_space<vmem>>) semaphore(%run_scoped3A : memref<!tpu.dma_semaphore, #tpu.memory_space<semaphore_mem>>) {add = true}
        %dma_wait3A_113 = arith.constant 0 : i32
        %dma_wait3A_114 = tpu.memref_slice %arg8[%add3A_78, %dma_wait3A_113] : memref<80x125xi32, #tpu.memory_space<vmem>> -> memref<1x125xi32, #tpu.memory_space<vmem>>
        %dma_wait3A_115 = tpu.memref_squeeze %dma_wait3A_114 : memref<1x125xi32, #tpu.memory_space<vmem>> -> memref<125xi32, #tpu.memory_space<vmem>>
        %dma_wait3A_116 = arith.constant 0 : i32
        %dma_wait3A_117 = arith.constant 0 : i32
        %dma_wait3A_118 = tpu.memref_slice %arg14[%dma_wait3A_116, %dma_wait3A_117] : memref<10000x64xf32, #tpu.memory_space<vmem_shared>> -> memref<10000x64xf32, #tpu.memory_space<vmem_shared>>
        tpu.wait_indirect_dma semaphore(%run_scoped3A : memref<!tpu.dma_semaphore, #tpu.memory_space<semaphore_mem>>) src(%arg11 : memref<125x64xf32, #tpu.memory_space<vmem>>) dst(%dma_wait3A_118 : memref<10000x64xf32, #tpu.memory_space<vmem_shared>>)
        tpu.yield
      }) : () -> ()
      %add3A_85 = arith.constant 4 : i32
      %add3A_86 = arith.addi %add3A_78, %add3A_85 : i32
      %lt3A_87 = arith.constant 80 : i32
      %lt3A_88 = arith.cmpi slt, %add3A_86, %lt3A_87 : i32
      %convert_element_type3A_89 = arith.extui %lt3A_88 : i1 to i32
      %cond3A_90 = arith.constant 0 : i32
      %cond3A_91 = arith.cmpi ne, %convert_element_type3A_89, %cond3A_90 : i32
      scf.if %cond3A_91 {
        %add3A_107 = arith.constant 4 : i32
        %add3A_108 = arith.addi %add3A_78, %add3A_107 : i32
        %dma_start3A_109 = arith.constant 0 : i32
        %dma_start3A_110 = tpu.memref_slice %arg7[%add3A_108, %dma_start3A_109] : memref<80x125xi32, #tpu.memory_space<vmem>> -> memref<1x125xi32, #tpu.memory_space<vmem>>
        %dma_start3A_111 = tpu.memref_squeeze %dma_start3A_110 : memref<1x125xi32, #tpu.memory_space<vmem>> -> memref<125xi32, #tpu.memory_space<vmem>>
        %dma_start3A_112 = arith.constant 0 : i32
        %dma_start3A_113 = arith.constant 0 : i32
        %dma_start3A_114 = tpu.memref_slice %arg2[%dma_start3A_112, %dma_start3A_113] : memref<10000x64xf32, #tpu.memory_space<hbm>> -> memref<10000x64xf32, #tpu.memory_space<hbm>>
        tpu.enqueue_indirect_dma source(%dma_start3A_114 : memref<10000x64xf32, #tpu.memory_space<hbm>>) target(%arg11 : memref<125x64xf32, #tpu.memory_space<vmem>>) offsets(%dma_start3A_111 : memref<125xi32, #tpu.memory_space<vmem>>) semaphore(%arg17 : memref<!tpu.dma_semaphore, #tpu.memory_space<semaphore_mem>>)
      } else {
      }
      %add3A_92 = arith.constant 3 : i32
      %add3A_93 = arith.addi %mul3A_50, %add3A_92 : i32
      %dma_wait3A_94 = arith.constant 0 : i32
      %dma_wait3A_95 = tpu.memref_slice %arg7[%add3A_93, %dma_wait3A_94] : memref<80x125xi32, #tpu.memory_space<vmem>> -> memref<1x125xi32, #tpu.memory_space<vmem>>
      %dma_wait3A_96 = tpu.memref_squeeze %dma_wait3A_95 : memref<1x125xi32, #tpu.memory_space<vmem>> -> memref<125xi32, #tpu.memory_space<vmem>>
      %dma_wait3A_97 = arith.constant 0 : i32
      %dma_wait3A_98 = arith.constant 0 : i32
      %dma_wait3A_99 = tpu.memref_slice %arg2[%dma_wait3A_97, %dma_wait3A_98] : memref<10000x64xf32, #tpu.memory_space<hbm>> -> memref<10000x64xf32, #tpu.memory_space<hbm>>
      tpu.wait_indirect_dma semaphore(%arg18 : memref<!tpu.dma_semaphore, #tpu.memory_space<semaphore_mem>>) src(%dma_wait3A_99 : memref<10000x64xf32, #tpu.memory_space<hbm>>) dst(%arg12 : memref<125x64xf32, #tpu.memory_space<vmem>>)
      "tpu.region"() ({
        %run_scoped3A = tpu.sem_alloc : memref<!tpu.dma_semaphore, #tpu.memory_space<semaphore_mem>>
        %dma_start3A_107 = arith.constant 0 : i32
        %dma_start3A_108 = tpu.memref_slice %arg8[%add3A_93, %dma_start3A_107] : memref<80x125xi32, #tpu.memory_space<vmem>> -> memref<1x125xi32, #tpu.memory_space<vmem>>
        %dma_start3A_109 = tpu.memref_squeeze %dma_start3A_108 : memref<1x125xi32, #tpu.memory_space<vmem>> -> memref<125xi32, #tpu.memory_space<vmem>>
        %dma_start3A_110 = arith.constant 0 : i32
        %dma_start3A_111 = arith.constant 0 : i32
        %dma_start3A_112 = tpu.memref_slice %arg14[%dma_start3A_110, %dma_start3A_111] : memref<10000x64xf32, #tpu.memory_space<vmem_shared>> -> memref<10000x64xf32, #tpu.memory_space<vmem_shared>>
        tpu.enqueue_indirect_dma source(%arg12 : memref<125x64xf32, #tpu.memory_space<vmem>>) target(%dma_start3A_112 : memref<10000x64xf32, #tpu.memory_space<vmem_shared>>) offsets(%dma_start3A_109 : memref<125xi32, #tpu.memory_space<vmem>>) semaphore(%run_scoped3A : memref<!tpu.dma_semaphore, #tpu.memory_space<semaphore_mem>>) {add = true}
        %dma_wait3A_113 = arith.constant 0 : i32
        %dma_wait3A_114 = tpu.memref_slice %arg8[%add3A_93, %dma_wait3A_113] : memref<80x125xi32, #tpu.memory_space<vmem>> -> memref<1x125xi32, #tpu.memory_space<vmem>>
        %dma_wait3A_115 = tpu.memref_squeeze %dma_wait3A_114 : memref<1x125xi32, #tpu.memory_space<vmem>> -> memref<125xi32, #tpu.memory_space<vmem>>
        %dma_wait3A_116 = arith.constant 0 : i32
        %dma_wait3A_117 = arith.constant 0 : i32
        %dma_wait3A_118 = tpu.memref_slice %arg14[%dma_wait3A_116, %dma_wait3A_117] : memref<10000x64xf32, #tpu.memory_space<vmem_shared>> -> memref<10000x64xf32, #tpu.memory_space<vmem_shared>>
        tpu.wait_indirect_dma semaphore(%run_scoped3A : memref<!tpu.dma_semaphore, #tpu.memory_space<semaphore_mem>>) src(%arg12 : memref<125x64xf32, #tpu.memory_space<vmem>>) dst(%dma_wait3A_118 : memref<10000x64xf32, #tpu.memory_space<vmem_shared>>)
        tpu.yield
      }) : () -> ()
      %add3A_100 = arith.constant 4 : i32
      %add3A_101 = arith.addi %add3A_93, %add3A_100 : i32
      %lt3A_102 = arith.constant 80 : i32
      %lt3A_103 = arith.cmpi slt, %add3A_101, %lt3A_102 : i32
      %convert_element_type3A_104 = arith.extui %lt3A_103 : i1 to i32
      %cond3A_105 = arith.constant 0 : i32
      %cond3A_106 = arith.cmpi ne, %convert_element_type3A_104, %cond3A_105 : i32
      scf.if %cond3A_106 {
        %add3A_107 = arith.constant 4 : i32
        %add3A_108 = arith.addi %add3A_93, %add3A_107 : i32
        %dma_start3A_109 = arith.constant 0 : i32
        %dma_start3A_110 = tpu.memref_slice %arg7[%add3A_108, %dma_start3A_109] : memref<80x125xi32, #tpu.memory_space<vmem>> -> memref<1x125xi32, #tpu.memory_space<vmem>>
        %dma_start3A_111 = tpu.memref_squeeze %dma_start3A_110 : memref<1x125xi32, #tpu.memory_space<vmem>> -> memref<125xi32, #tpu.memory_space<vmem>>
        %dma_start3A_112 = arith.constant 0 : i32
        %dma_start3A_113 = arith.constant 0 : i32
        %dma_start3A_114 = tpu.memref_slice %arg2[%dma_start3A_112, %dma_start3A_113] : memref<10000x64xf32, #tpu.memory_space<hbm>> -> memref<10000x64xf32, #tpu.memory_space<hbm>>
        tpu.enqueue_indirect_dma source(%dma_start3A_114 : memref<10000x64xf32, #tpu.memory_space<hbm>>) target(%arg12 : memref<125x64xf32, #tpu.memory_space<vmem>>) offsets(%dma_start3A_111 : memref<125xi32, #tpu.memory_space<vmem>>) semaphore(%arg18 : memref<!tpu.dma_semaphore, #tpu.memory_space<semaphore_mem>>)
      } else {
      }
    }
    %scan3A_40 = arith.constant 20 : i32
    %barrier3A_41 = arith.constant 0 : index
    tpu.barrier barrier_id(%barrier3A_41)
    %scan3A_42 = arith.constant 0 : i32
    %scan3A_43 = arith.constant 0 : i32
    %scan3A_44 = arith.constant 5 : i32
    %scan3A_45 = arith.addi %scan3A_43, %scan3A_44 : i32
    %scan3A_46 = arith.constant 1 : i32
    scf.for %scan3A_48 = %scan3A_43 to %scan3A_45 step %scan3A_46  : i32 {
      %mul3A_49 = arith.constant 125 : i32
      %mul3A_50 = arith.muli %scan3A_48, %mul3A_49 : i32
      %add3A_51 = arith.addi %mul3A_2, %mul3A_50 : i32
      "tpu.region"() ({
        %run_scoped3A = tpu.sem_alloc : memref<!tpu.dma_semaphore, #tpu.memory_space<semaphore_mem>>
        %dma_start3A_52 = arith.constant 0 : i32
        %dma_start3A_53 = tpu.memref_slice %arg14[%add3A_51, %dma_start3A_52] : memref<10000x64xf32, #tpu.memory_space<vmem_shared>> -> memref<125x64xf32, #tpu.memory_space<vmem_shared>>
        %dma_start3A_54 = arith.constant 0 : i32
        %dma_start3A_55 = tpu.memref_slice %arg14[%add3A_51, %dma_start3A_54] : memref<10000x64xf32, #tpu.memory_space<vmem_shared>> -> memref<125x64xf32, #tpu.memory_space<vmem_shared>>
        tpu.enqueue_dma source(%dma_start3A_55 : memref<125x64xf32, #tpu.memory_space<vmem_shared>>) target(%arg13 : memref<125x64xf32, #tpu.memory_space<vmem>>) target_semaphore(%run_scoped3A : memref<!tpu.dma_semaphore, #tpu.memory_space<semaphore_mem>>)
        %dma_wait3A = arith.constant 0 : i32
        %dma_wait3A_56 = tpu.memref_slice %arg14[%add3A_51, %dma_wait3A] : memref<10000x64xf32, #tpu.memory_space<vmem_shared>> -> memref<125x64xf32, #tpu.memory_space<vmem_shared>>
        %dma_wait3A_57 = arith.constant 0 : i32
        %dma_wait3A_58 = tpu.memref_slice %arg14[%add3A_51, %dma_wait3A_57] : memref<10000x64xf32, #tpu.memory_space<vmem_shared>> -> memref<125x64xf32, #tpu.memory_space<vmem_shared>>
        tpu.wait_dma2 semaphore(%run_scoped3A : memref<!tpu.dma_semaphore, #tpu.memory_space<semaphore_mem>>) src(%dma_wait3A_58 : memref<125x64xf32, #tpu.memory_space<vmem_shared>>) dst(%arg13 : memref<125x64xf32, #tpu.memory_space<vmem>>)
        tpu.yield
      }) : () -> ()
      "tpu.region"() ({
        %run_scoped3A = tpu.sem_alloc : memref<!tpu.dma_semaphore, #tpu.memory_space<semaphore_mem>>
        %dma_start3A_52 = arith.constant 0 : i32
        %dma_start3A_53 = tpu.memref_slice %arg6[%arg0, %add3A_51, %dma_start3A_52] : memref<2x10000x64xf32, #tpu.memory_space<hbm>> -> memref<1x125x64xf32, #tpu.memory_space<hbm>>
        %dma_start3A_54 = tpu.memref_squeeze %dma_start3A_53 : memref<1x125x64xf32, #tpu.memory_space<hbm>> -> memref<125x64xf32, #tpu.memory_space<hbm>>
        %dma_start3A_55 = arith.constant 0 : i32
        %dma_start3A_56 = tpu.memref_slice %arg6[%arg0, %add3A_51, %dma_start3A_55] : memref<2x10000x64xf32, #tpu.memory_space<hbm>> -> memref<1x125x64xf32, #tpu.memory_space<hbm>>
        %dma_start3A_57 = tpu.memref_squeeze %dma_start3A_56 : memref<1x125x64xf32, #tpu.memory_space<hbm>> -> memref<125x64xf32, #tpu.memory_space<hbm>>
        tpu.enqueue_dma source(%arg13 : memref<125x64xf32, #tpu.memory_space<vmem>>) target(%dma_start3A_57 : memref<125x64xf32, #tpu.memory_space<hbm>>) target_semaphore(%run_scoped3A : memref<!tpu.dma_semaphore, #tpu.memory_space<semaphore_mem>>)
        %dma_wait3A = arith.constant 0 : i32
        %dma_wait3A_58 = tpu.memref_slice %arg6[%arg0, %add3A_51, %dma_wait3A] : memref<2x10000x64xf32, #tpu.memory_space<hbm>> -> memref<1x125x64xf32, #tpu.memory_space<hbm>>
        %dma_wait3A_59 = tpu.memref_squeeze %dma_wait3A_58 : memref<1x125x64xf32, #tpu.memory_space<hbm>> -> memref<125x64xf32, #tpu.memory_space<hbm>>
        %dma_wait3A_60 = arith.constant 0 : i32
        %dma_wait3A_61 = tpu.memref_slice %arg6[%arg0, %add3A_51, %dma_wait3A_60] : memref<2x10000x64xf32, #tpu.memory_space<hbm>> -> memref<1x125x64xf32, #tpu.memory_space<hbm>>
        %dma_wait3A_62 = tpu.memref_squeeze %dma_wait3A_61 : memref<1x125x64xf32, #tpu.memory_space<hbm>> -> memref<125x64xf32, #tpu.memory_space<hbm>>
        tpu.wait_dma2 semaphore(%run_scoped3A : memref<!tpu.dma_semaphore, #tpu.memory_space<semaphore_mem>>) src(%arg13 : memref<125x64xf32, #tpu.memory_space<vmem>>) dst(%dma_wait3A_62 : memref<125x64xf32, #tpu.memory_space<hbm>>)
        tpu.yield
      }) : () -> ()
    }
    %scan3A_47 = arith.constant 5 : i32
    return
  }
}

#map = affine_map<(d0, d1) -> (0, 0)>
#map1 = affine_map<(d0, d1) -> (0, 0, 0)>
module attributes {stable_mosaic.version = 14 : i64} {
  func.func @sc_edge_aggregate80(%arg0: i32, %arg1: i32, %arg2: memref<10000x80xf32, #tpu.memory_space<hbm>>, %arg3: memref<32x80x125xi32, #tpu.memory_space<hbm>>, %arg4: memref<32x80x125xi32, #tpu.memory_space<hbm>>, %arg5: memref<10000x80xf32, #tpu.memory_space<hbm>>, %arg6: memref<2x10000x80xf32, #tpu.memory_space<hbm>>, %arg7: memref<80x125xi32, #tpu.memory_space<vmem>>, %arg8: memref<80x125xi32, #tpu.memory_space<vmem>>, %arg9: memref<125x80xf32, #tpu.memory_space<vmem>>, %arg10: memref<125x80xf32, #tpu.memory_space<vmem>>, %arg11: memref<125x80xf32, #tpu.memory_space<vmem>>, %arg12: memref<125x80xf32, #tpu.memory_space<vmem>>, %arg13: memref<125x80xf32, #tpu.memory_space<vmem>>, %arg14: memref<10000x80xf32, #tpu.memory_space<vmem_shared>>, %arg15: memref<!tpu.dma_semaphore, #tpu.memory_space<semaphore_mem>>, %arg16: memref<!tpu.dma_semaphore, #tpu.memory_space<semaphore_mem>>, %arg17: memref<!tpu.dma_semaphore, #tpu.memory_space<semaphore_mem>>, %arg18: memref<!tpu.dma_semaphore, #tpu.memory_space<semaphore_mem>>) attributes {dimension_semantics = [#tpu.dimension_semantics<core_parallel>, #tpu.dimension_semantics<subcore_parallel>], iteration_bounds = array<i64: 2, 16>, scalar_prefetch = 0 : i64, scratch_operands = 12 : i64, tpu.core_type = #tpu.core_type<sc_vector_subcore>, window_params = [{transform_indices = #map}, {transform_indices = #map1}, {transform_indices = #map1}, {transform_indices = #map}, {transform_indices = #map1}]} {
    %mul3A = arith.constant 16 : i32
    %mul3A_0 = arith.muli %arg0, %mul3A : i32
    %add3A = arith.addi %mul3A_0, %arg1 : i32
    %mul3A_1 = arith.constant 625 : i32
    %mul3A_2 = arith.muli %arg1, %mul3A_1 : i32
    %scan3A = arith.constant 0 : i32
    %scan3A_3 = arith.constant 0 : i32
    %scan3A_4 = arith.constant 5 : i32
    %scan3A_5 = arith.addi %scan3A_3, %scan3A_4 : i32
    %scan3A_6 = arith.constant 1 : i32
    scf.for %scan3A_48 = %scan3A_3 to %scan3A_5 step %scan3A_6  : i32 {
      %mul3A_49 = arith.constant 125 : i32
      %mul3A_50 = arith.muli %scan3A_48, %mul3A_49 : i32
      %add3A_51 = arith.addi %mul3A_2, %mul3A_50 : i32
      "tpu.region"() ({
        %run_scoped3A = tpu.sem_alloc : memref<!tpu.dma_semaphore, #tpu.memory_space<semaphore_mem>>
        %dma_start3A_52 = arith.constant 0 : i32
        %dma_start3A_53 = tpu.memref_slice %arg5[%add3A_51, %dma_start3A_52] : memref<10000x80xf32, #tpu.memory_space<hbm>> -> memref<125x80xf32, #tpu.memory_space<hbm>>
        %dma_start3A_54 = arith.constant 0 : i32
        %dma_start3A_55 = tpu.memref_slice %arg5[%add3A_51, %dma_start3A_54] : memref<10000x80xf32, #tpu.memory_space<hbm>> -> memref<125x80xf32, #tpu.memory_space<hbm>>
        tpu.enqueue_dma source(%dma_start3A_55 : memref<125x80xf32, #tpu.memory_space<hbm>>) target(%arg13 : memref<125x80xf32, #tpu.memory_space<vmem>>) target_semaphore(%run_scoped3A : memref<!tpu.dma_semaphore, #tpu.memory_space<semaphore_mem>>)
        %dma_wait3A = arith.constant 0 : i32
        %dma_wait3A_56 = tpu.memref_slice %arg5[%add3A_51, %dma_wait3A] : memref<10000x80xf32, #tpu.memory_space<hbm>> -> memref<125x80xf32, #tpu.memory_space<hbm>>
        %dma_wait3A_57 = arith.constant 0 : i32
        %dma_wait3A_58 = tpu.memref_slice %arg5[%add3A_51, %dma_wait3A_57] : memref<10000x80xf32, #tpu.memory_space<hbm>> -> memref<125x80xf32, #tpu.memory_space<hbm>>
        tpu.wait_dma2 semaphore(%run_scoped3A : memref<!tpu.dma_semaphore, #tpu.memory_space<semaphore_mem>>) src(%dma_wait3A_58 : memref<125x80xf32, #tpu.memory_space<hbm>>) dst(%arg13 : memref<125x80xf32, #tpu.memory_space<vmem>>)
        tpu.yield
      }) : () -> ()
      "tpu.region"() ({
        %run_scoped3A = tpu.sem_alloc : memref<!tpu.dma_semaphore, #tpu.memory_space<semaphore_mem>>
        %dma_start3A_52 = arith.constant 0 : i32
        %dma_start3A_53 = tpu.memref_slice %arg14[%add3A_51, %dma_start3A_52] : memref<10000x80xf32, #tpu.memory_space<vmem_shared>> -> memref<125x80xf32, #tpu.memory_space<vmem_shared>>
        %dma_start3A_54 = arith.constant 0 : i32
        %dma_start3A_55 = tpu.memref_slice %arg14[%add3A_51, %dma_start3A_54] : memref<10000x80xf32, #tpu.memory_space<vmem_shared>> -> memref<125x80xf32, #tpu.memory_space<vmem_shared>>
        tpu.enqueue_dma source(%arg13 : memref<125x80xf32, #tpu.memory_space<vmem>>) target(%dma_start3A_55 : memref<125x80xf32, #tpu.memory_space<vmem_shared>>) target_semaphore(%run_scoped3A : memref<!tpu.dma_semaphore, #tpu.memory_space<semaphore_mem>>)
        %dma_wait3A = arith.constant 0 : i32
        %dma_wait3A_56 = tpu.memref_slice %arg14[%add3A_51, %dma_wait3A] : memref<10000x80xf32, #tpu.memory_space<vmem_shared>> -> memref<125x80xf32, #tpu.memory_space<vmem_shared>>
        %dma_wait3A_57 = arith.constant 0 : i32
        %dma_wait3A_58 = tpu.memref_slice %arg14[%add3A_51, %dma_wait3A_57] : memref<10000x80xf32, #tpu.memory_space<vmem_shared>> -> memref<125x80xf32, #tpu.memory_space<vmem_shared>>
        tpu.wait_dma2 semaphore(%run_scoped3A : memref<!tpu.dma_semaphore, #tpu.memory_space<semaphore_mem>>) src(%arg13 : memref<125x80xf32, #tpu.memory_space<vmem>>) dst(%dma_wait3A_58 : memref<125x80xf32, #tpu.memory_space<vmem_shared>>)
        tpu.yield
      }) : () -> ()
    }
    %scan3A_7 = arith.constant 5 : i32
    "tpu.region"() ({
      %run_scoped3A = tpu.sem_alloc : memref<!tpu.dma_semaphore, #tpu.memory_space<semaphore_mem>>
      %dma_start3A_48 = arith.constant 0 : i32
      %dma_start3A_49 = arith.constant 0 : i32
      %dma_start3A_50 = tpu.memref_slice %arg3[%add3A, %dma_start3A_48, %dma_start3A_49] : memref<32x80x125xi32, #tpu.memory_space<hbm>> -> memref<1x80x125xi32, #tpu.memory_space<hbm>>
      %dma_start3A_51 = tpu.memref_squeeze %dma_start3A_50 : memref<1x80x125xi32, #tpu.memory_space<hbm>> -> memref<80x125xi32, #tpu.memory_space<hbm>>
      %dma_start3A_52 = arith.constant 0 : i32
      %dma_start3A_53 = arith.constant 0 : i32
      %dma_start3A_54 = tpu.memref_slice %arg3[%add3A, %dma_start3A_52, %dma_start3A_53] : memref<32x80x125xi32, #tpu.memory_space<hbm>> -> memref<1x80x125xi32, #tpu.memory_space<hbm>>
      %dma_start3A_55 = tpu.memref_squeeze %dma_start3A_54 : memref<1x80x125xi32, #tpu.memory_space<hbm>> -> memref<80x125xi32, #tpu.memory_space<hbm>>
      tpu.enqueue_dma source(%dma_start3A_55 : memref<80x125xi32, #tpu.memory_space<hbm>>) target(%arg7 : memref<80x125xi32, #tpu.memory_space<vmem>>) target_semaphore(%run_scoped3A : memref<!tpu.dma_semaphore, #tpu.memory_space<semaphore_mem>>)
      %dma_wait3A = arith.constant 0 : i32
      %dma_wait3A_56 = arith.constant 0 : i32
      %dma_wait3A_57 = tpu.memref_slice %arg3[%add3A, %dma_wait3A, %dma_wait3A_56] : memref<32x80x125xi32, #tpu.memory_space<hbm>> -> memref<1x80x125xi32, #tpu.memory_space<hbm>>
      %dma_wait3A_58 = tpu.memref_squeeze %dma_wait3A_57 : memref<1x80x125xi32, #tpu.memory_space<hbm>> -> memref<80x125xi32, #tpu.memory_space<hbm>>
      %dma_wait3A_59 = arith.constant 0 : i32
      %dma_wait3A_60 = arith.constant 0 : i32
      %dma_wait3A_61 = tpu.memref_slice %arg3[%add3A, %dma_wait3A_59, %dma_wait3A_60] : memref<32x80x125xi32, #tpu.memory_space<hbm>> -> memref<1x80x125xi32, #tpu.memory_space<hbm>>
      %dma_wait3A_62 = tpu.memref_squeeze %dma_wait3A_61 : memref<1x80x125xi32, #tpu.memory_space<hbm>> -> memref<80x125xi32, #tpu.memory_space<hbm>>
      tpu.wait_dma2 semaphore(%run_scoped3A : memref<!tpu.dma_semaphore, #tpu.memory_space<semaphore_mem>>) src(%dma_wait3A_62 : memref<80x125xi32, #tpu.memory_space<hbm>>) dst(%arg7 : memref<80x125xi32, #tpu.memory_space<vmem>>)
      tpu.yield
    }) : () -> ()
    "tpu.region"() ({
      %run_scoped3A = tpu.sem_alloc : memref<!tpu.dma_semaphore, #tpu.memory_space<semaphore_mem>>
      %dma_start3A_48 = arith.constant 0 : i32
      %dma_start3A_49 = arith.constant 0 : i32
      %dma_start3A_50 = tpu.memref_slice %arg4[%add3A, %dma_start3A_48, %dma_start3A_49] : memref<32x80x125xi32, #tpu.memory_space<hbm>> -> memref<1x80x125xi32, #tpu.memory_space<hbm>>
      %dma_start3A_51 = tpu.memref_squeeze %dma_start3A_50 : memref<1x80x125xi32, #tpu.memory_space<hbm>> -> memref<80x125xi32, #tpu.memory_space<hbm>>
      %dma_start3A_52 = arith.constant 0 : i32
      %dma_start3A_53 = arith.constant 0 : i32
      %dma_start3A_54 = tpu.memref_slice %arg4[%add3A, %dma_start3A_52, %dma_start3A_53] : memref<32x80x125xi32, #tpu.memory_space<hbm>> -> memref<1x80x125xi32, #tpu.memory_space<hbm>>
      %dma_start3A_55 = tpu.memref_squeeze %dma_start3A_54 : memref<1x80x125xi32, #tpu.memory_space<hbm>> -> memref<80x125xi32, #tpu.memory_space<hbm>>
      tpu.enqueue_dma source(%dma_start3A_55 : memref<80x125xi32, #tpu.memory_space<hbm>>) target(%arg8 : memref<80x125xi32, #tpu.memory_space<vmem>>) target_semaphore(%run_scoped3A : memref<!tpu.dma_semaphore, #tpu.memory_space<semaphore_mem>>)
      %dma_wait3A = arith.constant 0 : i32
      %dma_wait3A_56 = arith.constant 0 : i32
      %dma_wait3A_57 = tpu.memref_slice %arg4[%add3A, %dma_wait3A, %dma_wait3A_56] : memref<32x80x125xi32, #tpu.memory_space<hbm>> -> memref<1x80x125xi32, #tpu.memory_space<hbm>>
      %dma_wait3A_58 = tpu.memref_squeeze %dma_wait3A_57 : memref<1x80x125xi32, #tpu.memory_space<hbm>> -> memref<80x125xi32, #tpu.memory_space<hbm>>
      %dma_wait3A_59 = arith.constant 0 : i32
      %dma_wait3A_60 = arith.constant 0 : i32
      %dma_wait3A_61 = tpu.memref_slice %arg4[%add3A, %dma_wait3A_59, %dma_wait3A_60] : memref<32x80x125xi32, #tpu.memory_space<hbm>> -> memref<1x80x125xi32, #tpu.memory_space<hbm>>
      %dma_wait3A_62 = tpu.memref_squeeze %dma_wait3A_61 : memref<1x80x125xi32, #tpu.memory_space<hbm>> -> memref<80x125xi32, #tpu.memory_space<hbm>>
      tpu.wait_dma2 semaphore(%run_scoped3A : memref<!tpu.dma_semaphore, #tpu.memory_space<semaphore_mem>>) src(%dma_wait3A_62 : memref<80x125xi32, #tpu.memory_space<hbm>>) dst(%arg8 : memref<80x125xi32, #tpu.memory_space<vmem>>)
      tpu.yield
    }) : () -> ()
    %barrier3A = arith.constant 0 : index
    tpu.barrier barrier_id(%barrier3A)
    %dma_start3A = arith.constant 0 : i32
    %dma_start3A_8 = arith.constant 0 : i32
    %dma_start3A_9 = tpu.memref_slice %arg7[%dma_start3A, %dma_start3A_8] : memref<80x125xi32, #tpu.memory_space<vmem>> -> memref<1x125xi32, #tpu.memory_space<vmem>>
    %dma_start3A_10 = tpu.memref_squeeze %dma_start3A_9 : memref<1x125xi32, #tpu.memory_space<vmem>> -> memref<125xi32, #tpu.memory_space<vmem>>
    %dma_start3A_11 = arith.constant 0 : i32
    %dma_start3A_12 = arith.constant 0 : i32
    %dma_start3A_13 = tpu.memref_slice %arg2[%dma_start3A_11, %dma_start3A_12] : memref<10000x80xf32, #tpu.memory_space<hbm>> -> memref<10000x80xf32, #tpu.memory_space<hbm>>
    tpu.enqueue_indirect_dma source(%dma_start3A_13 : memref<10000x80xf32, #tpu.memory_space<hbm>>) target(%arg9 : memref<125x80xf32, #tpu.memory_space<vmem>>) offsets(%dma_start3A_10 : memref<125xi32, #tpu.memory_space<vmem>>) semaphore(%arg15 : memref<!tpu.dma_semaphore, #tpu.memory_space<semaphore_mem>>)
    %dma_start3A_14 = arith.constant 1 : i32
    %dma_start3A_15 = arith.constant 0 : i32
    %dma_start3A_16 = tpu.memref_slice %arg7[%dma_start3A_14, %dma_start3A_15] : memref<80x125xi32, #tpu.memory_space<vmem>> -> memref<1x125xi32, #tpu.memory_space<vmem>>
    %dma_start3A_17 = tpu.memref_squeeze %dma_start3A_16 : memref<1x125xi32, #tpu.memory_space<vmem>> -> memref<125xi32, #tpu.memory_space<vmem>>
    %dma_start3A_18 = arith.constant 0 : i32
    %dma_start3A_19 = arith.constant 0 : i32
    %dma_start3A_20 = tpu.memref_slice %arg2[%dma_start3A_18, %dma_start3A_19] : memref<10000x80xf32, #tpu.memory_space<hbm>> -> memref<10000x80xf32, #tpu.memory_space<hbm>>
    tpu.enqueue_indirect_dma source(%dma_start3A_20 : memref<10000x80xf32, #tpu.memory_space<hbm>>) target(%arg10 : memref<125x80xf32, #tpu.memory_space<vmem>>) offsets(%dma_start3A_17 : memref<125xi32, #tpu.memory_space<vmem>>) semaphore(%arg16 : memref<!tpu.dma_semaphore, #tpu.memory_space<semaphore_mem>>)
    %dma_start3A_21 = arith.constant 2 : i32
    %dma_start3A_22 = arith.constant 0 : i32
    %dma_start3A_23 = tpu.memref_slice %arg7[%dma_start3A_21, %dma_start3A_22] : memref<80x125xi32, #tpu.memory_space<vmem>> -> memref<1x125xi32, #tpu.memory_space<vmem>>
    %dma_start3A_24 = tpu.memref_squeeze %dma_start3A_23 : memref<1x125xi32, #tpu.memory_space<vmem>> -> memref<125xi32, #tpu.memory_space<vmem>>
    %dma_start3A_25 = arith.constant 0 : i32
    %dma_start3A_26 = arith.constant 0 : i32
    %dma_start3A_27 = tpu.memref_slice %arg2[%dma_start3A_25, %dma_start3A_26] : memref<10000x80xf32, #tpu.memory_space<hbm>> -> memref<10000x80xf32, #tpu.memory_space<hbm>>
    tpu.enqueue_indirect_dma source(%dma_start3A_27 : memref<10000x80xf32, #tpu.memory_space<hbm>>) target(%arg11 : memref<125x80xf32, #tpu.memory_space<vmem>>) offsets(%dma_start3A_24 : memref<125xi32, #tpu.memory_space<vmem>>) semaphore(%arg17 : memref<!tpu.dma_semaphore, #tpu.memory_space<semaphore_mem>>)
    %dma_start3A_28 = arith.constant 3 : i32
    %dma_start3A_29 = arith.constant 0 : i32
    %dma_start3A_30 = tpu.memref_slice %arg7[%dma_start3A_28, %dma_start3A_29] : memref<80x125xi32, #tpu.memory_space<vmem>> -> memref<1x125xi32, #tpu.memory_space<vmem>>
    %dma_start3A_31 = tpu.memref_squeeze %dma_start3A_30 : memref<1x125xi32, #tpu.memory_space<vmem>> -> memref<125xi32, #tpu.memory_space<vmem>>
    %dma_start3A_32 = arith.constant 0 : i32
    %dma_start3A_33 = arith.constant 0 : i32
    %dma_start3A_34 = tpu.memref_slice %arg2[%dma_start3A_32, %dma_start3A_33] : memref<10000x80xf32, #tpu.memory_space<hbm>> -> memref<10000x80xf32, #tpu.memory_space<hbm>>
    tpu.enqueue_indirect_dma source(%dma_start3A_34 : memref<10000x80xf32, #tpu.memory_space<hbm>>) target(%arg12 : memref<125x80xf32, #tpu.memory_space<vmem>>) offsets(%dma_start3A_31 : memref<125xi32, #tpu.memory_space<vmem>>) semaphore(%arg18 : memref<!tpu.dma_semaphore, #tpu.memory_space<semaphore_mem>>)
    %scan3A_35 = arith.constant 0 : i32
    %scan3A_36 = arith.constant 0 : i32
    %scan3A_37 = arith.constant 20 : i32
    %scan3A_38 = arith.addi %scan3A_36, %scan3A_37 : i32
    %scan3A_39 = arith.constant 1 : i32
    scf.for %scan3A_48 = %scan3A_36 to %scan3A_38 step %scan3A_39  : i32 {
      %mul3A_49 = arith.constant 4 : i32
      %mul3A_50 = arith.muli %mul3A_49, %scan3A_48 : i32
      %add3A_51 = arith.constant 0 : i32
      %add3A_52 = arith.addi %mul3A_50, %add3A_51 : i32
      %dma_wait3A = arith.constant 0 : i32
      %dma_wait3A_53 = tpu.memref_slice %arg7[%add3A_52, %dma_wait3A] : memref<80x125xi32, #tpu.memory_space<vmem>> -> memref<1x125xi32, #tpu.memory_space<vmem>>
      %dma_wait3A_54 = tpu.memref_squeeze %dma_wait3A_53 : memref<1x125xi32, #tpu.memory_space<vmem>> -> memref<125xi32, #tpu.memory_space<vmem>>
      %dma_wait3A_55 = arith.constant 0 : i32
      %dma_wait3A_56 = arith.constant 0 : i32
      %dma_wait3A_57 = tpu.memref_slice %arg2[%dma_wait3A_55, %dma_wait3A_56] : memref<10000x80xf32, #tpu.memory_space<hbm>> -> memref<10000x80xf32, #tpu.memory_space<hbm>>
      tpu.wait_indirect_dma semaphore(%arg15 : memref<!tpu.dma_semaphore, #tpu.memory_space<semaphore_mem>>) src(%dma_wait3A_57 : memref<10000x80xf32, #tpu.memory_space<hbm>>) dst(%arg9 : memref<125x80xf32, #tpu.memory_space<vmem>>)
      "tpu.region"() ({
        %run_scoped3A = tpu.sem_alloc : memref<!tpu.dma_semaphore, #tpu.memory_space<semaphore_mem>>
        %dma_start3A_107 = arith.constant 0 : i32
        %dma_start3A_108 = tpu.memref_slice %arg8[%add3A_52, %dma_start3A_107] : memref<80x125xi32, #tpu.memory_space<vmem>> -> memref<1x125xi32, #tpu.memory_space<vmem>>
        %dma_start3A_109 = tpu.memref_squeeze %dma_start3A_108 : memref<1x125xi32, #tpu.memory_space<vmem>> -> memref<125xi32, #tpu.memory_space<vmem>>
        %dma_start3A_110 = arith.constant 0 : i32
        %dma_start3A_111 = arith.constant 0 : i32
        %dma_start3A_112 = tpu.memref_slice %arg14[%dma_start3A_110, %dma_start3A_111] : memref<10000x80xf32, #tpu.memory_space<vmem_shared>> -> memref<10000x80xf32, #tpu.memory_space<vmem_shared>>
        tpu.enqueue_indirect_dma source(%arg9 : memref<125x80xf32, #tpu.memory_space<vmem>>) target(%dma_start3A_112 : memref<10000x80xf32, #tpu.memory_space<vmem_shared>>) offsets(%dma_start3A_109 : memref<125xi32, #tpu.memory_space<vmem>>) semaphore(%run_scoped3A : memref<!tpu.dma_semaphore, #tpu.memory_space<semaphore_mem>>) {add = true}
        %dma_wait3A_113 = arith.constant 0 : i32
        %dma_wait3A_114 = tpu.memref_slice %arg8[%add3A_52, %dma_wait3A_113] : memref<80x125xi32, #tpu.memory_space<vmem>> -> memref<1x125xi32, #tpu.memory_space<vmem>>
        %dma_wait3A_115 = tpu.memref_squeeze %dma_wait3A_114 : memref<1x125xi32, #tpu.memory_space<vmem>> -> memref<125xi32, #tpu.memory_space<vmem>>
        %dma_wait3A_116 = arith.constant 0 : i32
        %dma_wait3A_117 = arith.constant 0 : i32
        %dma_wait3A_118 = tpu.memref_slice %arg14[%dma_wait3A_116, %dma_wait3A_117] : memref<10000x80xf32, #tpu.memory_space<vmem_shared>> -> memref<10000x80xf32, #tpu.memory_space<vmem_shared>>
        tpu.wait_indirect_dma semaphore(%run_scoped3A : memref<!tpu.dma_semaphore, #tpu.memory_space<semaphore_mem>>) src(%arg9 : memref<125x80xf32, #tpu.memory_space<vmem>>) dst(%dma_wait3A_118 : memref<10000x80xf32, #tpu.memory_space<vmem_shared>>)
        tpu.yield
      }) : () -> ()
      %add3A_58 = arith.constant 4 : i32
      %add3A_59 = arith.addi %add3A_52, %add3A_58 : i32
      %lt3A = arith.constant 80 : i32
      %lt3A_60 = arith.cmpi slt, %add3A_59, %lt3A : i32
      %convert_element_type3A = arith.extui %lt3A_60 : i1 to i32
      %cond3A = arith.constant 0 : i32
      %cond3A_61 = arith.cmpi ne, %convert_element_type3A, %cond3A : i32
      scf.if %cond3A_61 {
        %add3A_107 = arith.constant 4 : i32
        %add3A_108 = arith.addi %add3A_52, %add3A_107 : i32
        %dma_start3A_109 = arith.constant 0 : i32
        %dma_start3A_110 = tpu.memref_slice %arg7[%add3A_108, %dma_start3A_109] : memref<80x125xi32, #tpu.memory_space<vmem>> -> memref<1x125xi32, #tpu.memory_space<vmem>>
        %dma_start3A_111 = tpu.memref_squeeze %dma_start3A_110 : memref<1x125xi32, #tpu.memory_space<vmem>> -> memref<125xi32, #tpu.memory_space<vmem>>
        %dma_start3A_112 = arith.constant 0 : i32
        %dma_start3A_113 = arith.constant 0 : i32
        %dma_start3A_114 = tpu.memref_slice %arg2[%dma_start3A_112, %dma_start3A_113] : memref<10000x80xf32, #tpu.memory_space<hbm>> -> memref<10000x80xf32, #tpu.memory_space<hbm>>
        tpu.enqueue_indirect_dma source(%dma_start3A_114 : memref<10000x80xf32, #tpu.memory_space<hbm>>) target(%arg9 : memref<125x80xf32, #tpu.memory_space<vmem>>) offsets(%dma_start3A_111 : memref<125xi32, #tpu.memory_space<vmem>>) semaphore(%arg15 : memref<!tpu.dma_semaphore, #tpu.memory_space<semaphore_mem>>)
      } else {
      }
      %add3A_62 = arith.constant 1 : i32
      %add3A_63 = arith.addi %mul3A_50, %add3A_62 : i32
      %dma_wait3A_64 = arith.constant 0 : i32
      %dma_wait3A_65 = tpu.memref_slice %arg7[%add3A_63, %dma_wait3A_64] : memref<80x125xi32, #tpu.memory_space<vmem>> -> memref<1x125xi32, #tpu.memory_space<vmem>>
      %dma_wait3A_66 = tpu.memref_squeeze %dma_wait3A_65 : memref<1x125xi32, #tpu.memory_space<vmem>> -> memref<125xi32, #tpu.memory_space<vmem>>
      %dma_wait3A_67 = arith.constant 0 : i32
      %dma_wait3A_68 = arith.constant 0 : i32
      %dma_wait3A_69 = tpu.memref_slice %arg2[%dma_wait3A_67, %dma_wait3A_68] : memref<10000x80xf32, #tpu.memory_space<hbm>> -> memref<10000x80xf32, #tpu.memory_space<hbm>>
      tpu.wait_indirect_dma semaphore(%arg16 : memref<!tpu.dma_semaphore, #tpu.memory_space<semaphore_mem>>) src(%dma_wait3A_69 : memref<10000x80xf32, #tpu.memory_space<hbm>>) dst(%arg10 : memref<125x80xf32, #tpu.memory_space<vmem>>)
      "tpu.region"() ({
        %run_scoped3A = tpu.sem_alloc : memref<!tpu.dma_semaphore, #tpu.memory_space<semaphore_mem>>
        %dma_start3A_107 = arith.constant 0 : i32
        %dma_start3A_108 = tpu.memref_slice %arg8[%add3A_63, %dma_start3A_107] : memref<80x125xi32, #tpu.memory_space<vmem>> -> memref<1x125xi32, #tpu.memory_space<vmem>>
        %dma_start3A_109 = tpu.memref_squeeze %dma_start3A_108 : memref<1x125xi32, #tpu.memory_space<vmem>> -> memref<125xi32, #tpu.memory_space<vmem>>
        %dma_start3A_110 = arith.constant 0 : i32
        %dma_start3A_111 = arith.constant 0 : i32
        %dma_start3A_112 = tpu.memref_slice %arg14[%dma_start3A_110, %dma_start3A_111] : memref<10000x80xf32, #tpu.memory_space<vmem_shared>> -> memref<10000x80xf32, #tpu.memory_space<vmem_shared>>
        tpu.enqueue_indirect_dma source(%arg10 : memref<125x80xf32, #tpu.memory_space<vmem>>) target(%dma_start3A_112 : memref<10000x80xf32, #tpu.memory_space<vmem_shared>>) offsets(%dma_start3A_109 : memref<125xi32, #tpu.memory_space<vmem>>) semaphore(%run_scoped3A : memref<!tpu.dma_semaphore, #tpu.memory_space<semaphore_mem>>) {add = true}
        %dma_wait3A_113 = arith.constant 0 : i32
        %dma_wait3A_114 = tpu.memref_slice %arg8[%add3A_63, %dma_wait3A_113] : memref<80x125xi32, #tpu.memory_space<vmem>> -> memref<1x125xi32, #tpu.memory_space<vmem>>
        %dma_wait3A_115 = tpu.memref_squeeze %dma_wait3A_114 : memref<1x125xi32, #tpu.memory_space<vmem>> -> memref<125xi32, #tpu.memory_space<vmem>>
        %dma_wait3A_116 = arith.constant 0 : i32
        %dma_wait3A_117 = arith.constant 0 : i32
        %dma_wait3A_118 = tpu.memref_slice %arg14[%dma_wait3A_116, %dma_wait3A_117] : memref<10000x80xf32, #tpu.memory_space<vmem_shared>> -> memref<10000x80xf32, #tpu.memory_space<vmem_shared>>
        tpu.wait_indirect_dma semaphore(%run_scoped3A : memref<!tpu.dma_semaphore, #tpu.memory_space<semaphore_mem>>) src(%arg10 : memref<125x80xf32, #tpu.memory_space<vmem>>) dst(%dma_wait3A_118 : memref<10000x80xf32, #tpu.memory_space<vmem_shared>>)
        tpu.yield
      }) : () -> ()
      %add3A_70 = arith.constant 4 : i32
      %add3A_71 = arith.addi %add3A_63, %add3A_70 : i32
      %lt3A_72 = arith.constant 80 : i32
      %lt3A_73 = arith.cmpi slt, %add3A_71, %lt3A_72 : i32
      %convert_element_type3A_74 = arith.extui %lt3A_73 : i1 to i32
      %cond3A_75 = arith.constant 0 : i32
      %cond3A_76 = arith.cmpi ne, %convert_element_type3A_74, %cond3A_75 : i32
      scf.if %cond3A_76 {
        %add3A_107 = arith.constant 4 : i32
        %add3A_108 = arith.addi %add3A_63, %add3A_107 : i32
        %dma_start3A_109 = arith.constant 0 : i32
        %dma_start3A_110 = tpu.memref_slice %arg7[%add3A_108, %dma_start3A_109] : memref<80x125xi32, #tpu.memory_space<vmem>> -> memref<1x125xi32, #tpu.memory_space<vmem>>
        %dma_start3A_111 = tpu.memref_squeeze %dma_start3A_110 : memref<1x125xi32, #tpu.memory_space<vmem>> -> memref<125xi32, #tpu.memory_space<vmem>>
        %dma_start3A_112 = arith.constant 0 : i32
        %dma_start3A_113 = arith.constant 0 : i32
        %dma_start3A_114 = tpu.memref_slice %arg2[%dma_start3A_112, %dma_start3A_113] : memref<10000x80xf32, #tpu.memory_space<hbm>> -> memref<10000x80xf32, #tpu.memory_space<hbm>>
        tpu.enqueue_indirect_dma source(%dma_start3A_114 : memref<10000x80xf32, #tpu.memory_space<hbm>>) target(%arg10 : memref<125x80xf32, #tpu.memory_space<vmem>>) offsets(%dma_start3A_111 : memref<125xi32, #tpu.memory_space<vmem>>) semaphore(%arg16 : memref<!tpu.dma_semaphore, #tpu.memory_space<semaphore_mem>>)
      } else {
      }
      %add3A_77 = arith.constant 2 : i32
      %add3A_78 = arith.addi %mul3A_50, %add3A_77 : i32
      %dma_wait3A_79 = arith.constant 0 : i32
      %dma_wait3A_80 = tpu.memref_slice %arg7[%add3A_78, %dma_wait3A_79] : memref<80x125xi32, #tpu.memory_space<vmem>> -> memref<1x125xi32, #tpu.memory_space<vmem>>
      %dma_wait3A_81 = tpu.memref_squeeze %dma_wait3A_80 : memref<1x125xi32, #tpu.memory_space<vmem>> -> memref<125xi32, #tpu.memory_space<vmem>>
      %dma_wait3A_82 = arith.constant 0 : i32
      %dma_wait3A_83 = arith.constant 0 : i32
      %dma_wait3A_84 = tpu.memref_slice %arg2[%dma_wait3A_82, %dma_wait3A_83] : memref<10000x80xf32, #tpu.memory_space<hbm>> -> memref<10000x80xf32, #tpu.memory_space<hbm>>
      tpu.wait_indirect_dma semaphore(%arg17 : memref<!tpu.dma_semaphore, #tpu.memory_space<semaphore_mem>>) src(%dma_wait3A_84 : memref<10000x80xf32, #tpu.memory_space<hbm>>) dst(%arg11 : memref<125x80xf32, #tpu.memory_space<vmem>>)
      "tpu.region"() ({
        %run_scoped3A = tpu.sem_alloc : memref<!tpu.dma_semaphore, #tpu.memory_space<semaphore_mem>>
        %dma_start3A_107 = arith.constant 0 : i32
        %dma_start3A_108 = tpu.memref_slice %arg8[%add3A_78, %dma_start3A_107] : memref<80x125xi32, #tpu.memory_space<vmem>> -> memref<1x125xi32, #tpu.memory_space<vmem>>
        %dma_start3A_109 = tpu.memref_squeeze %dma_start3A_108 : memref<1x125xi32, #tpu.memory_space<vmem>> -> memref<125xi32, #tpu.memory_space<vmem>>
        %dma_start3A_110 = arith.constant 0 : i32
        %dma_start3A_111 = arith.constant 0 : i32
        %dma_start3A_112 = tpu.memref_slice %arg14[%dma_start3A_110, %dma_start3A_111] : memref<10000x80xf32, #tpu.memory_space<vmem_shared>> -> memref<10000x80xf32, #tpu.memory_space<vmem_shared>>
        tpu.enqueue_indirect_dma source(%arg11 : memref<125x80xf32, #tpu.memory_space<vmem>>) target(%dma_start3A_112 : memref<10000x80xf32, #tpu.memory_space<vmem_shared>>) offsets(%dma_start3A_109 : memref<125xi32, #tpu.memory_space<vmem>>) semaphore(%run_scoped3A : memref<!tpu.dma_semaphore, #tpu.memory_space<semaphore_mem>>) {add = true}
        %dma_wait3A_113 = arith.constant 0 : i32
        %dma_wait3A_114 = tpu.memref_slice %arg8[%add3A_78, %dma_wait3A_113] : memref<80x125xi32, #tpu.memory_space<vmem>> -> memref<1x125xi32, #tpu.memory_space<vmem>>
        %dma_wait3A_115 = tpu.memref_squeeze %dma_wait3A_114 : memref<1x125xi32, #tpu.memory_space<vmem>> -> memref<125xi32, #tpu.memory_space<vmem>>
        %dma_wait3A_116 = arith.constant 0 : i32
        %dma_wait3A_117 = arith.constant 0 : i32
        %dma_wait3A_118 = tpu.memref_slice %arg14[%dma_wait3A_116, %dma_wait3A_117] : memref<10000x80xf32, #tpu.memory_space<vmem_shared>> -> memref<10000x80xf32, #tpu.memory_space<vmem_shared>>
        tpu.wait_indirect_dma semaphore(%run_scoped3A : memref<!tpu.dma_semaphore, #tpu.memory_space<semaphore_mem>>) src(%arg11 : memref<125x80xf32, #tpu.memory_space<vmem>>) dst(%dma_wait3A_118 : memref<10000x80xf32, #tpu.memory_space<vmem_shared>>)
        tpu.yield
      }) : () -> ()
      %add3A_85 = arith.constant 4 : i32
      %add3A_86 = arith.addi %add3A_78, %add3A_85 : i32
      %lt3A_87 = arith.constant 80 : i32
      %lt3A_88 = arith.cmpi slt, %add3A_86, %lt3A_87 : i32
      %convert_element_type3A_89 = arith.extui %lt3A_88 : i1 to i32
      %cond3A_90 = arith.constant 0 : i32
      %cond3A_91 = arith.cmpi ne, %convert_element_type3A_89, %cond3A_90 : i32
      scf.if %cond3A_91 {
        %add3A_107 = arith.constant 4 : i32
        %add3A_108 = arith.addi %add3A_78, %add3A_107 : i32
        %dma_start3A_109 = arith.constant 0 : i32
        %dma_start3A_110 = tpu.memref_slice %arg7[%add3A_108, %dma_start3A_109] : memref<80x125xi32, #tpu.memory_space<vmem>> -> memref<1x125xi32, #tpu.memory_space<vmem>>
        %dma_start3A_111 = tpu.memref_squeeze %dma_start3A_110 : memref<1x125xi32, #tpu.memory_space<vmem>> -> memref<125xi32, #tpu.memory_space<vmem>>
        %dma_start3A_112 = arith.constant 0 : i32
        %dma_start3A_113 = arith.constant 0 : i32
        %dma_start3A_114 = tpu.memref_slice %arg2[%dma_start3A_112, %dma_start3A_113] : memref<10000x80xf32, #tpu.memory_space<hbm>> -> memref<10000x80xf32, #tpu.memory_space<hbm>>
        tpu.enqueue_indirect_dma source(%dma_start3A_114 : memref<10000x80xf32, #tpu.memory_space<hbm>>) target(%arg11 : memref<125x80xf32, #tpu.memory_space<vmem>>) offsets(%dma_start3A_111 : memref<125xi32, #tpu.memory_space<vmem>>) semaphore(%arg17 : memref<!tpu.dma_semaphore, #tpu.memory_space<semaphore_mem>>)
      } else {
      }
      %add3A_92 = arith.constant 3 : i32
      %add3A_93 = arith.addi %mul3A_50, %add3A_92 : i32
      %dma_wait3A_94 = arith.constant 0 : i32
      %dma_wait3A_95 = tpu.memref_slice %arg7[%add3A_93, %dma_wait3A_94] : memref<80x125xi32, #tpu.memory_space<vmem>> -> memref<1x125xi32, #tpu.memory_space<vmem>>
      %dma_wait3A_96 = tpu.memref_squeeze %dma_wait3A_95 : memref<1x125xi32, #tpu.memory_space<vmem>> -> memref<125xi32, #tpu.memory_space<vmem>>
      %dma_wait3A_97 = arith.constant 0 : i32
      %dma_wait3A_98 = arith.constant 0 : i32
      %dma_wait3A_99 = tpu.memref_slice %arg2[%dma_wait3A_97, %dma_wait3A_98] : memref<10000x80xf32, #tpu.memory_space<hbm>> -> memref<10000x80xf32, #tpu.memory_space<hbm>>
      tpu.wait_indirect_dma semaphore(%arg18 : memref<!tpu.dma_semaphore, #tpu.memory_space<semaphore_mem>>) src(%dma_wait3A_99 : memref<10000x80xf32, #tpu.memory_space<hbm>>) dst(%arg12 : memref<125x80xf32, #tpu.memory_space<vmem>>)
      "tpu.region"() ({
        %run_scoped3A = tpu.sem_alloc : memref<!tpu.dma_semaphore, #tpu.memory_space<semaphore_mem>>
        %dma_start3A_107 = arith.constant 0 : i32
        %dma_start3A_108 = tpu.memref_slice %arg8[%add3A_93, %dma_start3A_107] : memref<80x125xi32, #tpu.memory_space<vmem>> -> memref<1x125xi32, #tpu.memory_space<vmem>>
        %dma_start3A_109 = tpu.memref_squeeze %dma_start3A_108 : memref<1x125xi32, #tpu.memory_space<vmem>> -> memref<125xi32, #tpu.memory_space<vmem>>
        %dma_start3A_110 = arith.constant 0 : i32
        %dma_start3A_111 = arith.constant 0 : i32
        %dma_start3A_112 = tpu.memref_slice %arg14[%dma_start3A_110, %dma_start3A_111] : memref<10000x80xf32, #tpu.memory_space<vmem_shared>> -> memref<10000x80xf32, #tpu.memory_space<vmem_shared>>
        tpu.enqueue_indirect_dma source(%arg12 : memref<125x80xf32, #tpu.memory_space<vmem>>) target(%dma_start3A_112 : memref<10000x80xf32, #tpu.memory_space<vmem_shared>>) offsets(%dma_start3A_109 : memref<125xi32, #tpu.memory_space<vmem>>) semaphore(%run_scoped3A : memref<!tpu.dma_semaphore, #tpu.memory_space<semaphore_mem>>) {add = true}
        %dma_wait3A_113 = arith.constant 0 : i32
        %dma_wait3A_114 = tpu.memref_slice %arg8[%add3A_93, %dma_wait3A_113] : memref<80x125xi32, #tpu.memory_space<vmem>> -> memref<1x125xi32, #tpu.memory_space<vmem>>
        %dma_wait3A_115 = tpu.memref_squeeze %dma_wait3A_114 : memref<1x125xi32, #tpu.memory_space<vmem>> -> memref<125xi32, #tpu.memory_space<vmem>>
        %dma_wait3A_116 = arith.constant 0 : i32
        %dma_wait3A_117 = arith.constant 0 : i32
        %dma_wait3A_118 = tpu.memref_slice %arg14[%dma_wait3A_116, %dma_wait3A_117] : memref<10000x80xf32, #tpu.memory_space<vmem_shared>> -> memref<10000x80xf32, #tpu.memory_space<vmem_shared>>
        tpu.wait_indirect_dma semaphore(%run_scoped3A : memref<!tpu.dma_semaphore, #tpu.memory_space<semaphore_mem>>) src(%arg12 : memref<125x80xf32, #tpu.memory_space<vmem>>) dst(%dma_wait3A_118 : memref<10000x80xf32, #tpu.memory_space<vmem_shared>>)
        tpu.yield
      }) : () -> ()
      %add3A_100 = arith.constant 4 : i32
      %add3A_101 = arith.addi %add3A_93, %add3A_100 : i32
      %lt3A_102 = arith.constant 80 : i32
      %lt3A_103 = arith.cmpi slt, %add3A_101, %lt3A_102 : i32
      %convert_element_type3A_104 = arith.extui %lt3A_103 : i1 to i32
      %cond3A_105 = arith.constant 0 : i32
      %cond3A_106 = arith.cmpi ne, %convert_element_type3A_104, %cond3A_105 : i32
      scf.if %cond3A_106 {
        %add3A_107 = arith.constant 4 : i32
        %add3A_108 = arith.addi %add3A_93, %add3A_107 : i32
        %dma_start3A_109 = arith.constant 0 : i32
        %dma_start3A_110 = tpu.memref_slice %arg7[%add3A_108, %dma_start3A_109] : memref<80x125xi32, #tpu.memory_space<vmem>> -> memref<1x125xi32, #tpu.memory_space<vmem>>
        %dma_start3A_111 = tpu.memref_squeeze %dma_start3A_110 : memref<1x125xi32, #tpu.memory_space<vmem>> -> memref<125xi32, #tpu.memory_space<vmem>>
        %dma_start3A_112 = arith.constant 0 : i32
        %dma_start3A_113 = arith.constant 0 : i32
        %dma_start3A_114 = tpu.memref_slice %arg2[%dma_start3A_112, %dma_start3A_113] : memref<10000x80xf32, #tpu.memory_space<hbm>> -> memref<10000x80xf32, #tpu.memory_space<hbm>>
        tpu.enqueue_indirect_dma source(%dma_start3A_114 : memref<10000x80xf32, #tpu.memory_space<hbm>>) target(%arg12 : memref<125x80xf32, #tpu.memory_space<vmem>>) offsets(%dma_start3A_111 : memref<125xi32, #tpu.memory_space<vmem>>) semaphore(%arg18 : memref<!tpu.dma_semaphore, #tpu.memory_space<semaphore_mem>>)
      } else {
      }
    }
    %scan3A_40 = arith.constant 20 : i32
    %barrier3A_41 = arith.constant 0 : index
    tpu.barrier barrier_id(%barrier3A_41)
    %scan3A_42 = arith.constant 0 : i32
    %scan3A_43 = arith.constant 0 : i32
    %scan3A_44 = arith.constant 5 : i32
    %scan3A_45 = arith.addi %scan3A_43, %scan3A_44 : i32
    %scan3A_46 = arith.constant 1 : i32
    scf.for %scan3A_48 = %scan3A_43 to %scan3A_45 step %scan3A_46  : i32 {
      %mul3A_49 = arith.constant 125 : i32
      %mul3A_50 = arith.muli %scan3A_48, %mul3A_49 : i32
      %add3A_51 = arith.addi %mul3A_2, %mul3A_50 : i32
      "tpu.region"() ({
        %run_scoped3A = tpu.sem_alloc : memref<!tpu.dma_semaphore, #tpu.memory_space<semaphore_mem>>
        %dma_start3A_52 = arith.constant 0 : i32
        %dma_start3A_53 = tpu.memref_slice %arg14[%add3A_51, %dma_start3A_52] : memref<10000x80xf32, #tpu.memory_space<vmem_shared>> -> memref<125x80xf32, #tpu.memory_space<vmem_shared>>
        %dma_start3A_54 = arith.constant 0 : i32
        %dma_start3A_55 = tpu.memref_slice %arg14[%add3A_51, %dma_start3A_54] : memref<10000x80xf32, #tpu.memory_space<vmem_shared>> -> memref<125x80xf32, #tpu.memory_space<vmem_shared>>
        tpu.enqueue_dma source(%dma_start3A_55 : memref<125x80xf32, #tpu.memory_space<vmem_shared>>) target(%arg13 : memref<125x80xf32, #tpu.memory_space<vmem>>) target_semaphore(%run_scoped3A : memref<!tpu.dma_semaphore, #tpu.memory_space<semaphore_mem>>)
        %dma_wait3A = arith.constant 0 : i32
        %dma_wait3A_56 = tpu.memref_slice %arg14[%add3A_51, %dma_wait3A] : memref<10000x80xf32, #tpu.memory_space<vmem_shared>> -> memref<125x80xf32, #tpu.memory_space<vmem_shared>>
        %dma_wait3A_57 = arith.constant 0 : i32
        %dma_wait3A_58 = tpu.memref_slice %arg14[%add3A_51, %dma_wait3A_57] : memref<10000x80xf32, #tpu.memory_space<vmem_shared>> -> memref<125x80xf32, #tpu.memory_space<vmem_shared>>
        tpu.wait_dma2 semaphore(%run_scoped3A : memref<!tpu.dma_semaphore, #tpu.memory_space<semaphore_mem>>) src(%dma_wait3A_58 : memref<125x80xf32, #tpu.memory_space<vmem_shared>>) dst(%arg13 : memref<125x80xf32, #tpu.memory_space<vmem>>)
        tpu.yield
      }) : () -> ()
      "tpu.region"() ({
        %run_scoped3A = tpu.sem_alloc : memref<!tpu.dma_semaphore, #tpu.memory_space<semaphore_mem>>
        %dma_start3A_52 = arith.constant 0 : i32
        %dma_start3A_53 = tpu.memref_slice %arg6[%arg0, %add3A_51, %dma_start3A_52] : memref<2x10000x80xf32, #tpu.memory_space<hbm>> -> memref<1x125x80xf32, #tpu.memory_space<hbm>>
        %dma_start3A_54 = tpu.memref_squeeze %dma_start3A_53 : memref<1x125x80xf32, #tpu.memory_space<hbm>> -> memref<125x80xf32, #tpu.memory_space<hbm>>
        %dma_start3A_55 = arith.constant 0 : i32
        %dma_start3A_56 = tpu.memref_slice %arg6[%arg0, %add3A_51, %dma_start3A_55] : memref<2x10000x80xf32, #tpu.memory_space<hbm>> -> memref<1x125x80xf32, #tpu.memory_space<hbm>>
        %dma_start3A_57 = tpu.memref_squeeze %dma_start3A_56 : memref<1x125x80xf32, #tpu.memory_space<hbm>> -> memref<125x80xf32, #tpu.memory_space<hbm>>
        tpu.enqueue_dma source(%arg13 : memref<125x80xf32, #tpu.memory_space<vmem>>) target(%dma_start3A_57 : memref<125x80xf32, #tpu.memory_space<hbm>>) target_semaphore(%run_scoped3A : memref<!tpu.dma_semaphore, #tpu.memory_space<semaphore_mem>>)
        %dma_wait3A = arith.constant 0 : i32
        %dma_wait3A_58 = tpu.memref_slice %arg6[%arg0, %add3A_51, %dma_wait3A] : memref<2x10000x80xf32, #tpu.memory_space<hbm>> -> memref<1x125x80xf32, #tpu.memory_space<hbm>>
        %dma_wait3A_59 = tpu.memref_squeeze %dma_wait3A_58 : memref<1x125x80xf32, #tpu.memory_space<hbm>> -> memref<125x80xf32, #tpu.memory_space<hbm>>
        %dma_wait3A_60 = arith.constant 0 : i32
        %dma_wait3A_61 = tpu.memref_slice %arg6[%arg0, %add3A_51, %dma_wait3A_60] : memref<2x10000x80xf32, #tpu.memory_space<hbm>> -> memref<1x125x80xf32, #tpu.memory_space<hbm>>
        %dma_wait3A_62 = tpu.memref_squeeze %dma_wait3A_61 : memref<1x125x80xf32, #tpu.memory_space<hbm>> -> memref<125x80xf32, #tpu.memory_space<hbm>>
        tpu.wait_dma2 semaphore(%run_scoped3A : memref<!tpu.dma_semaphore, #tpu.memory_space<semaphore_mem>>) src(%arg13 : memref<125x80xf32, #tpu.memory_space<vmem>>) dst(%dma_wait3A_62 : memref<125x80xf32, #tpu.memory_space<hbm>>)
        tpu.yield
      }) : () -> ()
    }
    %scan3A_47 = arith.constant 5 : i32
    return
  }
}

module attributes {stable_mosaic.version = 14 : i64} {
  func.func @tc_proj(%arg0: memref<10000x128xf32, #tpu.memory_space<vmem>>, %arg1: memref<128x64xf32, #tpu.memory_space<vmem>>, %arg2: memref<128x64xf32, #tpu.memory_space<vmem>>, %arg3: memref<1x64xf32, #tpu.memory_space<vmem>>, %arg4: memref<10000x80xf32, #tpu.memory_space<vmem>>, %arg5: memref<10000x64xf32, #tpu.memory_space<vmem>>) attributes {dimension_semantics = [], scalar_prefetch = 0 : i64, scratch_operands = 0 : i64, tpu.core_type = #tpu.core_type<tc>} {
    %get3A = arith.constant 0 : index
    %get3A_0 = arith.constant 0 : index
    %get3A_1 = vector.load %arg0[%get3A, %get3A_0] : memref<10000x128xf32, #tpu.memory_space<vmem>>, vector<10000x128xf32>
    %get3A_2 = arith.constant 0 : index
    %get3A_3 = arith.constant 0 : index
    %get3A_4 = vector.load %arg1[%get3A_2, %get3A_3] : memref<128x64xf32, #tpu.memory_space<vmem>>, vector<128x64xf32>
    %dot_general3A = arith.constant dense<0.000000e+00> : vector<10000x64xf32>
    %dot_general3A_5 = tpu.matmul %get3A_1, %get3A_4, %dot_general3A {dimension_numbers = #tpu.dot_dimension_numbers<[1], [0], [0], [1], [0, 0, 1, 1], [], []>, transpose_lhs_hint = false} : vector<10000x128xf32>, vector<128x64xf32>, vector<10000x64xf32> -> vector<10000x64xf32>
    %broadcast_in_dim3A = arith.constant 1.000000e+00 : f32
    %broadcast_in_dim3A_6 = vector.broadcast %broadcast_in_dim3A : f32 to vector<10000x16xf32>
    %concatenate3A = tpu.concatenate %dot_general3A_5, %broadcast_in_dim3A_6 in 1 : vector<10000x64xf32>, vector<10000x16xf32> -> vector<10000x80xf32>
    %swap3A = arith.constant 0 : index
    %swap3A_7 = arith.constant 0 : index
    %swap3A_8 = vector.load %arg4[%swap3A, %swap3A_7] : memref<10000x80xf32, #tpu.memory_space<vmem>>, vector<10000x80xf32>
    tpu.vector_store %arg4[%swap3A, %swap3A_7], %concatenate3A {strides = array<i32>} : memref<10000x80xf32, #tpu.memory_space<vmem>>, vector<10000x80xf32>,
    %get3A_9 = arith.constant 0 : index
    %get3A_10 = arith.constant 0 : index
    %get3A_11 = vector.load %arg2[%get3A_9, %get3A_10] : memref<128x64xf32, #tpu.memory_space<vmem>>, vector<128x64xf32>
    %dot_general3A_12 = arith.constant dense<0.000000e+00> : vector<10000x64xf32>
    %dot_general3A_13 = tpu.matmul %get3A_1, %get3A_11, %dot_general3A_12 {dimension_numbers = #tpu.dot_dimension_numbers<[1], [0], [0], [1], [0, 0, 1, 1], [], []>, transpose_lhs_hint = false} : vector<10000x128xf32>, vector<128x64xf32>, vector<10000x64xf32> -> vector<10000x64xf32>
    %get3A_14 = arith.constant 0 : index
    %get3A_15 = arith.constant 0 : index
    %get3A_16 = vector.load %arg3[%get3A_14, %get3A_15] : memref<1x64xf32, #tpu.memory_space<vmem>>, vector<1x64xf32>
    %add3A = vector.broadcast %get3A_16 : vector<1x64xf32> to vector<10000x64xf32>
    %add3A_17 = arith.addf %dot_general3A_13, %add3A : vector<10000x64xf32>
    %swap3A_18 = arith.constant 0 : index
    %swap3A_19 = arith.constant 0 : index
    %swap3A_20 = vector.load %arg5[%swap3A_18, %swap3A_19] : memref<10000x64xf32, #tpu.memory_space<vmem>>, vector<10000x64xf32>
    tpu.vector_store %arg5[%swap3A_18, %swap3A_19], %add3A_17 {strides = array<i32>} : memref<10000x64xf32, #tpu.memory_space<vmem>>, vector<10000x64xf32>,
    return
  }
}

module attributes {stable_mosaic.version = 14 : i64} {
  func.func @tc_combine0(%arg0: memref<2x10000x80xf32, #tpu.memory_space<vmem>>, %arg1: memref<10000x64xf32, #tpu.memory_space<vmem>>, %arg2: memref<64x64xf32, #tpu.memory_space<vmem>>, %arg3: memref<64x64xf32, #tpu.memory_space<vmem>>, %arg4: memref<1x64xf32, #tpu.memory_space<vmem>>, %arg5: memref<10000x64xf32, #tpu.memory_space<vmem>>, %arg6: memref<10000x64xf32, #tpu.memory_space<vmem>>, %arg7: memref<10000x64xf32, #tpu.memory_space<vmem>>) attributes {dimension_semantics = [], scalar_prefetch = 0 : i64, scratch_operands = 0 : i64, tpu.core_type = #tpu.core_type<tc>} {
    %get3A = arith.constant 0 : index
    %get3A_0 = arith.constant 0 : index
    %get3A_1 = arith.constant 64 : index
    %get3A_2 = vector.load %arg0[%get3A, %get3A_0, %get3A_1] : memref<2x10000x80xf32, #tpu.memory_space<vmem>>, vector<1x10000x1xf32>
    %get3A_3 = vector.shape_cast %get3A_2 : vector<1x10000x1xf32> to vector<10000x1xf32>
    %get3A_4 = arith.constant 1 : index
    %get3A_5 = arith.constant 0 : index
    %get3A_6 = arith.constant 64 : index
    %get3A_7 = vector.load %arg0[%get3A_4, %get3A_5, %get3A_6] : memref<2x10000x80xf32, #tpu.memory_space<vmem>>, vector<1x10000x1xf32>
    %get3A_8 = vector.shape_cast %get3A_7 : vector<1x10000x1xf32> to vector<10000x1xf32>
    %add3A = arith.addf %get3A_3, %get3A_8 : vector<10000x1xf32>
    %max3A = arith.constant 1.000000e+00 : f32
    %max3A_9 = vector.broadcast %max3A : f32 to vector<10000x1xf32>
    %max3A_10 = arith.maximumf %add3A, %max3A_9 : vector<10000x1xf32>
    %div3A = arith.constant 1.000000e+00 : f32
    %div3A_11 = vector.broadcast %div3A : f32 to vector<10000x1xf32>
    %div3A_12 = arith.divf %div3A_11, %max3A_10 : vector<10000x1xf32>
    %broadcast_in_dim3A = vector.shape_cast %div3A_12 : vector<10000x1xf32> to vector<10000x1xf32>
    %broadcast_in_dim3A_13 = vector.broadcast %broadcast_in_dim3A : vector<10000x1xf32> to vector<10000x64xf32>
    %swap3A = arith.constant 0 : index
    %swap3A_14 = arith.constant 0 : index
    %swap3A_15 = vector.load %arg7[%swap3A, %swap3A_14] : memref<10000x64xf32, #tpu.memory_space<vmem>>, vector<10000x64xf32>
    tpu.vector_store %arg7[%swap3A, %swap3A_14], %broadcast_in_dim3A_13 {strides = array<i32>} : memref<10000x64xf32, #tpu.memory_space<vmem>>, vector<10000x64xf32>,
    %get3A_16 = arith.constant 0 : index
    %get3A_17 = arith.constant 0 : index
    %get3A_18 = arith.constant 0 : index
    %get3A_19 = vector.load %arg0[%get3A_16, %get3A_17, %get3A_18] : memref<2x10000x80xf32, #tpu.memory_space<vmem>>, vector<1x10000x64xf32>
    %get3A_20 = vector.shape_cast %get3A_19 : vector<1x10000x64xf32> to vector<10000x64xf32>
    %get3A_21 = arith.constant 1 : index
    %get3A_22 = arith.constant 0 : index
    %get3A_23 = arith.constant 0 : index
    %get3A_24 = vector.load %arg0[%get3A_21, %get3A_22, %get3A_23] : memref<2x10000x80xf32, #tpu.memory_space<vmem>>, vector<1x10000x64xf32>
    %get3A_25 = vector.shape_cast %get3A_24 : vector<1x10000x64xf32> to vector<10000x64xf32>
    %add3A_26 = arith.addf %get3A_20, %get3A_25 : vector<10000x64xf32>
    %mul3A = vector.broadcast %div3A_12 : vector<10000x1xf32> to vector<10000x64xf32>
    %mul3A_27 = arith.mulf %add3A_26, %mul3A : vector<10000x64xf32>
    %get3A_28 = arith.constant 0 : index
    %get3A_29 = arith.constant 0 : index
    %get3A_30 = vector.load %arg1[%get3A_28, %get3A_29] : memref<10000x64xf32, #tpu.memory_space<vmem>>, vector<10000x64xf32>
    %add3A_31 = arith.addf %mul3A_27, %get3A_30 : vector<10000x64xf32>
    %max3A_32 = arith.constant 0.000000e+00 : f32
    %max3A_33 = vector.broadcast %max3A_32 : f32 to vector<10000x64xf32>
    %max3A_34 = arith.maximumf %add3A_31, %max3A_33 : vector<10000x64xf32>
    %get3A_35 = arith.constant 0 : index
    %get3A_36 = arith.constant 0 : index
    %get3A_37 = vector.load %arg2[%get3A_35, %get3A_36] : memref<64x64xf32, #tpu.memory_space<vmem>>, vector<64x64xf32>
    %dot_general3A = arith.constant dense<0.000000e+00> : vector<10000x64xf32>
    %dot_general3A_38 = tpu.matmul %max3A_34, %get3A_37, %dot_general3A {dimension_numbers = #tpu.dot_dimension_numbers<[1], [0], [0], [1], [0, 0, 1, 1], [], []>, transpose_lhs_hint = false} : vector<10000x64xf32>, vector<64x64xf32>, vector<10000x64xf32> -> vector<10000x64xf32>
    %swap3A_39 = arith.constant 0 : index
    %swap3A_40 = arith.constant 0 : index
    %swap3A_41 = vector.load %arg5[%swap3A_39, %swap3A_40] : memref<10000x64xf32, #tpu.memory_space<vmem>>, vector<10000x64xf32>
    tpu.vector_store %arg5[%swap3A_39, %swap3A_40], %dot_general3A_38 {strides = array<i32>} : memref<10000x64xf32, #tpu.memory_space<vmem>>, vector<10000x64xf32>,
    %get3A_42 = arith.constant 0 : index
    %get3A_43 = arith.constant 0 : index
    %get3A_44 = vector.load %arg3[%get3A_42, %get3A_43] : memref<64x64xf32, #tpu.memory_space<vmem>>, vector<64x64xf32>
    %dot_general3A_45 = arith.constant dense<0.000000e+00> : vector<10000x64xf32>
    %dot_general3A_46 = tpu.matmul %max3A_34, %get3A_44, %dot_general3A_45 {dimension_numbers = #tpu.dot_dimension_numbers<[1], [0], [0], [1], [0, 0, 1, 1], [], []>, transpose_lhs_hint = false} : vector<10000x64xf32>, vector<64x64xf32>, vector<10000x64xf32> -> vector<10000x64xf32>
    %get3A_47 = arith.constant 0 : index
    %get3A_48 = arith.constant 0 : index
    %get3A_49 = vector.load %arg4[%get3A_47, %get3A_48] : memref<1x64xf32, #tpu.memory_space<vmem>>, vector<1x64xf32>
    %add3A_50 = vector.broadcast %get3A_49 : vector<1x64xf32> to vector<10000x64xf32>
    %add3A_51 = arith.addf %dot_general3A_46, %add3A_50 : vector<10000x64xf32>
    %swap3A_52 = arith.constant 0 : index
    %swap3A_53 = arith.constant 0 : index
    %swap3A_54 = vector.load %arg6[%swap3A_52, %swap3A_53] : memref<10000x64xf32, #tpu.memory_space<vmem>>, vector<10000x64xf32>
    tpu.vector_store %arg6[%swap3A_52, %swap3A_53], %add3A_51 {strides = array<i32>} : memref<10000x64xf32, #tpu.memory_space<vmem>>, vector<10000x64xf32>,
    return
  }
}

module attributes {stable_mosaic.version = 14 : i64} {
  func.func @tc_combine(%arg0: memref<2x10000x64xf32, #tpu.memory_space<vmem>>, %arg1: memref<10000x64xf32, #tpu.memory_space<vmem>>, %arg2: memref<10000x64xf32, #tpu.memory_space<vmem>>, %arg3: memref<64x64xf32, #tpu.memory_space<vmem>>, %arg4: memref<64x64xf32, #tpu.memory_space<vmem>>, %arg5: memref<1x64xf32, #tpu.memory_space<vmem>>, %arg6: memref<10000x64xf32, #tpu.memory_space<vmem>>, %arg7: memref<10000x64xf32, #tpu.memory_space<vmem>>) attributes {dimension_semantics = [], scalar_prefetch = 0 : i64, scratch_operands = 0 : i64, tpu.core_type = #tpu.core_type<tc>} {
    %get3A = arith.constant 0 : index
    %get3A_0 = arith.constant 0 : index
    %get3A_1 = vector.load %arg1[%get3A, %get3A_0] : memref<10000x64xf32, #tpu.memory_space<vmem>>, vector<10000x64xf32>
    %get3A_2 = arith.constant 0 : index
    %get3A_3 = arith.constant 0 : index
    %get3A_4 = arith.constant 0 : index
    %get3A_5 = vector.load %arg0[%get3A_2, %get3A_3, %get3A_4] : memref<2x10000x64xf32, #tpu.memory_space<vmem>>, vector<1x10000x64xf32>
    %get3A_6 = vector.shape_cast %get3A_5 : vector<1x10000x64xf32> to vector<10000x64xf32>
    %get3A_7 = arith.constant 1 : index
    %get3A_8 = arith.constant 0 : index
    %get3A_9 = arith.constant 0 : index
    %get3A_10 = vector.load %arg0[%get3A_7, %get3A_8, %get3A_9] : memref<2x10000x64xf32, #tpu.memory_space<vmem>>, vector<1x10000x64xf32>
    %get3A_11 = vector.shape_cast %get3A_10 : vector<1x10000x64xf32> to vector<10000x64xf32>
    %add3A = arith.addf %get3A_6, %get3A_11 : vector<10000x64xf32>
    %mul3A = arith.mulf %add3A, %get3A_1 : vector<10000x64xf32>
    %get3A_12 = arith.constant 0 : index
    %get3A_13 = arith.constant 0 : index
    %get3A_14 = vector.load %arg2[%get3A_12, %get3A_13] : memref<10000x64xf32, #tpu.memory_space<vmem>>, vector<10000x64xf32>
    %add3A_15 = arith.addf %mul3A, %get3A_14 : vector<10000x64xf32>
    %max3A = arith.constant 0.000000e+00 : f32
    %max3A_16 = vector.broadcast %max3A : f32 to vector<10000x64xf32>
    %max3A_17 = arith.maximumf %add3A_15, %max3A_16 : vector<10000x64xf32>
    %get3A_18 = arith.constant 0 : index
    %get3A_19 = arith.constant 0 : index
    %get3A_20 = vector.load %arg3[%get3A_18, %get3A_19] : memref<64x64xf32, #tpu.memory_space<vmem>>, vector<64x64xf32>
    %dot_general3A = arith.constant dense<0.000000e+00> : vector<10000x64xf32>
    %dot_general3A_21 = tpu.matmul %max3A_17, %get3A_20, %dot_general3A {dimension_numbers = #tpu.dot_dimension_numbers<[1], [0], [0], [1], [0, 0, 1, 1], [], []>, transpose_lhs_hint = false} : vector<10000x64xf32>, vector<64x64xf32>, vector<10000x64xf32> -> vector<10000x64xf32>
    %swap3A = arith.constant 0 : index
    %swap3A_22 = arith.constant 0 : index
    %swap3A_23 = vector.load %arg6[%swap3A, %swap3A_22] : memref<10000x64xf32, #tpu.memory_space<vmem>>, vector<10000x64xf32>
    tpu.vector_store %arg6[%swap3A, %swap3A_22], %dot_general3A_21 {strides = array<i32>} : memref<10000x64xf32, #tpu.memory_space<vmem>>, vector<10000x64xf32>,
    %get3A_24 = arith.constant 0 : index
    %get3A_25 = arith.constant 0 : index
    %get3A_26 = vector.load %arg4[%get3A_24, %get3A_25] : memref<64x64xf32, #tpu.memory_space<vmem>>, vector<64x64xf32>
    %dot_general3A_27 = arith.constant dense<0.000000e+00> : vector<10000x64xf32>
    %dot_general3A_28 = tpu.matmul %max3A_17, %get3A_26, %dot_general3A_27 {dimension_numbers = #tpu.dot_dimension_numbers<[1], [0], [0], [1], [0, 0, 1, 1], [], []>, transpose_lhs_hint = false} : vector<10000x64xf32>, vector<64x64xf32>, vector<10000x64xf32> -> vector<10000x64xf32>
    %get3A_29 = arith.constant 0 : index
    %get3A_30 = arith.constant 0 : index
    %get3A_31 = vector.load %arg5[%get3A_29, %get3A_30] : memref<1x64xf32, #tpu.memory_space<vmem>>, vector<1x64xf32>
    %add3A_32 = vector.broadcast %get3A_31 : vector<1x64xf32> to vector<10000x64xf32>
    %add3A_33 = arith.addf %dot_general3A_28, %add3A_32 : vector<10000x64xf32>
    %swap3A_34 = arith.constant 0 : index
    %swap3A_35 = arith.constant 0 : index
    %swap3A_36 = vector.load %arg7[%swap3A_34, %swap3A_35] : memref<10000x64xf32, #tpu.memory_space<vmem>>, vector<10000x64xf32>
    tpu.vector_store %arg7[%swap3A_34, %swap3A_35], %add3A_33 {strides = array<i32>} : memref<10000x64xf32, #tpu.memory_space<vmem>>, vector<10000x64xf32>,
    return
  }
}

module attributes {stable_mosaic.version = 14 : i64} {
  func.func @tc_head(%arg0: memref<2x10000x64xf32, #tpu.memory_space<vmem>>, %arg1: memref<10000x64xf32, #tpu.memory_space<vmem>>, %arg2: memref<10000x64xf32, #tpu.memory_space<vmem>>, %arg3: memref<64x2xf32, #tpu.memory_space<vmem>>, %arg4: memref<1x2xf32, #tpu.memory_space<vmem>>, %arg5: memref<10000x2xf32, #tpu.memory_space<vmem>>) attributes {dimension_semantics = [], scalar_prefetch = 0 : i64, scratch_operands = 0 : i64, tpu.core_type = #tpu.core_type<tc>} {
    %get3A = arith.constant 0 : index
    %get3A_0 = arith.constant 0 : index
    %get3A_1 = arith.constant 0 : index
    %get3A_2 = vector.load %arg0[%get3A, %get3A_0, %get3A_1] : memref<2x10000x64xf32, #tpu.memory_space<vmem>>, vector<1x10000x64xf32>
    %get3A_3 = vector.shape_cast %get3A_2 : vector<1x10000x64xf32> to vector<10000x64xf32>
    %get3A_4 = arith.constant 1 : index
    %get3A_5 = arith.constant 0 : index
    %get3A_6 = arith.constant 0 : index
    %get3A_7 = vector.load %arg0[%get3A_4, %get3A_5, %get3A_6] : memref<2x10000x64xf32, #tpu.memory_space<vmem>>, vector<1x10000x64xf32>
    %get3A_8 = vector.shape_cast %get3A_7 : vector<1x10000x64xf32> to vector<10000x64xf32>
    %add3A = arith.addf %get3A_3, %get3A_8 : vector<10000x64xf32>
    %get3A_9 = arith.constant 0 : index
    %get3A_10 = arith.constant 0 : index
    %get3A_11 = vector.load %arg1[%get3A_9, %get3A_10] : memref<10000x64xf32, #tpu.memory_space<vmem>>, vector<10000x64xf32>
    %mul3A = arith.mulf %add3A, %get3A_11 : vector<10000x64xf32>
    %get3A_12 = arith.constant 0 : index
    %get3A_13 = arith.constant 0 : index
    %get3A_14 = vector.load %arg2[%get3A_12, %get3A_13] : memref<10000x64xf32, #tpu.memory_space<vmem>>, vector<10000x64xf32>
    %add3A_15 = arith.addf %mul3A, %get3A_14 : vector<10000x64xf32>
    %max3A = arith.constant 0.000000e+00 : f32
    %max3A_16 = vector.broadcast %max3A : f32 to vector<10000x64xf32>
    %max3A_17 = arith.maximumf %add3A_15, %max3A_16 : vector<10000x64xf32>
    %get3A_18 = arith.constant 0 : index
    %get3A_19 = arith.constant 0 : index
    %get3A_20 = vector.load %arg3[%get3A_18, %get3A_19] : memref<64x2xf32, #tpu.memory_space<vmem>>, vector<64x2xf32>
    %dot_general3A = arith.constant dense<0.000000e+00> : vector<10000x2xf32>
    %dot_general3A_21 = tpu.matmul %max3A_17, %get3A_20, %dot_general3A {dimension_numbers = #tpu.dot_dimension_numbers<[1], [0], [0], [1], [0, 0, 1, 1], [], []>, transpose_lhs_hint = false} : vector<10000x64xf32>, vector<64x2xf32>, vector<10000x2xf32> -> vector<10000x2xf32>
    %get3A_22 = arith.constant 0 : index
    %get3A_23 = arith.constant 0 : index
    %get3A_24 = vector.load %arg4[%get3A_22, %get3A_23] : memref<1x2xf32, #tpu.memory_space<vmem>>, vector<1x2xf32>
    %add3A_25 = vector.broadcast %get3A_24 : vector<1x2xf32> to vector<10000x2xf32>
    %add3A_26 = arith.addf %dot_general3A_21, %add3A_25 : vector<10000x2xf32>
    %swap3A = arith.constant 0 : index
    %swap3A_27 = arith.constant 0 : index
    %swap3A_28 = vector.load %arg5[%swap3A, %swap3A_27] : memref<10000x2xf32, #tpu.memory_space<vmem>>, vector<10000x2xf32>
    tpu.vector_store %arg5[%swap3A, %swap3A_27], %add3A_26 {strides = array<i32>} : memref<10000x2xf32, #tpu.memory_space<vmem>>, vector<10000x2xf32>,
    return
  }
}

</mosaic_0001>

<sc_bundles>
// kernel: sc_edge_aggregate64.4.cloned.1.call-start
scs
__scs_entry_jumppad:
0x0: {  	(pc) =	sbr.rel $0x88, $3  }
0x1: {  	(tag) =	ssettag $0x0;
	lr =	simm.s32 $0x1  }
0x2: {  	[smem:$0x3F94] =	sst lr;
	_ =	strace $0xD0000000  }
0x3: {  	_ = 	snop  }
0x4: {  	_ = 	snop  }
0x5: {  	_ = 	snop  }
0x6: {  	_ = 	snop  }
0x7: {  	_ = 	snop  }
__scs_overlays_trampoline_lowered:
0x8: {  	[smem:$0x3FA3] =	sst s0  }
0x9: {  	[smem:$0x3FA4] =	sst s1  }
0xa: {  	[smem:$0x3FA5] =	sst s2  }
0xb: {  	[smem:$0x3FA6] =	sst s3  }
0xc: {  	[smem:$0x3FA7] =	sst s4  }
0xd: {  	[smem:$0x3FA8] =	sst s5  }
0xe: {  	[smem:$0x3FA9] =	sst s6  }
0xf: {  	[smem:$0x3FAA] =	sst s7  }
0x10: {  	[smem:$0x3FAB] =	sst s8  }
0x11: {  	[smem:$0x3FAC] =	sst s9;
	s0 =	simm.s32 @!p0 $0x0  }
0x12: {  	s1 =	sld [smem:$0x3F92];
	s0 =	simm.s32 @p0 $0x1  }
0x13: {  	[smem:$0x3FAD] =	sst s0;
	s0 =	simm.s32 @!p1 $0x0  }
0x14: {  	s2 =	sld [smem:$0x3F91];
	s0 =	simm.s32 @p1 $0x1  }
0x15: {  	[smem:$0x3FAE] =	sst s0;
	s0 =	simm.s32 @!p2 $0x0  }
0x16: {  	s3 =	sld [smem:$0x3FDB];
	s0 =	simm.s32 @p2 $0x1  }
0x17: {  	s4 =	simm.s32 $0x1BF5;
	[smem:$0x3FB0] =	sst s0  }
0x18: {  	s0 =	sld [smem:$0x3F93];
	_ =	swait.ge [sflag:s4], $0x0  }
0x19: {  	s7 =	sld [smem:$0x3F94]  }
0x1a: {  	s8 =	sadd.s32 $0xFFFFE003, lr  }
0x1b: {  	s9 =	sadd.s32 $0xFFFFFEF7, lr;
	s5 =	simm.s32 $0xFFFFFFFF;
	p2 =	slt.u32 s8, $0xFFFFF086  }
0x1c: {  	p1 =	slt.u32 s9, $0xF7A;
	s5 =	simm.s32 @!p2 $0x0  }
0x1d: {  	s5 =	simm.s32 @p1 $0x1;
	p0 =	seq.s32 s7, s2  }
0x1e: {  	s7 =	smul.u32 @!p0 $0xF7A, s2;
	p2 =	seq.s32 @!p0 s5, $0x0  }
0x1f: {  	s9 =	smul.u32 $0xF7A, s1;
	s8 =	simm.s32 @!p0 $0x1BF5;
	p2 =	por !p2, p0  }
0x20: {  	[sflag:s8] =	ssyncset.s32 @!p0 $0xFFFFF086;
	s6 =	sadd.s32 @!p0 s3, s7;
	s7 =	simm.s32 @!p0 $0x108  }
0x21: {  	s3 =	sadd.s32 s3, s9;
	s6 =	sadd.s32 @!p0 $0x88, s6;
	s7 =	simm.s32 @p2 $0x1082  }
0x22: {  	[simem:s7], [sflag:s8] =	dma.local @!p0 [hbm:s6], $0xF7A  }
0x23: {  	s9 =	sor.u32 $0xD0000000, s2;
	s6 =	simm.s32 $0x108;
	_ =	swait.ge @!p0 [sflag:s8], $0x0  }
0x24: {  	s3 =	sadd.s32 $0x88, s3;
	s6 =	simm.s32 @!p1 $0x1082;
	[sflag:s4] =	ssyncset.s32 $0xFFFFF086  }
0x25: {  	[simem:s6], [sflag:s4] =	dma.local [hbm:s3], $0xF7A  }
0x26: {  	[smem:$0x3F94] =	sst s1;
	(tag) =	ssettag s2;
	_ =	strace s9  }
0x27: {  	s1 =	sld [smem:$0x3FA4]  }
0x28: {  	s2 =	sld [smem:$0x3FA5]  }
0x29: {  	s4 =	sld [smem:$0x3FA7]  }
0x2a: {  	p0 =	seq.s32 s5, $0x0;
	s5 =	sld [smem:$0x3FA8]  }
0x2b: {  	s6 =	sld [smem:$0x3FA9]  }
0x2c: {  	s7 =	sld [smem:$0x3FAA]  }
0x2d: {  	s3 =	simm.s32 $0x108;
	s8 =	sld [smem:$0x3FAB]  }
0x2e: {  	s3 =	simm.s32 @!p0 $0x1082;
	s9 =	sld [smem:$0x3FAC]  }
0x2f: {  	lr =	sadd.s32 s0, s3;
	s0 =	sld [smem:$0x3FA3]  }
0x30: {  	s3 =	sld [smem:$0x3FA6]  }
0x31: {  	[smem:$0x3FAF] =	sst s10  }
0x32: {  	s10 =	sld [smem:$0x3FAD];
	_ =	sdelay $0x3  }
0x33: {  	p0 =	seq.s32 s10, $0x1;
	s10 =	sld [smem:$0x3FAF];
	_ =	sdelay $0x3  }
0x34: {  	[smem:$0x3FAF] =	sst s10  }
0x35: {  	s10 =	sld [smem:$0x3FAE];
	_ =	sdelay $0x3  }
0x36: {  	p1 =	seq.s32 s10, $0x1;
	s10 =	sld [smem:$0x3FAF];
	_ =	sdelay $0x3  }
0x37: {  	[smem:$0x3FAF] =	sst s10  }
0x38: {  	s10 =	sld [smem:$0x3FB0]  }
0x39: {  	_ = 	snop;
	(pc) =	sbr.ind lr, $3  }
0x3a: {  	_ = 	snop  }
0x3b: {  	_ = 	snop  }
0x3c: {  	p2 =	seq.s32 s10, $0x1;
	s10 =	sld [smem:$0x3FAF]  }
0x3d: {  	_ =	shalt  }
0x3e: {  	_ =	shalt  }
0x3f: {  	_ =	shalt  }
0x40: {  	_ =	shalt  }
0x41: {  	_ =	shalt  }
0x42: {  	_ =	shalt  }
0x43: {  	_ =	shalt  }
0x44: {  	_ =	shalt  }
0x45: {  	_ =	shalt  }
0x46: {  	_ =	shalt  }
0x47: {  	_ =	shalt  }
0x48: {  	_ =	shalt  }
0x49: {  	_ =	shalt  }
0x4a: {  	_ =	shalt  }
0x4b: {  	_ =	shalt  }
0x4c: {  	_ =	shalt  }
0x4d: {  	_ =	shalt  }
0x4e: {  	_ =	shalt  }
0x4f: {  	_ =	shalt  }
0x50: {  	_ =	shalt  }
0x51: {  	_ =	shalt  }
0x52: {  	_ =	shalt  }
0x53: {  	_ =	shalt  }
0x54: {  	_ =	shalt  }
0x55: {  	_ =	shalt  }
0x56: {  	_ =	shalt  }
0x57: {  	_ =	shalt  }
0x58: {  	_ =	shalt  }
0x59: {  	_ =	shalt  }
0x5a: {  	_ =	shalt  }
0x5b: {  	_ =	shalt  }
0x5c: {  	_ =	shalt  }
0x5d: {  	_ =	shalt  }
0x5e: {  	_ =	shalt  }
0x5f: {  	_ =	shalt  }
0x60: {  	_ =	shalt  }
0x61: {  	_ =	shalt  }
0x62: {  	_ =	shalt  }
0x63: {  	_ =	shalt  }
0x64: {  	_ =	shalt  }
0x65: {  	_ =	shalt  }
0x66: {  	_ =	shalt  }
0x67: {  	_ =	shalt  }
0x68: {  	_ =	shalt  }
0x69: {  	_ =	shalt  }
0x6a: {  	_ =	shalt  }
0x6b: {  	_ =	shalt  }
0x6c: {  	_ =	shalt  }
0x6d: {  	_ =	shalt  }
0x6e: {  	_ =	shalt  }
0x6f: {  	_ =	shalt  }
0x70: {  	_ =	shalt  }
0x71: {  	_ =	shalt  }
0x72: {  	_ =	shalt  }
0x73: {  	_ =	shalt  }
0x74: {  	_ =	shalt  }
0x75: {  	_ =	shalt  }
0x76: {  	_ =	shalt  }
0x77: {  	_ =	shalt  }
0x78: {  	_ =	shalt  }
0x79: {  	_ =	shalt  }
0x7a: {  	_ =	shalt  }
0x7b: {  	_ =	shalt  }
0x7c: {  	_ =	shalt  }
0x7d: {  	_ =	shalt  }
0x7e: {  	_ =	shalt  }
0x7f: {  	_ =	shalt  }
0x80: {  	_ =	shalt  }
0x81: {  	_ =	shalt  }
0x82: {  	_ =	shalt  }
0x83: {  	_ =	shalt  }
0x84: {  	_ =	shalt  }
0x85: {  	_ =	shalt  }
0x86: {  	_ =	shalt  }
0x87: {  	_ =	shalt  }
.Lfunc_end0:
.L_simem_size_0:
called_computation.1_lowered:
.L_overlay_start_0:
0x88: {  	s2 =	sld [smem:$0x3FD9]  }
0x89: {  	s3 =	sld [smem:$0x3FFE];
	_ =	sdelay $0x1  }
0x8a: {  	s1 =	srdreg.scid  }
0x8b: {  	s0 =	sand.u32 $0x1, s1  }
0x8c: {  	s16 =	sshll.u32 s0, $0xA;
	s2 =	sadd.s32 s3, s2  }
0x8d: {  	s2 =	sadd.s32 s2, s16  }
0x8e: {  	[smem:$0x3FBB] =	sst s2  }
0x8f: {  	_ = 	snop  }
0x90: {  	(tm) =	ssettm $0x1  }
0x91: {  	s17 =	sld [smem:$0x3FFB];
	_ =	sdelay $0x3  }
0x92: {  	_ =	strace s17  }
0x93: {  	s2 =	sld [smem:$0x3FFC];
	_ =	sdelay $0x3  }
0x94: {  	_ =	strace s2  }
0x95: {  	s2 =	sld [smem:$0x3FFD];
	_ =	sdelay $0x3  }
0x96: {  	_ =	strace s2  }
0x97: {  	_ =	strace $0x8FFFFFFF  }
0x98: {  	s18 =	sld [smem:$0x3FDB];
	_ =	sdelay $0x1  }
0x99: {  	s19 =	simm.s32 $_scs_section_size  }
0x9a: {  	s4 =	simm.s32 $_size__tile_overlayer_lowered;
	s5 =	simm.s32 $_tile_overlayer_lowered  }
0x9b: {  	s22 =	simm.s32 $0x1BFF;
	s21 =	sshll.u32 s5, $0x1;
	s2 =	sadd.s32 s19, s18  }
0x9c: {  	s6 =	simm.s32 $0x0;
	s20 =	sshll.u32 s4, $0x1;
	s4 =	sadd.s32 s21, s2  }
0x9d: {  	[timem:s6], [sflag:s22] =	dma.local [hbm:s4], s20  }
0x9e: {  	_ =	swait.ge [sflag:s22], s20  }
0x9f: {  	s3 =	ssub.s32 $0x0, s20;
	[sflag:s22] =	ssyncset.done $0x0  }
0xa0: {  	[sflag:s22] =	ssyncadd.s32 s3;
	_ =	sdelay $0x1  }
0xa1: {  	s23 =	simm.s32 $0x1B8B  }
0xa2: {  	_ =	swait.ge [sflag:s23], $0x1  }
0xa3: {  	[sflag:s23] =	ssyncset.done $0x0  }
0xa4: {  	s25 =	simm.s32 $0x1B8E;
	s24 =	sld [smem:$0x3FFE];
	[sflag:s23] =	ssyncadd.s32 $0xFFFFFFFF  }
0xa5: {  	s26 =	simm.s32 $execute0_lowered;
	[smem:$0x3FD2] =	sst s25  }
0xa6: {  	s4 =	sshll.u32 s26, $0x1;
	_ =	strace $0x80000049;
	[dreg:$0x1] =	wrdreg $0xFFFFFFFF  }
0xa7: {  	s28 =	simm.s32 $_size_execute0_lowered;
	s2 =	sadd.s32 s2, s4;
	[dreg:$0x0] =	wrdreg $0x0  }
0xa8: {  	s4 =	sshll.u32 s28, $0x1;
	[dreg:$0x2] =	wrdreg s2  }
0xa9: {  	[dreg:$0x3] =	wrdreg s4  }
0xaa: {  	[dreg:$0x4] =	wrdreg $0xC0  }
0xab: {  	_ =	task [dreg:s6], $0x5FFFF  }
0xac: {  	[dreg:$0x1] =	wrdreg $0xFFFFFFFF  }
0xad: {  	[dreg:$0x0] =	wrdreg $0x60  }
0xae: {  	[dreg:$0x2] =	wrdreg s24  }
0xaf: {  	[dreg:$0x3] =	wrdreg $0xEC400  }
0xb0: {  	[dreg:$0x4] =	wrdreg $0x9  }
0xb1: {  	_ =	task.clear_ibuf [dreg:s6], $0x5FFFF;
	_ =	strace $0x90000049  }
0xb2: {  	s29 =	simm.s32 $0x9;
	_ =	strace $0x8000004B  }
0xb3: {  	_ =	swait.ge [sflag:s29], $0x1  }
0xb4: {  	[sflag:s29] =	ssyncadd.s32 $0xFFFFFFFF  }
0xb5: {  	_ =	strace $0x9000004B  }
0xb6: {  	_ =	sfence  }
0xb7: {  	s30 =	sld [smem:$0x0];
	_ =	sdelay $0x2  }
0xb8: {  	s31 =	sshll.u32 s1, $0xD;
	s1 =	sshrl.u32 s1, $0x2  }
0xb9: {  	s3 =	sand.u32 $0x4000, s31;
	s1 =	sadd.s32 s1, s30  }
0xba: {  	s0 =	sor.u32 s3, s0;
	s1 =	sshll.u32 s1, $0x11  }
0xbb: {  	s0 =	sor.u32 s1, s0  }
0xbc: {  	s0 =	sadd.s32 $0x8F2B, s0  }
0xbd: {  	[sflag:s0] =	ssyncadd.remote.s32 $0x1  }
0xbe: {  	_ =	sfence.sel $0xFFFF  }
0xbf: {  	[dreg:$0x0] =	wrdreg $0xFFFFFFFF;
	(pc) =	sbr.abs _section_cstart, $3  }
0xc0: {  	[dreg:$0x1] =	wrdreg $0xFFFFFFFF  }
0xc1: {  	_ =	task.clear_ibuf [dreg:s6], $0x2FFFF;
	_ =	strace $0x9FFFFFFF  }
0xc2: {  	(tm) =	ssettm $0x7FFFFFFF  }
0xc3: {  	_ =	shalt  }
tec
execute0_lowered:
.L_overlay_start_1:
0x0: {  	(tag) =	ssettag $0x1  }
0x1: {  	s0 =	srdreg.scid;
	s1 =	rddreg [dreg:$0x0]  }
0x2: {  	s2 =	rddreg [dreg:$0x1];
	s10 =	stileid.u32;
	s3 =	simm.s32 $0x0  }
0x3: {  	s28 =	simm.s32 $0x7D;
	s29 =	simm.s32 $0x5000;
	s6 =	smul.u32 $0x271, s10  }
0x4: {  	s31 =	simm.s32 $0x6F40;
	s30 =	simm.s32 $0xADC0;
	s18 =	smul.u32 $0x9C40, s10  }
0x5: {  	s0 =	sand.u32 $0x1, s0;
	[smem:$0x7FF] =	sst s3;
	s12 =	smul.u32 $0x27100, s10  }
0x6: {  	s8 =	sadd.s32 $0x2A200, s1;
	s13 =	smul.u32 $0x1388, s10;
	s4 =	sshll.u32 s0, $0x4  }
0x7: {  	_ =	strace $0x8000004A;
	s7 =	ssub.s32 $0x2, s0;
	s0 =	smul.u32 $0x9C400, s0  }
0x8: {  	s4 =	sor.u32 s10, s4;
	s9 =	sshrl.u32 s7, $0x1;
	s14 =	sadd.s32 s18, s2  }
0x9: {  	s15 =	sshrl.u32 s12, $0x2;
	s17 =	sadd.s32 $0x7D, s6;
	s20 =	sadd.s32 $0xFA, s6  }
0xa: {  	s23 =	sadd.s32 $0x177, s6;
	s6 =	sadd.s32 $0x1F4, s6;
	s5 =	smul.u32 $0x500, s4  }
0xb: {  	s4 =	sadd.s32 $0x16800, s1;
	s7 =	ssub.s32 s7, s9;
	[dreg:$0x5] =	wrdreg s14  }
0xc: {  	s16 =	sadd.s32 s15, s2;
	s19 =	sshll.u32 s17, $0x3;
	s21 =	sshll.u32 s20, $0x3  }
0xd: {  	s22 =	sshll.u32 s20, $0x6;
	s15 =	sshll.u32 s23, $0x3;
	s9 =	sshll.u32 s23, $0x6  }
0xe: {  	s24 =	sadd.s32 s0, s18;
	s7 =	smax.u32 s7, $0x1;
	[dreg:$0x8] =	wrdreg s16  }
0xf: {  	s14 =	sadd.s32 s22, s2;
	s15 =	sadd.s32 s8, s15;
	s16 =	sadd.s32 s9, s2  }
0x10: {  	s25 =	sadd.s32 s0, s22;
	s26 =	sadd.s32 s0, s9;
	s5 =	sadd.s32 s5, s1  }
0x11: {  	s1 =	sadd.s32 $0x3DC00, s1;
	[dreg:$0x6] =	wrdreg s7;
	s7 =	sshrl.u32 s26, $0x3  }
0x12: {  	s26 =	simm.s32 $0x2;
	s11 =	sadd.s32 $0xC800, s5;
	s5 =	sadd.s32 $0x2800, s5  }
0x13: {  	s22 =	sadd.s32 s1, s7;
	s7 =	simm.s32 $0x0;
	[dreg:$0x3] =	wrdreg s11  }
0x14: {  	[dreg:$0x4] =	wrdreg s5;
	s5 =	sadd.s32 s8, s13;
	s11 =	sadd.s32 s8, s19  }
0x15: {  	s13 =	sadd.s32 s8, s21;
	[dreg:$0x7] =	wrdreg s5;
	s5 =	sshll.u32 s17, $0x6  }
0x16: {  	s17 =	sshll.u32 s6, $0x3;
	s6 =	sshll.u32 s6, $0x6;
	s12 =	sadd.s32 s5, s2  }
0x17: {  	s17 =	sadd.s32 s8, s17;
	s8 =	sshrl.u32 s24, $0x3;
	s5 =	sadd.s32 s0, s5  }
0x18: {  	s18 =	sadd.s32 s6, s2;
	s0 =	sadd.s32 s0, s6;
	s24 =	simm.s32 $0xCD00  }
0x19: {  	s6 =	simm.s32 $0x4;
	s19 =	sadd.s32 s1, s8;
	s5 =	sshrl.u32 s5, $0x3  }
0x1a: {  	s0 =	sshrl.u32 s0, $0x3;
	s20 =	sadd.s32 s1, s5;
	s5 =	sshrl.u32 s25, $0x3  }
0x1b: {  	s23 =	sadd.s32 s1, s0;
	s25 =	simm.s32 $0x5;
	s0 =	simm.s32 $0x1  }
0x1c: {  	s21 =	sadd.s32 s1, s5;
	s1 =	simm.s32 $0x8E80;
	s5 =	simm.s32 $0x3  }
.LBB2_1:
0x1d: {  	s8 =	rddreg [dreg:$0x7]  }
0x1e: {  	[tilespmem:s24], [sflag:$0x5] =	stream.linear.gather [hbm4b:s8+s3], $0x1F40, $0x38;
	[tilespmem:$0x18880] =	vst v63  }
0x1f: {  	_ =	swait.ge [sflag:s25], $0x1F40  }
0x20: {  	[sflag:s25] =	ssyncset.done $0x0  }
0x21: {  	s10 =	rddreg [dreg:$0x8];
	[sflag:s25] =	ssyncadd.s32 $0xFFFFE0C0  }
0x22: {  	[spmem:s10] =	stream.linear.scatter [tilespmem:s24], [sflag:$0x5], $0x1F40, $0x38;
	[tilespmem:$0x18880] =	vst v63  }
0x23: {  	_ =	swait.ge [sflag:s25], $0x1F40  }
0x24: {  	[sflag:s25] =	ssyncset.done $0x0  }
0x25: {  	[sflag:s25] =	ssyncadd.s32 $0xFFFFE0C0  }
0x26: {  	[tilespmem:s24], [sflag:$0x5] =	stream.linear.gather [hbm4b:s11+s3], $0x1F40, $0x38;
	[tilespmem:$0x18880] =	vst v63  }
0x27: {  	_ =	swait.ge [sflag:s25], $0x1F40  }
0x28: {  	[sflag:s25] =	ssyncset.done $0x0  }
0x29: {  	[sflag:s25] =	ssyncadd.s32 $0xFFFFE0C0  }
0x2a: {  	[spmem:s12] =	stream.linear.scatter [tilespmem:s24], [sflag:$0x5], $0x1F40, $0x38;
	[tilespmem:$0x18880] =	vst v63  }
0x2b: {  	_ =	swait.ge [sflag:s25], $0x1F40  }
0x2c: {  	[sflag:s25] =	ssyncset.done $0x0  }
0x2d: {  	[sflag:s25] =	ssyncadd.s32 $0xFFFFE0C0  }
0x2e: {  	[tilespmem:s24], [sflag:$0x5] =	stream.linear.gather [hbm4b:s13+s3], $0x1F40, $0x38;
	[tilespmem:$0x18880] =	vst v63  }
0x2f: {  	_ =	swait.ge [sflag:s25], $0x1F40  }
0x30: {  	[sflag:s25] =	ssyncset.done $0x0  }
0x31: {  	[sflag:s25] =	ssyncadd.s32 $0xFFFFE0C0  }
0x32: {  	[spmem:s14] =	stream.linear.scatter [tilespmem:s24], [sflag:$0x5], $0x1F40, $0x38;
	[tilespmem:$0x18880] =	vst v63  }
0x33: {  	_ =	swait.ge [sflag:s25], $0x1F40  }
0x34: {  	[sflag:s25] =	ssyncset.done $0x0  }
0x35: {  	[sflag:s25] =	ssyncadd.s32 $0xFFFFE0C0  }
0x36: {  	[tilespmem:s24], [sflag:$0x5] =	stream.linear.gather [hbm4b:s15+s3], $0x1F40, $0x38;
	[tilespmem:$0x18880] =	vst v63  }
0x37: {  	_ =	swait.ge [sflag:s25], $0x1F40  }
0x38: {  	[sflag:s25] =	ssyncset.done $0x0  }
0x39: {  	[sflag:s25] =	ssyncadd.s32 $0xFFFFE0C0  }
0x3a: {  	[spmem:s16] =	stream.linear.scatter [tilespmem:s24], [sflag:$0x5], $0x1F40, $0x38;
	[tilespmem:$0x18880] =	vst v63  }
0x3b: {  	_ =	swait.ge [sflag:s25], $0x1F40  }
0x3c: {  	[sflag:s25] =	ssyncset.done $0x0  }
0x3d: {  	[sflag:s25] =	ssyncadd.s32 $0xFFFFE0C0  }
0x3e: {  	[tilespmem:s24], [sflag:$0x5] =	stream.linear.gather [hbm4b:s17+s3], $0x1F40, $0x38;
	[tilespmem:$0x18880] =	vst v63  }
0x3f: {  	_ =	swait.ge [sflag:s25], $0x1F40  }
0x40: {  	[sflag:s25] =	ssyncset.done $0x0  }
0x41: {  	[sflag:s25] =	ssyncadd.s32 $0xFFFFE0C0  }
0x42: {  	[spmem:s18] =	stream.linear.scatter [tilespmem:s24], [sflag:$0x5], $0x1F40, $0x38;
	[tilespmem:$0x18880] =	vst v63  }
0x43: {  	_ =	swait.ge [sflag:s25], $0x1F40  }
0x44: {  	[sflag:s25] =	ssyncset.done $0x0  }
0x45: {  	s9 =	rddreg [dreg:$0x3];
	[sflag:s25] =	ssyncadd.s32 $0xFFFFE0C0  }
0x46: {  	[tilespmem:s3], [sflag:$0x5] =	stream.linear.gather [hbm4b:s9+s3], $0x2800, $0x38;
	[tilespmem:$0x18880] =	vst v63  }
0x47: {  	_ =	swait.ge [sflag:s25], $0x2800  }
0x48: {  	[sflag:s25] =	ssyncset.done $0x0  }
0x49: {  	s9 =	simm.s32 $0x2800;
	s10 =	rddreg [dreg:$0x4];
	[sflag:s25] =	ssyncadd.s32 $0xFFFFD800  }
0x4a: {  	[tilespmem:s9], [sflag:$0x5] =	stream.linear.gather [hbm4b:s10+s3], $0x2800, $0x38;
	[tilespmem:$0x18880] =	vst v63  }
0x4b: {  	_ =	swait.ge [sflag:s25], $0x2800  }
0x4c: {  	[sflag:s25] =	ssyncset.done $0x0  }
0x4d: {  	[sflag:s25] =	ssyncadd.s32 $0xFFFFD800  }
0x4e: {  	[bflag:$0x0] =	sbarrier.arrive $0xFFFF  }
0x4f: {  	[tilespmem:s29], [sflag:$0x1] =	stream.indirect.gather [hbm4b:s4+s28], $0x40, s3, s28, $0xb8;
	[tilespmem:$0x18880] =	vst v63  }
0x50: {  	s9 =	simm.s32 $0x80  }
0x51: {  	[tilespmem:s31], [sflag:$0x2] =	stream.indirect.gather [hbm4b:s4+s28], $0x40, s9, s28, $0xb8;
	[tilespmem:$0x18880] =	vst v63  }
0x52: {  	s10 =	simm.s32 $0x100  }
0x53: {  	[tilespmem:s1], [sflag:$0x3] =	stream.indirect.gather [hbm4b:s4+s28], $0x40, s10, s28, $0xb8;
	[tilespmem:$0x18880] =	vst v63  }
0x54: {  	s9 =	simm.s32 $0x180  }
0x55: {  	[tilespmem:s30], [sflag:$0x4] =	stream.indirect.gather [hbm4b:s4+s28], $0x40, s9, s28, $0xb8;
	[tilespmem:$0x18880] =	vst v63  }
0x56: {  	_ =	swait.ge [sflag:s0], $0x1F40  }
0x57: {  	[sflag:s0] =	ssyncset.done $0x0  }
0x58: {  	s10 =	simm.s32 $0x2800;
	[sflag:s0] =	ssyncadd.s32 $0xFFFFE0C0  }
0x59: {  	[spmem:s2] =	stream.indirect.scatter.add.f32 [tilespmem:s29], [sflag:$0x5], $0x40, s10, s28, $0xb8;
	[tilespmem:$0x18880] =	vst v63  }
0x5a: {  	_ =	swait.ge [sflag:s25], $0x1F40  }
0x5b: {  	[sflag:s25] =	ssyncset.done $0x0  }
0x5c: {  	s9 =	simm.s32 $0x200;
	[sflag:s25] =	ssyncadd.s32 $0xFFFFE0C0  }
0x5d: {  	[tilespmem:s29], [sflag:$0x1] =	stream.indirect.gather [hbm4b:s4+s28], $0x40, s9, s28, $0xb8;
	[tilespmem:$0x18880] =	vst v63  }
0x5e: {  	_ =	swait.ge [sflag:s26], $0x1F40  }
0x5f: {  	[sflag:s26] =	ssyncset.done $0x0  }
0x60: {  	s10 =	simm.s32 $0x2880;
	[sflag:s26] =	ssyncadd.s32 $0xFFFFE0C0  }
0x61: {  	[spmem:s2] =	stream.indirect.scatter.add.f32 [tilespmem:s31], [sflag:$0x5], $0x40, s10, s28, $0xb8;
	[tilespmem:$0x18880] =	vst v63  }
0x62: {  	_ =	swait.ge [sflag:s25], $0x1F40  }
0x63: {  	[sflag:s25] =	ssyncset.done $0x0  }
0x64: {  	s9 =	simm.s32 $0x280;
	[sflag:s25] =	ssyncadd.s32 $0xFFFFE0C0  }
0x65: {  	[tilespmem:s31], [sflag:$0x2] =	stream.indirect.gather [hbm4b:s4+s28], $0x40, s9, s28, $0xb8;
	[tilespmem:$0x18880] =	vst v63  }
0x66: {  	_ =	swait.ge [sflag:s5], $0x1F40  }
0x67: {  	[sflag:s5] =	ssyncset.done $0x0  }
0x68: {  	s10 =	simm.s32 $0x2900;
	[sflag:s5] =	ssyncadd.s32 $0xFFFFE0C0  }
0x69: {  	[spmem:s2] =	stream.indirect.scatter.add.f32 [tilespmem:s1], [sflag:$0x5], $0x40, s10, s28, $0xb8;
	[tilespmem:$0x18880] =	vst v63  }
0x6a: {  	_ =	swait.ge [sflag:s25], $0x1F40  }
0x6b: {  	[sflag:s25] =	ssyncset.done $0x0  }
0x6c: {  	s9 =	simm.s32 $0x300;
	[sflag:s25] =	ssyncadd.s32 $0xFFFFE0C0  }
0x6d: {  	[tilespmem:s1], [sflag:$0x3] =	stream.indirect.gather [hbm4b:s4+s28], $0x40, s9, s28, $0xb8;
	[tilespmem:$0x18880] =	vst v63  }
0x6e: {  	_ =	swait.ge [sflag:s6], $0x1F40  }
0x6f: {  	[sflag:s6] =	ssyncset.done $0x0  }
0x70: {  	s10 =	simm.s32 $0x2980;
	[sflag:s6] =	ssyncadd.s32 $0xFFFFE0C0  }
0x71: {  	[spmem:s2] =	stream.indirect.scatter.add.f32 [tilespmem:s30], [sflag:$0x5], $0x40, s10, s28, $0xb8;
	[tilespmem:$0x18880] =	vst v63  }
0x72: {  	_ =	swait.ge [sflag:s25], $0x1F40  }
0x73: {  	[sflag:s25] =	ssyncset.done $0x0  }
0x74: {  	s8 =	simm.s32 $0x800;
	s9 =	simm.s32 $0x380;
	[sflag:s25] =	ssyncadd.s32 $0xFFFFE0C0  }
.LBB2_2:
0x75: {  	[tilespmem:s30], [sflag:$0x4] =	stream.indirect.gather [hbm4b:s4+s28], $0x40, s9, s28, $0xb8;
	[tilespmem:$0x18880] =	vst v63  }
0x76: {  	s9 =	smov.u32 s8  }
0x77: {  	p0 =	sne.s32 s8, $0x9000;
	s8 =	sadd.s32 $0x800, s8;
	_ =	swait.ge [sflag:s0], $0x1F40  }
0x78: {  	s9 =	sshra.s32 s9, $0x2;
	[sflag:s0] =	ssyncset.done $0x0  }
0x79: {  	s10 =	sadd.s32 $0x2800, s9;
	[sflag:s0] =	ssyncadd.s32 $0xFFFFE0C0  }
0x7a: {  	[spmem:s2] =	stream.indirect.scatter.add.f32 [tilespmem:s29], [sflag:$0x5], $0x40, s10, s28, $0xb8;
	[tilespmem:$0x18880] =	vst v63  }
0x7b: {  	_ =	swait.ge [sflag:s25], $0x1F40  }
0x7c: {  	[sflag:s25] =	ssyncset.done $0x0  }
0x7d: {  	s10 =	sadd.s32 $0x200, s9;
	[sflag:s25] =	ssyncadd.s32 $0xFFFFE0C0  }
0x7e: {  	[tilespmem:s29], [sflag:$0x1] =	stream.indirect.gather [hbm4b:s4+s28], $0x40, s10, s28, $0xb8;
	[tilespmem:$0x18880] =	vst v63  }
0x7f: {  	_ =	swait.ge [sflag:s26], $0x1F40  }
0x80: {  	[sflag:s26] =	ssyncset.done $0x0  }
0x81: {  	s10 =	sadd.s32 $0x2880, s9;
	[sflag:s26] =	ssyncadd.s32 $0xFFFFE0C0  }
0x82: {  	[spmem:s2] =	stream.indirect.scatter.add.f32 [tilespmem:s31], [sflag:$0x5], $0x40, s10, s28, $0xb8;
	[tilespmem:$0x18880] =	vst v63  }
0x83: {  	_ =	swait.ge [sflag:s25], $0x1F40  }
0x84: {  	[sflag:s25] =	ssyncset.done $0x0  }
0x85: {  	s10 =	sadd.s32 $0x280, s9;
	[sflag:s25] =	ssyncadd.s32 $0xFFFFE0C0  }
0x86: {  	[tilespmem:s31], [sflag:$0x2] =	stream.indirect.gather [hbm4b:s4+s28], $0x40, s10, s28, $0xb8;
	[tilespmem:$0x18880] =	vst v63  }
0x87: {  	_ =	swait.ge [sflag:s5], $0x1F40  }
0x88: {  	[sflag:s5] =	ssyncset.done $0x0  }
0x89: {  	s10 =	sadd.s32 $0x2900, s9;
	[sflag:s5] =	ssyncadd.s32 $0xFFFFE0C0  }
0x8a: {  	[spmem:s2] =	stream.indirect.scatter.add.f32 [tilespmem:s1], [sflag:$0x5], $0x40, s10, s28, $0xb8;
	[tilespmem:$0x18880] =	vst v63  }
0x8b: {  	_ =	swait.ge [sflag:s25], $0x1F40  }
0x8c: {  	[sflag:s25] =	ssyncset.done $0x0  }
0x8d: {  	s10 =	sadd.s32 $0x300, s9;
	[sflag:s25] =	ssyncadd.s32 $0xFFFFE0C0  }
0x8e: {  	[tilespmem:s1], [sflag:$0x3] =	stream.indirect.gather [hbm4b:s4+s28], $0x40, s10, s28, $0xb8;
	[tilespmem:$0x18880] =	vst v63  }
0x8f: {  	_ =	swait.ge [sflag:s6], $0x1F40  }
0x90: {  	[sflag:s6] =	ssyncset.done $0x0  }
.Ltmp0:
0x91: {  	s10 =	sadd.s32 $0x2980, s9;
	[sflag:s6] =	ssyncadd.s32 $0xFFFFE0C0;
	(pc) =	sbr.rel @p0 .LBB2_2-.Ltmp0, $4  }
0x92: {  	[spmem:s2] =	stream.indirect.scatter.add.f32 [tilespmem:s30], [sflag:$0x5], $0x40, s10, s28, $0xb8;
	[tilespmem:$0x18880] =	vst v63  }
0x93: {  	_ =	swait.ge [sflag:s25], $0x1F40  }
0x94: {  	[sflag:s25] =	ssyncset.done $0x0  }
0x95: {  	s9 =	sadd.s32 $0x380, s9;
	[sflag:s25] =	ssyncadd.s32 $0xFFFFE0C0  }
0x96: {  	[tilespmem:s30], [sflag:$0x4] =	stream.indirect.gather [hbm4b:s4+s28], $0x40, s9, s28, $0xb8;
	[tilespmem:$0x18880] =	vst v63  }
0x97: {  	_ =	swait.ge [sflag:s0], $0x1F40  }
0x98: {  	[sflag:s0] =	ssyncset.done $0x0  }
0x99: {  	s8 =	simm.s32 $0x4E00;
	[sflag:s0] =	ssyncadd.s32 $0xFFFFE0C0  }
0x9a: {  	[spmem:s2] =	stream.indirect.scatter.add.f32 [tilespmem:s29], [sflag:$0x5], $0x40, s8, s28, $0xb8;
	[tilespmem:$0x18880] =	vst v63  }
0x9b: {  	_ =	swait.ge [sflag:s25], $0x1F40  }
0x9c: {  	[sflag:s25] =	ssyncset.done $0x0  }
0x9d: {  	[sflag:s25] =	ssyncadd.s32 $0xFFFFE0C0  }
0x9e: {  	_ =	swait.ge [sflag:s26], $0x1F40  }
0x9f: {  	[sflag:s26] =	ssyncset.done $0x0  }
0xa0: {  	s10 =	simm.s32 $0x4E80;
	[sflag:s26] =	ssyncadd.s32 $0xFFFFE0C0  }
0xa1: {  	[spmem:s2] =	stream.indirect.scatter.add.f32 [tilespmem:s31], [sflag:$0x5], $0x40, s10, s28, $0xb8;
	[tilespmem:$0x18880] =	vst v63  }
0xa2: {  	_ =	swait.ge [sflag:s25], $0x1F40  }
0xa3: {  	[sflag:s25] =	ssyncset.done $0x0  }
0xa4: {  	[sflag:s25] =	ssyncadd.s32 $0xFFFFE0C0  }
0xa5: {  	_ =	swait.ge [sflag:s5], $0x1F40  }
0xa6: {  	[sflag:s5] =	ssyncset.done $0x0  }
0xa7: {  	s9 =	simm.s32 $0x4F00;
	[sflag:s5] =	ssyncadd.s32 $0xFFFFE0C0  }
0xa8: {  	[spmem:s2] =	stream.indirect.scatter.add.f32 [tilespmem:s1], [sflag:$0x5], $0x40, s9, s28, $0xb8;
	[tilespmem:$0x18880] =	vst v63  }
0xa9: {  	_ =	swait.ge [sflag:s25], $0x1F40  }
0xaa: {  	[sflag:s25] =	ssyncset.done $0x0  }
0xab: {  	[sflag:s25] =	ssyncadd.s32 $0xFFFFE0C0  }
0xac: {  	_ =	swait.ge [sflag:s6], $0x1F40  }
0xad: {  	[sflag:s6] =	ssyncset.done $0x0  }
0xae: {  	s10 =	simm.s32 $0x4F80;
	[sflag:s6] =	ssyncadd.s32 $0xFFFFE0C0  }
0xaf: {  	[spmem:s2] =	stream.indirect.scatter.add.f32 [tilespmem:s30], [sflag:$0x5], $0x40, s10, s28, $0xb8;
	[tilespmem:$0x18880] =	vst v63  }
0xb0: {  	_ =	swait.ge [sflag:s25], $0x1F40  }
0xb1: {  	[sflag:s25] =	ssyncset.done $0x0  }
0xb2: {  	[sflag:s25] =	ssyncadd.s32 $0xFFFFE0C0  }
0xb3: {  	[bflag:$0x0] =	sbarrier.arrive $0xFFFF  }
0xb4: {  	s9 =	rddreg [dreg:$0x5]  }
0xb5: {  	[tilespmem:s24], [sflag:$0x5] =	stream.linear.gather [spmem:s9], $0x1F40, $0x38;
	[tilespmem:$0x18880] =	vst v63  }
0xb6: {  	_ =	swait.ge [sflag:s25], $0x1F40  }
0xb7: {  	[sflag:s25] =	ssyncset.done $0x0  }
0xb8: {  	[sflag:s25] =	ssyncadd.s32 $0xFFFFE0C0  }
0xb9: {  	[hbm4b:s19+s3] =	stream.linear.scatter [tilespmem:s24], [sflag:$0x5], $0x1F40, $0x38;
	[tilespmem:$0x18880] =	vst v63  }
0xba: {  	_ =	swait.ge [sflag:s25], $0x1F40  }
0xbb: {  	[sflag:s25] =	ssyncset.done $0x0  }
0xbc: {  	[sflag:s25] =	ssyncadd.s32 $0xFFFFE0C0  }
0xbd: {  	[tilespmem:s24], [sflag:$0x5] =	stream.linear.gather [spmem:s12], $0x1F40, $0x38;
	[tilespmem:$0x18880] =	vst v63  }
0xbe: {  	_ =	swait.ge [sflag:s25], $0x1F40  }
0xbf: {  	[sflag:s25] =	ssyncset.done $0x0  }
0xc0: {  	[sflag:s25] =	ssyncadd.s32 $0xFFFFE0C0  }
0xc1: {  	[hbm4b:s20+s3] =	stream.linear.scatter [tilespmem:s24], [sflag:$0x5], $0x1F40, $0x38;
	[tilespmem:$0x18880] =	vst v63  }
0xc2: {  	_ =	swait.ge [sflag:s25], $0x1F40  }
0xc3: {  	[sflag:s25] =	ssyncset.done $0x0  }
0xc4: {  	[sflag:s25] =	ssyncadd.s32 $0xFFFFE0C0  }
0xc5: {  	[tilespmem:s24], [sflag:$0x5] =	stream.linear.gather [spmem:s14], $0x1F40, $0x38;
	[tilespmem:$0x18880] =	vst v63  }
0xc6: {  	_ =	swait.ge [sflag:s25], $0x1F40  }
0xc7: {  	[sflag:s25] =	ssyncset.done $0x0  }
0xc8: {  	[sflag:s25] =	ssyncadd.s32 $0xFFFFE0C0  }
0xc9: {  	[hbm4b:s21+s3] =	stream.linear.scatter [tilespmem:s24], [sflag:$0x5], $0x1F40, $0x38;
	[tilespmem:$0x18880] =	vst v63  }
0xca: {  	_ =	swait.ge [sflag:s25], $0x1F40  }
0xcb: {  	[sflag:s25] =	ssyncset.done $0x0  }
0xcc: {  	[sflag:s25] =	ssyncadd.s32 $0xFFFFE0C0  }
0xcd: {  	[tilespmem:s24], [sflag:$0x5] =	stream.linear.gather [spmem:s16], $0x1F40, $0x38;
	[tilespmem:$0x18880] =	vst v63  }
0xce: {  	_ =	swait.ge [sflag:s25], $0x1F40  }
0xcf: {  	[sflag:s25] =	ssyncset.done $0x0  }
0xd0: {  	[sflag:s25] =	ssyncadd.s32 $0xFFFFE0C0  }
0xd1: {  	[hbm4b:s22+s3] =	stream.linear.scatter [tilespmem:s24], [sflag:$0x5], $0x1F40, $0x38;
	[tilespmem:$0x18880] =	vst v63  }
0xd2: {  	_ =	swait.ge [sflag:s25], $0x1F40  }
0xd3: {  	[sflag:s25] =	ssyncset.done $0x0  }
0xd4: {  	[sflag:s25] =	ssyncadd.s32 $0xFFFFE0C0  }
0xd5: {  	[tilespmem:s24], [sflag:$0x5] =	stream.linear.gather [spmem:s18], $0x1F40, $0x38;
	[tilespmem:$0x18880] =	vst v63  }
0xd6: {  	_ =	swait.ge [sflag:s25], $0x1F40  }
0xd7: {  	[sflag:s25] =	ssyncset.done $0x0  }
0xd8: {  	[sflag:s25] =	ssyncadd.s32 $0xFFFFE0C0  }
0xd9: {  	[hbm4b:s23+s3] =	stream.linear.scatter [tilespmem:s24], [sflag:$0x5], $0x1F40, $0x38;
	[tilespmem:$0x18880] =	vst v63  }
0xda: {  	_ =	swait.ge [sflag:s25], $0x1F40  }
0xdb: {  	s7 =	sadd.s32 $0x1, s7;
	s10 =	rddreg [dreg:$0x6]  }
0xdc: {  	p0 =	sne.s32 s7, s10  }
.Ltmp1:
0xdd: {  	_ = 	snop;
	(pc) =	sbr.rel @p0 .LBB2_1-.Ltmp1, $3  }
0xde: {  	_ =	sdelay $0x1  }
0xdf: {  	[sflag:s25] =	ssyncset.done $0x0  }
0xe0: {  	[sflag:s25] =	ssyncadd.s32 $0xFFFFE0C0  }
0xe1: {  	_ =	sfence.sel $0x180000  }
0xe2: {  	[bflag:$0x0] =	sbarrier.arrive $0xFFFF  }
0xe3: {  	_ =	strace $0x9000004A  }
0xe4: {  	s0 =	stileid.u32;
	[bflag:$0x2] =	sbarrier.arrive $0xFFFF  }
0xe5: {  	p0 =	sne.s32 s0, $0x0;
	s0 =	rddreg [dreg:$0x2]  }
0xe6: {  	s0 =	sadd.s32 @!p0 $0x100000, s0  }
0xe7: {  	[sflag:s0] =	ssyncadd.tile.s32 @!p0 $0x1;
	_ =	shalt  }
.Lfunc_end2:
_tile_overlayer_lowered:
.L_overlay_start_2:
0xe8: {  	(tag) =	ssettag $0x2  }
0xe9: {  	s0 =	rddreg [dreg:$0x0];
	s2 =	stileid.u32  }
0xea: {  	s1 =	rddreg [dreg:$0x1];
	p0 =	sne.s32 s2, $0x0  }
0xeb: {  	s3 =	rddreg [dreg:$0x2];
	[bflag:$0x3] =	sbarrier.arrive $0xFFFF;
	s2 =	simm.s32 @!p0 $0x1C05  }
0xec: {  	[timem:s3], [sflag:s2] =	dma.local @!p0 [hbm:s0], s1  }
0xed: {  	s0 =	simm.s32 @!p0 $0x5  }
0xee: {  	_ =	swait.ge @!p0 [sflag:s0], s1  }
0xef: {  	s1 =	ssub.s32 @!p0 $0x0, s1;
	[sflag:s0] =	ssyncset.done @!p0 $0x0  }
0xf0: {  	[sflag:s0] =	ssyncadd.s32 @!p0 s1  }
0xf1: {  	[bflag:$0x3] =	sbarrier.arrive $0xFFFF  }
0xf2: {  	_ =	shalt  }

// kernel: sc_edge_aggregate64.7.cloned.1.call-start
scs
__scs_entry_jumppad:
0x0: {  	(pc) =	sbr.rel $0x88, $3  }
0x1: {  	(tag) =	ssettag $0x0;
	lr =	simm.s32 $0x1  }
0x2: {  	[smem:$0x3F94] =	sst lr;
	_ =	strace $0xD0000000  }
0x3: {  	_ = 	snop  }
0x4: {  	_ = 	snop  }
0x5: {  	_ = 	snop  }
0x6: {  	_ = 	snop  }
0x7: {  	_ = 	snop  }
__scs_overlays_trampoline_lowered:
0x8: {  	[smem:$0x3FA3] =	sst s0  }
0x9: {  	[smem:$0x3FA4] =	sst s1  }
0xa: {  	[smem:$0x3FA5] =	sst s2  }
0xb: {  	[smem:$0x3FA6] =	sst s3  }
0xc: {  	[smem:$0x3FA7] =	sst s4  }
0xd: {  	[smem:$0x3FA8] =	sst s5  }
0xe: {  	[smem:$0x3FA9] =	sst s6  }
0xf: {  	[smem:$0x3FAA] =	sst s7  }
0x10: {  	[smem:$0x3FAB] =	sst s8  }
0x11: {  	[smem:$0x3FAC] =	sst s9;
	s0 =	simm.s32 @!p0 $0x0  }
0x12: {  	s1 =	sld [smem:$0x3F92];
	s0 =	simm.s32 @p0 $0x1  }
0x13: {  	[smem:$0x3FAD] =	sst s0;
	s0 =	simm.s32 @!p1 $0x0  }
0x14: {  	s2 =	sld [smem:$0x3F91];
	s0 =	simm.s32 @p1 $0x1  }
0x15: {  	[smem:$0x3FAE] =	sst s0;
	s0 =	simm.s32 @!p2 $0x0  }
0x16: {  	s3 =	sld [smem:$0x3FDB];
	s0 =	simm.s32 @p2 $0x1  }
0x17: {  	s4 =	simm.s32 $0x1BF5;
	[smem:$0x3FB0] =	sst s0  }
0x18: {  	s0 =	sld [smem:$0x3F93];
	_ =	swait.ge [sflag:s4], $0x0  }
0x19: {  	s7 =	sld [smem:$0x3F94]  }
0x1a: {  	s8 =	sadd.s32 $0xFFFFE003, lr  }
0x1b: {  	s9 =	sadd.s32 $0xFFFFFEF7, lr;
	s5 =	simm.s32 $0xFFFFFFFF;
	p2 =	slt.u32 s8, $0xFFFFF086  }
0x1c: {  	p1 =	slt.u32 s9, $0xF7A;
	s5 =	simm.s32 @!p2 $0x0  }
0x1d: {  	s5 =	simm.s32 @p1 $0x1;
	p0 =	seq.s32 s7, s2  }
0x1e: {  	s7 =	smul.u32 @!p0 $0xF7A, s2;
	p2 =	seq.s32 @!p0 s5, $0x0  }
0x1f: {  	s9 =	smul.u32 $0xF7A, s1;
	s8 =	simm.s32 @!p0 $0x1BF5;
	p2 =	por !p2, p0  }
0x20: {  	[sflag:s8] =	ssyncset.s32 @!p0 $0xFFFFF086;
	s6 =	sadd.s32 @!p0 s3, s7;
	s7 =	simm.s32 @!p0 $0x108  }
0x21: {  	s3 =	sadd.s32 s3, s9;
	s6 =	sadd.s32 @!p0 $0x88, s6;
	s7 =	simm.s32 @p2 $0x1082  }
0x22: {  	[simem:s7], [sflag:s8] =	dma.local @!p0 [hbm:s6], $0xF7A  }
0x23: {  	s9 =	sor.u32 $0xD0000000, s2;
	s6 =	simm.s32 $0x108;
	_ =	swait.ge @!p0 [sflag:s8], $0x0  }
0x24: {  	s3 =	sadd.s32 $0x88, s3;
	s6 =	simm.s32 @!p1 $0x1082;
	[sflag:s4] =	ssyncset.s32 $0xFFFFF086  }
0x25: {  	[simem:s6], [sflag:s4] =	dma.local [hbm:s3], $0xF7A  }
0x26: {  	[smem:$0x3F94] =	sst s1;
	(tag) =	ssettag s2;
	_ =	strace s9  }
0x27: {  	s1 =	sld [smem:$0x3FA4]  }
0x28: {  	s2 =	sld [smem:$0x3FA5]  }
0x29: {  	s4 =	sld [smem:$0x3FA7]  }
0x2a: {  	p0 =	seq.s32 s5, $0x0;
	s5 =	sld [smem:$0x3FA8]  }
0x2b: {  	s6 =	sld [smem:$0x3FA9]  }
0x2c: {  	s7 =	sld [smem:$0x3FAA]  }
0x2d: {  	s3 =	simm.s32 $0x108;
	s8 =	sld [smem:$0x3FAB]  }
0x2e: {  	s3 =	simm.s32 @!p0 $0x1082;
	s9 =	sld [smem:$0x3FAC]  }
0x2f: {  	lr =	sadd.s32 s0, s3;
	s0 =	sld [smem:$0x3FA3]  }
0x30: {  	s3 =	sld [smem:$0x3FA6]  }
0x31: {  	[smem:$0x3FAF] =	sst s10  }
0x32: {  	s10 =	sld [smem:$0x3FAD];
	_ =	sdelay $0x3  }
0x33: {  	p0 =	seq.s32 s10, $0x1;
	s10 =	sld [smem:$0x3FAF];
	_ =	sdelay $0x3  }
0x34: {  	[smem:$0x3FAF] =	sst s10  }
0x35: {  	s10 =	sld [smem:$0x3FAE];
	_ =	sdelay $0x3  }
0x36: {  	p1 =	seq.s32 s10, $0x1;
	s10 =	sld [smem:$0x3FAF];
	_ =	sdelay $0x3  }
0x37: {  	[smem:$0x3FAF] =	sst s10  }
0x38: {  	s10 =	sld [smem:$0x3FB0]  }
0x39: {  	_ = 	snop;
	(pc) =	sbr.ind lr, $3  }
0x3a: {  	_ = 	snop  }
0x3b: {  	_ = 	snop  }
0x3c: {  	p2 =	seq.s32 s10, $0x1;
	s10 =	sld [smem:$0x3FAF]  }
0x3d: {  	_ =	shalt  }
0x3e: {  	_ =	shalt  }
0x3f: {  	_ =	shalt  }
0x40: {  	_ =	shalt  }
0x41: {  	_ =	shalt  }
0x42: {  	_ =	shalt  }
0x43: {  	_ =	shalt  }
0x44: {  	_ =	shalt  }
0x45: {  	_ =	shalt  }
0x46: {  	_ =	shalt  }
0x47: {  	_ =	shalt  }
0x48: {  	_ =	shalt  }
0x49: {  	_ =	shalt  }
0x4a: {  	_ =	shalt  }
0x4b: {  	_ =	shalt  }
0x4c: {  	_ =	shalt  }
0x4d: {  	_ =	shalt  }
0x4e: {  	_ =	shalt  }
0x4f: {  	_ =	shalt  }
0x50: {  	_ =	shalt  }
0x51: {  	_ =	shalt  }
0x52: {  	_ =	shalt  }
0x53: {  	_ =	shalt  }
0x54: {  	_ =	shalt  }
0x55: {  	_ =	shalt  }
0x56: {  	_ =	shalt  }
0x57: {  	_ =	shalt  }
0x58: {  	_ =	shalt  }
0x59: {  	_ =	shalt  }
0x5a: {  	_ =	shalt  }
0x5b: {  	_ =	shalt  }
0x5c: {  	_ =	shalt  }
0x5d: {  	_ =	shalt  }
0x5e: {  	_ =	shalt  }
0x5f: {  	_ =	shalt  }
0x60: {  	_ =	shalt  }
0x61: {  	_ =	shalt  }
0x62: {  	_ =	shalt  }
0x63: {  	_ =	shalt  }
0x64: {  	_ =	shalt  }
0x65: {  	_ =	shalt  }
0x66: {  	_ =	shalt  }
0x67: {  	_ =	shalt  }
0x68: {  	_ =	shalt  }
0x69: {  	_ =	shalt  }
0x6a: {  	_ =	shalt  }
0x6b: {  	_ =	shalt  }
0x6c: {  	_ =	shalt  }
0x6d: {  	_ =	shalt  }
0x6e: {  	_ =	shalt  }
0x6f: {  	_ =	shalt  }
0x70: {  	_ =	shalt  }
0x71: {  	_ =	shalt  }
0x72: {  	_ =	shalt  }
0x73: {  	_ =	shalt  }
0x74: {  	_ =	shalt  }
0x75: {  	_ =	shalt  }
0x76: {  	_ =	shalt  }
0x77: {  	_ =	shalt  }
0x78: {  	_ =	shalt  }
0x79: {  	_ =	shalt  }
0x7a: {  	_ =	shalt  }
0x7b: {  	_ =	shalt  }
0x7c: {  	_ =	shalt  }
0x7d: {  	_ =	shalt  }
0x7e: {  	_ =	shalt  }
0x7f: {  	_ =	shalt  }
0x80: {  	_ =	shalt  }
0x81: {  	_ =	shalt  }
0x82: {  	_ =	shalt  }
0x83: {  	_ =	shalt  }
0x84: {  	_ =	shalt  }
0x85: {  	_ =	shalt  }
0x86: {  	_ =	shalt  }
0x87: {  	_ =	shalt  }
.Lfunc_end0:
.L_simem_size_0:
called_computation.2_lowered:
.L_overlay_start_0:
0x88: {  	s2 =	sld [smem:$0x3FD9]  }
0x89: {  	s3 =	sld [smem:$0x3FFE];
	_ =	sdelay $0x1  }
0x8a: {  	s1 =	srdreg.scid  }
0x8b: {  	s0 =	sand.u32 $0x1, s1  }
0x8c: {  	s16 =	sshll.u32 s0, $0xA;
	s2 =	sadd.s32 s3, s2  }
0x8d: {  	s2 =	sadd.s32 s2, s16  }
0x8e: {  	[smem:$0x3FBB] =	sst s2  }
0x8f: {  	_ = 	snop  }
0x90: {  	(tm) =	ssettm $0x1  }
0x91: {  	s17 =	sld [smem:$0x3FFB];
	_ =	sdelay $0x3  }
0x92: {  	_ =	strace s17  }
0x93: {  	s2 =	sld [smem:$0x3FFC];
	_ =	sdelay $0x3  }
0x94: {  	_ =	strace s2  }
0x95: {  	s2 =	sld [smem:$0x3FFD];
	_ =	sdelay $0x3  }
0x96: {  	_ =	strace s2  }
0x97: {  	_ =	strace $0x8FFFFFFF  }
0x98: {  	s18 =	sld [smem:$0x3FDB];
	_ =	sdelay $0x1  }
0x99: {  	s19 =	simm.s32 $_scs_section_size  }
0x9a: {  	s4 =	simm.s32 $_size__tile_overlayer_lowered;
	s5 =	simm.s32 $_tile_overlayer_lowered  }
0x9b: {  	s22 =	simm.s32 $0x1BFF;
	s21 =	sshll.u32 s5, $0x1;
	s2 =	sadd.s32 s19, s18  }
0x9c: {  	s6 =	simm.s32 $0x0;
	s20 =	sshll.u32 s4, $0x1;
	s4 =	sadd.s32 s21, s2  }
0x9d: {  	[timem:s6], [sflag:s22] =	dma.local [hbm:s4], s20  }
0x9e: {  	_ =	swait.ge [sflag:s22], s20  }
0x9f: {  	s3 =	ssub.s32 $0x0, s20;
	[sflag:s22] =	ssyncset.done $0x0  }
0xa0: {  	[sflag:s22] =	ssyncadd.s32 s3;
	_ =	sdelay $0x1  }
0xa1: {  	s23 =	simm.s32 $0x1B8B  }
0xa2: {  	_ =	swait.ge [sflag:s23], $0x1  }
0xa3: {  	[sflag:s23] =	ssyncset.done $0x0  }
0xa4: {  	s25 =	simm.s32 $0x1B8E;
	s24 =	sld [smem:$0x3FFE];
	[sflag:s23] =	ssyncadd.s32 $0xFFFFFFFF  }
0xa5: {  	s26 =	simm.s32 $execute0_lowered;
	[smem:$0x3FD2] =	sst s25  }
0xa6: {  	s4 =	sshll.u32 s26, $0x1;
	_ =	strace $0x8000004C;
	[dreg:$0x1] =	wrdreg $0xFFFFFFFF  }
0xa7: {  	s28 =	simm.s32 $_size_execute0_lowered;
	s2 =	sadd.s32 s2, s4;
	[dreg:$0x0] =	wrdreg $0x0  }
0xa8: {  	s4 =	sshll.u32 s28, $0x1;
	[dreg:$0x2] =	wrdreg s2  }
0xa9: {  	[dreg:$0x3] =	wrdreg s4  }
0xaa: {  	[dreg:$0x4] =	wrdreg $0xC0  }
0xab: {  	_ =	task [dreg:s6], $0x5FFFF  }
0xac: {  	[dreg:$0x1] =	wrdreg $0xFFFFFFFF  }
0xad: {  	[dreg:$0x0] =	wrdreg $0x60  }
0xae: {  	[dreg:$0x2] =	wrdreg s24  }
0xaf: {  	[dreg:$0x3] =	wrdreg $0xEC400  }
0xb0: {  	[dreg:$0x4] =	wrdreg $0x9  }
0xb1: {  	_ =	task.clear_ibuf [dreg:s6], $0x5FFFF;
	_ =	strace $0x9000004C  }
0xb2: {  	s29 =	simm.s32 $0x9;
	_ =	strace $0x8000004E  }
0xb3: {  	_ =	swait.ge [sflag:s29], $0x1  }
0xb4: {  	[sflag:s29] =	ssyncadd.s32 $0xFFFFFFFF  }
0xb5: {  	_ =	strace $0x9000004E  }
0xb6: {  	_ =	sfence  }
0xb7: {  	s30 =	sld [smem:$0x0];
	_ =	sdelay $0x2  }
0xb8: {  	s31 =	sshll.u32 s1, $0xD;
	s1 =	sshrl.u32 s1, $0x2  }
0xb9: {  	s3 =	sand.u32 $0x4000, s31;
	s1 =	sadd.s32 s1, s30  }
0xba: {  	s0 =	sor.u32 s3, s0;
	s1 =	sshll.u32 s1, $0x11  }
0xbb: {  	s0 =	sor.u32 s1, s0  }
0xbc: {  	s0 =	sadd.s32 $0x8F2B, s0  }
0xbd: {  	[sflag:s0] =	ssyncadd.remote.s32 $0x1  }
0xbe: {  	_ =	sfence.sel $0xFFFF  }
0xbf: {  	[dreg:$0x0] =	wrdreg $0xFFFFFFFF;
	(pc) =	sbr.abs _section_cstart, $3  }
0xc0: {  	[dreg:$0x1] =	wrdreg $0xFFFFFFFF  }
0xc1: {  	_ =	task.clear_ibuf [dreg:s6], $0x2FFFF;
	_ =	strace $0x9FFFFFFF  }
0xc2: {  	(tm) =	ssettm $0x7FFFFFFF  }
0xc3: {  	_ =	shalt  }
tec
execute0_lowered:
.L_overlay_start_1:
0x0: {  	(tag) =	ssettag $0x1  }
0x1: {  	s0 =	srdreg.scid;
	s1 =	rddreg [dreg:$0x0]  }
0x2: {  	s2 =	rddreg [dreg:$0x1];
	s10 =	stileid.u32;
	s3 =	simm.s32 $0x0  }
0x3: {  	s28 =	simm.s32 $0x7D;
	s29 =	simm.s32 $0x5000;
	s6 =	smul.u32 $0x271, s10  }
0x4: {  	s31 =	simm.s32 $0x6F40;
	s30 =	simm.s32 $0xADC0;
	s18 =	smul.u32 $0x9C40, s10  }
0x5: {  	s0 =	sand.u32 $0x1, s0;
	[smem:$0x7FF] =	sst s3;
	s12 =	smul.u32 $0x27100, s10  }
0x6: {  	s8 =	sadd.s32 $0x2A200, s1;
	s13 =	smul.u32 $0x1388, s10;
	s4 =	sshll.u32 s0, $0x4  }
0x7: {  	_ =	strace $0x8000004D;
	s7 =	ssub.s32 $0x2, s0;
	s0 =	smul.u32 $0x9C400, s0  }
0x8: {  	s4 =	sor.u32 s10, s4;
	s9 =	sshrl.u32 s7, $0x1;
	s14 =	sadd.s32 s18, s2  }
0x9: {  	s15 =	sshrl.u32 s12, $0x2;
	s17 =	sadd.s32 $0x7D, s6;
	s20 =	sadd.s32 $0xFA, s6  }
0xa: {  	s23 =	sadd.s32 $0x177, s6;
	s6 =	sadd.s32 $0x1F4, s6;
	s5 =	smul.u32 $0x500, s4  }
0xb: {  	s4 =	sadd.s32 $0x16800, s1;
	s7 =	ssub.s32 s7, s9;
	[dreg:$0x5] =	wrdreg s14  }
0xc: {  	s16 =	sadd.s32 s15, s2;
	s19 =	sshll.u32 s17, $0x3;
	s21 =	sshll.u32 s20, $0x3  }
0xd: {  	s22 =	sshll.u32 s20, $0x6;
	s15 =	sshll.u32 s23, $0x3;
	s9 =	sshll.u32 s23, $0x6  }
0xe: {  	s24 =	sadd.s32 s0, s18;
	s7 =	smax.u32 s7, $0x1;
	[dreg:$0x8] =	wrdreg s16  }
0xf: {  	s14 =	sadd.s32 s22, s2;
	s15 =	sadd.s32 s8, s15;
	s16 =	sadd.s32 s9, s2  }
0x10: {  	s25 =	sadd.s32 s0, s22;
	s26 =	sadd.s32 s0, s9;
	s5 =	sadd.s32 s5, s1  }
0x11: {  	s1 =	sadd.s32 $0x3DC00, s1;
	[dreg:$0x6] =	wrdreg s7;
	s7 =	sshrl.u32 s26, $0x3  }
0x12: {  	s26 =	simm.s32 $0x2;
	s11 =	sadd.s32 $0xC800, s5;
	s5 =	sadd.s32 $0x2800, s5  }
0x13: {  	s22 =	sadd.s32 s1, s7;
	s7 =	simm.s32 $0x0;
	[dreg:$0x3] =	wrdreg s11  }
0x14: {  	[dreg:$0x4] =	wrdreg s5;
	s5 =	sadd.s32 s8, s13;
	s11 =	sadd.s32 s8, s19  }
0x15: {  	s13 =	sadd.s32 s8, s21;
	[dreg:$0x7] =	wrdreg s5;
	s5 =	sshll.u32 s17, $0x6  }
0x16: {  	s17 =	sshll.u32 s6, $0x3;
	s6 =	sshll.u32 s6, $0x6;
	s12 =	sadd.s32 s5, s2  }
0x17: {  	s17 =	sadd.s32 s8, s17;
	s8 =	sshrl.u32 s24, $0x3;
	s5 =	sadd.s32 s0, s5  }
0x18: {  	s18 =	sadd.s32 s6, s2;
	s0 =	sadd.s32 s0, s6;
	s24 =	simm.s32 $0xCD00  }
0x19: {  	s6 =	simm.s32 $0x4;
	s19 =	sadd.s32 s1, s8;
	s5 =	sshrl.u32 s5, $0x3  }
0x1a: {  	s0 =	sshrl.u32 s0, $0x3;
	s20 =	sadd.s32 s1, s5;
	s5 =	sshrl.u32 s25, $0x3  }
0x1b: {  	s23 =	sadd.s32 s1, s0;
	s25 =	simm.s32 $0x5;
	s0 =	simm.s32 $0x1  }
0x1c: {  	s21 =	sadd.s32 s1, s5;
	s1 =	simm.s32 $0x8E80;
	s5 =	simm.s32 $0x3  }
.LBB2_1:
0x1d: {  	s8 =	rddreg [dreg:$0x7]  }
0x1e: {  	[tilespmem:s24], [sflag:$0x5] =	stream.linear.gather [hbm4b:s8+s3], $0x1F40, $0x38;
	[tilespmem:$0x18880] =	vst v63  }
0x1f: {  	_ =	swait.ge [sflag:s25], $0x1F40  }
0x20: {  	[sflag:s25] =	ssyncset.done $0x0  }
0x21: {  	s10 =	rddreg [dreg:$0x8];
	[sflag:s25] =	ssyncadd.s32 $0xFFFFE0C0  }
0x22: {  	[spmem:s10] =	stream.linear.scatter [tilespmem:s24], [sflag:$0x5], $0x1F40, $0x38;
	[tilespmem:$0x18880] =	vst v63  }
0x23: {  	_ =	swait.ge [sflag:s25], $0x1F40  }
0x24: {  	[sflag:s25] =	ssyncset.done $0x0  }
0x25: {  	[sflag:s25] =	ssyncadd.s32 $0xFFFFE0C0  }
0x26: {  	[tilespmem:s24], [sflag:$0x5] =	stream.linear.gather [hbm4b:s11+s3], $0x1F40, $0x38;
	[tilespmem:$0x18880] =	vst v63  }
0x27: {  	_ =	swait.ge [sflag:s25], $0x1F40  }
0x28: {  	[sflag:s25] =	ssyncset.done $0x0  }
0x29: {  	[sflag:s25] =	ssyncadd.s32 $0xFFFFE0C0  }
0x2a: {  	[spmem:s12] =	stream.linear.scatter [tilespmem:s24], [sflag:$0x5], $0x1F40, $0x38;
	[tilespmem:$0x18880] =	vst v63  }
0x2b: {  	_ =	swait.ge [sflag:s25], $0x1F40  }
0x2c: {  	[sflag:s25] =	ssyncset.done $0x0  }
0x2d: {  	[sflag:s25] =	ssyncadd.s32 $0xFFFFE0C0  }
0x2e: {  	[tilespmem:s24], [sflag:$0x5] =	stream.linear.gather [hbm4b:s13+s3], $0x1F40, $0x38;
	[tilespmem:$0x18880] =	vst v63  }
0x2f: {  	_ =	swait.ge [sflag:s25], $0x1F40  }
0x30: {  	[sflag:s25] =	ssyncset.done $0x0  }
0x31: {  	[sflag:s25] =	ssyncadd.s32 $0xFFFFE0C0  }
0x32: {  	[spmem:s14] =	stream.linear.scatter [tilespmem:s24], [sflag:$0x5], $0x1F40, $0x38;
	[tilespmem:$0x18880] =	vst v63  }
0x33: {  	_ =	swait.ge [sflag:s25], $0x1F40  }
0x34: {  	[sflag:s25] =	ssyncset.done $0x0  }
0x35: {  	[sflag:s25] =	ssyncadd.s32 $0xFFFFE0C0  }
0x36: {  	[tilespmem:s24], [sflag:$0x5] =	stream.linear.gather [hbm4b:s15+s3], $0x1F40, $0x38;
	[tilespmem:$0x18880] =	vst v63  }
0x37: {  	_ =	swait.ge [sflag:s25], $0x1F40  }
0x38: {  	[sflag:s25] =	ssyncset.done $0x0  }
0x39: {  	[sflag:s25] =	ssyncadd.s32 $0xFFFFE0C0  }
0x3a: {  	[spmem:s16] =	stream.linear.scatter [tilespmem:s24], [sflag:$0x5], $0x1F40, $0x38;
	[tilespmem:$0x18880] =	vst v63  }
0x3b: {  	_ =	swait.ge [sflag:s25], $0x1F40  }
0x3c: {  	[sflag:s25] =	ssyncset.done $0x0  }
0x3d: {  	[sflag:s25] =	ssyncadd.s32 $0xFFFFE0C0  }
0x3e: {  	[tilespmem:s24], [sflag:$0x5] =	stream.linear.gather [hbm4b:s17+s3], $0x1F40, $0x38;
	[tilespmem:$0x18880] =	vst v63  }
0x3f: {  	_ =	swait.ge [sflag:s25], $0x1F40  }
0x40: {  	[sflag:s25] =	ssyncset.done $0x0  }
0x41: {  	[sflag:s25] =	ssyncadd.s32 $0xFFFFE0C0  }
0x42: {  	[spmem:s18] =	stream.linear.scatter [tilespmem:s24], [sflag:$0x5], $0x1F40, $0x38;
	[tilespmem:$0x18880] =	vst v63  }
0x43: {  	_ =	swait.ge [sflag:s25], $0x1F40  }
0x44: {  	[sflag:s25] =	ssyncset.done $0x0  }
0x45: {  	s9 =	rddreg [dreg:$0x3];
	[sflag:s25] =	ssyncadd.s32 $0xFFFFE0C0  }
0x46: {  	[tilespmem:s3], [sflag:$0x5] =	stream.linear.gather [hbm4b:s9+s3], $0x2800, $0x38;
	[tilespmem:$0x18880] =	vst v63  }
0x47: {  	_ =	swait.ge [sflag:s25], $0x2800  }
0x48: {  	[sflag:s25] =	ssyncset.done $0x0  }
0x49: {  	s9 =	simm.s32 $0x2800;
	s10 =	rddreg [dreg:$0x4];
	[sflag:s25] =	ssyncadd.s32 $0xFFFFD800  }
0x4a: {  	[tilespmem:s9], [sflag:$0x5] =	stream.linear.gather [hbm4b:s10+s3], $0x2800, $0x38;
	[tilespmem:$0x18880] =	vst v63  }
0x4b: {  	_ =	swait.ge [sflag:s25], $0x2800  }
0x4c: {  	[sflag:s25] =	ssyncset.done $0x0  }
0x4d: {  	[sflag:s25] =	ssyncadd.s32 $0xFFFFD800  }
0x4e: {  	[bflag:$0x0] =	sbarrier.arrive $0xFFFF  }
0x4f: {  	[tilespmem:s29], [sflag:$0x1] =	stream.indirect.gather [hbm4b:s4+s28], $0x40, s3, s28, $0xb8;
	[tilespmem:$0x18880] =	vst v63  }
0x50: {  	s9 =	simm.s32 $0x80  }
0x51: {  	[tilespmem:s31], [sflag:$0x2] =	stream.indirect.gather [hbm4b:s4+s28], $0x40, s9, s28, $0xb8;
	[tilespmem:$0x18880] =	vst v63  }
0x52: {  	s10 =	simm.s32 $0x100  }
0x53: {  	[tilespmem:s1], [sflag:$0x3] =	stream.indirect.gather [hbm4b:s4+s28], $0x40, s10, s28, $0xb8;
	[tilespmem:$0x18880] =	vst v63  }
0x54: {  	s9 =	simm.s32 $0x180  }
0x55: {  	[tilespmem:s30], [sflag:$0x4] =	stream.indirect.gather [hbm4b:s4+s28], $0x40, s9, s28, $0xb8;
	[tilespmem:$0x18880] =	vst v63  }
0x56: {  	_ =	swait.ge [sflag:s0], $0x1F40  }
0x57: {  	[sflag:s0] =	ssyncset.done $0x0  }
0x58: {  	s10 =	simm.s32 $0x2800;
	[sflag:s0] =	ssyncadd.s32 $0xFFFFE0C0  }
0x59: {  	[spmem:s2] =	stream.indirect.scatter.add.f32 [tilespmem:s29], [sflag:$0x5], $0x40, s10, s28, $0xb8;
	[tilespmem:$0x18880] =	vst v63  }
0x5a: {  	_ =	swait.ge [sflag:s25], $0x1F40  }
0x5b: {  	[sflag:s25] =	ssyncset.done $0x0  }
0x5c: {  	s9 =	simm.s32 $0x200;
	[sflag:s25] =	ssyncadd.s32 $0xFFFFE0C0  }
0x5d: {  	[tilespmem:s29], [sflag:$0x1] =	stream.indirect.gather [hbm4b:s4+s28], $0x40, s9, s28, $0xb8;
	[tilespmem:$0x18880] =	vst v63  }
0x5e: {  	_ =	swait.ge [sflag:s26], $0x1F40  }
0x5f: {  	[sflag:s26] =	ssyncset.done $0x0  }
0x60: {  	s10 =	simm.s32 $0x2880;
	[sflag:s26] =	ssyncadd.s32 $0xFFFFE0C0  }
0x61: {  	[spmem:s2] =	stream.indirect.scatter.add.f32 [tilespmem:s31], [sflag:$0x5], $0x40, s10, s28, $0xb8;
	[tilespmem:$0x18880] =	vst v63  }
0x62: {  	_ =	swait.ge [sflag:s25], $0x1F40  }
0x63: {  	[sflag:s25] =	ssyncset.done $0x0  }
0x64: {  	s9 =	simm.s32 $0x280;
	[sflag:s25] =	ssyncadd.s32 $0xFFFFE0C0  }
0x65: {  	[tilespmem:s31], [sflag:$0x2] =	stream.indirect.gather [hbm4b:s4+s28], $0x40, s9, s28, $0xb8;
	[tilespmem:$0x18880] =	vst v63  }
0x66: {  	_ =	swait.ge [sflag:s5], $0x1F40  }
0x67: {  	[sflag:s5] =	ssyncset.done $0x0  }
0x68: {  	s10 =	simm.s32 $0x2900;
	[sflag:s5] =	ssyncadd.s32 $0xFFFFE0C0  }
0x69: {  	[spmem:s2] =	stream.indirect.scatter.add.f32 [tilespmem:s1], [sflag:$0x5], $0x40, s10, s28, $0xb8;
	[tilespmem:$0x18880] =	vst v63  }
0x6a: {  	_ =	swait.ge [sflag:s25], $0x1F40  }
0x6b: {  	[sflag:s25] =	ssyncset.done $0x0  }
0x6c: {  	s9 =	simm.s32 $0x300;
	[sflag:s25] =	ssyncadd.s32 $0xFFFFE0C0  }
0x6d: {  	[tilespmem:s1], [sflag:$0x3] =	stream.indirect.gather [hbm4b:s4+s28], $0x40, s9, s28, $0xb8;
	[tilespmem:$0x18880] =	vst v63  }
0x6e: {  	_ =	swait.ge [sflag:s6], $0x1F40  }
0x6f: {  	[sflag:s6] =	ssyncset.done $0x0  }
0x70: {  	s10 =	simm.s32 $0x2980;
	[sflag:s6] =	ssyncadd.s32 $0xFFFFE0C0  }
0x71: {  	[spmem:s2] =	stream.indirect.scatter.add.f32 [tilespmem:s30], [sflag:$0x5], $0x40, s10, s28, $0xb8;
	[tilespmem:$0x18880] =	vst v63  }
0x72: {  	_ =	swait.ge [sflag:s25], $0x1F40  }
0x73: {  	[sflag:s25] =	ssyncset.done $0x0  }
0x74: {  	s8 =	simm.s32 $0x800;
	s9 =	simm.s32 $0x380;
	[sflag:s25] =	ssyncadd.s32 $0xFFFFE0C0  }
.LBB2_2:
0x75: {  	[tilespmem:s30], [sflag:$0x4] =	stream.indirect.gather [hbm4b:s4+s28], $0x40, s9, s28, $0xb8;
	[tilespmem:$0x18880] =	vst v63  }
0x76: {  	s9 =	smov.u32 s8  }
0x77: {  	p0 =	sne.s32 s8, $0x9000;
	s8 =	sadd.s32 $0x800, s8;
	_ =	swait.ge [sflag:s0], $0x1F40  }
0x78: {  	s9 =	sshra.s32 s9, $0x2;
	[sflag:s0] =	ssyncset.done $0x0  }
0x79: {  	s10 =	sadd.s32 $0x2800, s9;
	[sflag:s0] =	ssyncadd.s32 $0xFFFFE0C0  }
0x7a: {  	[spmem:s2] =	stream.indirect.scatter.add.f32 [tilespmem:s29], [sflag:$0x5], $0x40, s10, s28, $0xb8;
	[tilespmem:$0x18880] =	vst v63  }
0x7b: {  	_ =	swait.ge [sflag:s25], $0x1F40  }
0x7c: {  	[sflag:s25] =	ssyncset.done $0x0  }
0x7d: {  	s10 =	sadd.s32 $0x200, s9;
	[sflag:s25] =	ssyncadd.s32 $0xFFFFE0C0  }
0x7e: {  	[tilespmem:s29], [sflag:$0x1] =	stream.indirect.gather [hbm4b:s4+s28], $0x40, s10, s28, $0xb8;
	[tilespmem:$0x18880] =	vst v63  }
0x7f: {  	_ =	swait.ge [sflag:s26], $0x1F40  }
0x80: {  	[sflag:s26] =	ssyncset.done $0x0  }
0x81: {  	s10 =	sadd.s32 $0x2880, s9;
	[sflag:s26] =	ssyncadd.s32 $0xFFFFE0C0  }
0x82: {  	[spmem:s2] =	stream.indirect.scatter.add.f32 [tilespmem:s31], [sflag:$0x5], $0x40, s10, s28, $0xb8;
	[tilespmem:$0x18880] =	vst v63  }
0x83: {  	_ =	swait.ge [sflag:s25], $0x1F40  }
0x84: {  	[sflag:s25] =	ssyncset.done $0x0  }
0x85: {  	s10 =	sadd.s32 $0x280, s9;
	[sflag:s25] =	ssyncadd.s32 $0xFFFFE0C0  }
0x86: {  	[tilespmem:s31], [sflag:$0x2] =	stream.indirect.gather [hbm4b:s4+s28], $0x40, s10, s28, $0xb8;
	[tilespmem:$0x18880] =	vst v63  }
0x87: {  	_ =	swait.ge [sflag:s5], $0x1F40  }
0x88: {  	[sflag:s5] =	ssyncset.done $0x0  }
0x89: {  	s10 =	sadd.s32 $0x2900, s9;
	[sflag:s5] =	ssyncadd.s32 $0xFFFFE0C0  }
0x8a: {  	[spmem:s2] =	stream.indirect.scatter.add.f32 [tilespmem:s1], [sflag:$0x5], $0x40, s10, s28, $0xb8;
	[tilespmem:$0x18880] =	vst v63  }
0x8b: {  	_ =	swait.ge [sflag:s25], $0x1F40  }
0x8c: {  	[sflag:s25] =	ssyncset.done $0x0  }
0x8d: {  	s10 =	sadd.s32 $0x300, s9;
	[sflag:s25] =	ssyncadd.s32 $0xFFFFE0C0  }
0x8e: {  	[tilespmem:s1], [sflag:$0x3] =	stream.indirect.gather [hbm4b:s4+s28], $0x40, s10, s28, $0xb8;
	[tilespmem:$0x18880] =	vst v63  }
0x8f: {  	_ =	swait.ge [sflag:s6], $0x1F40  }
0x90: {  	[sflag:s6] =	ssyncset.done $0x0  }
.Ltmp0:
0x91: {  	s10 =	sadd.s32 $0x2980, s9;
	[sflag:s6] =	ssyncadd.s32 $0xFFFFE0C0;
	(pc) =	sbr.rel @p0 .LBB2_2-.Ltmp0, $4  }
0x92: {  	[spmem:s2] =	stream.indirect.scatter.add.f32 [tilespmem:s30], [sflag:$0x5], $0x40, s10, s28, $0xb8;
	[tilespmem:$0x18880] =	vst v63  }
0x93: {  	_ =	swait.ge [sflag:s25], $0x1F40  }
0x94: {  	[sflag:s25] =	ssyncset.done $0x0  }
0x95: {  	s9 =	sadd.s32 $0x380, s9;
	[sflag:s25] =	ssyncadd.s32 $0xFFFFE0C0  }
0x96: {  	[tilespmem:s30], [sflag:$0x4] =	stream.indirect.gather [hbm4b:s4+s28], $0x40, s9, s28, $0xb8;
	[tilespmem:$0x18880] =	vst v63  }
0x97: {  	_ =	swait.ge [sflag:s0], $0x1F40  }
0x98: {  	[sflag:s0] =	ssyncset.done $0x0  }
0x99: {  	s8 =	simm.s32 $0x4E00;
	[sflag:s0] =	ssyncadd.s32 $0xFFFFE0C0  }
0x9a: {  	[spmem:s2] =	stream.indirect.scatter.add.f32 [tilespmem:s29], [sflag:$0x5], $0x40, s8, s28, $0xb8;
	[tilespmem:$0x18880] =	vst v63  }
0x9b: {  	_ =	swait.ge [sflag:s25], $0x1F40  }
0x9c: {  	[sflag:s25] =	ssyncset.done $0x0  }
0x9d: {  	[sflag:s25] =	ssyncadd.s32 $0xFFFFE0C0  }
0x9e: {  	_ =	swait.ge [sflag:s26], $0x1F40  }
0x9f: {  	[sflag:s26] =	ssyncset.done $0x0  }
0xa0: {  	s10 =	simm.s32 $0x4E80;
	[sflag:s26] =	ssyncadd.s32 $0xFFFFE0C0  }
0xa1: {  	[spmem:s2] =	stream.indirect.scatter.add.f32 [tilespmem:s31], [sflag:$0x5], $0x40, s10, s28, $0xb8;
	[tilespmem:$0x18880] =	vst v63  }
0xa2: {  	_ =	swait.ge [sflag:s25], $0x1F40  }
0xa3: {  	[sflag:s25] =	ssyncset.done $0x0  }
0xa4: {  	[sflag:s25] =	ssyncadd.s32 $0xFFFFE0C0  }
0xa5: {  	_ =	swait.ge [sflag:s5], $0x1F40  }
0xa6: {  	[sflag:s5] =	ssyncset.done $0x0  }
0xa7: {  	s9 =	simm.s32 $0x4F00;
	[sflag:s5] =	ssyncadd.s32 $0xFFFFE0C0  }
0xa8: {  	[spmem:s2] =	stream.indirect.scatter.add.f32 [tilespmem:s1], [sflag:$0x5], $0x40, s9, s28, $0xb8;
	[tilespmem:$0x18880] =	vst v63  }
0xa9: {  	_ =	swait.ge [sflag:s25], $0x1F40  }
0xaa: {  	[sflag:s25] =	ssyncset.done $0x0  }
0xab: {  	[sflag:s25] =	ssyncadd.s32 $0xFFFFE0C0  }
0xac: {  	_ =	swait.ge [sflag:s6], $0x1F40  }
0xad: {  	[sflag:s6] =	ssyncset.done $0x0  }
0xae: {  	s10 =	simm.s32 $0x4F80;
	[sflag:s6] =	ssyncadd.s32 $0xFFFFE0C0  }
0xaf: {  	[spmem:s2] =	stream.indirect.scatter.add.f32 [tilespmem:s30], [sflag:$0x5], $0x40, s10, s28, $0xb8;
	[tilespmem:$0x18880] =	vst v63  }
0xb0: {  	_ =	swait.ge [sflag:s25], $0x1F40  }
0xb1: {  	[sflag:s25] =	ssyncset.done $0x0  }
0xb2: {  	[sflag:s25] =	ssyncadd.s32 $0xFFFFE0C0  }
0xb3: {  	[bflag:$0x0] =	sbarrier.arrive $0xFFFF  }
0xb4: {  	s9 =	rddreg [dreg:$0x5]  }
0xb5: {  	[tilespmem:s24], [sflag:$0x5] =	stream.linear.gather [spmem:s9], $0x1F40, $0x38;
	[tilespmem:$0x18880] =	vst v63  }
0xb6: {  	_ =	swait.ge [sflag:s25], $0x1F40  }
0xb7: {  	[sflag:s25] =	ssyncset.done $0x0  }
0xb8: {  	[sflag:s25] =	ssyncadd.s32 $0xFFFFE0C0  }
0xb9: {  	[hbm4b:s19+s3] =	stream.linear.scatter [tilespmem:s24], [sflag:$0x5], $0x1F40, $0x38;
	[tilespmem:$0x18880] =	vst v63  }
0xba: {  	_ =	swait.ge [sflag:s25], $0x1F40  }
0xbb: {  	[sflag:s25] =	ssyncset.done $0x0  }
0xbc: {  	[sflag:s25] =	ssyncadd.s32 $0xFFFFE0C0  }
0xbd: {  	[tilespmem:s24], [sflag:$0x5] =	stream.linear.gather [spmem:s12], $0x1F40, $0x38;
	[tilespmem:$0x18880] =	vst v63  }
0xbe: {  	_ =	swait.ge [sflag:s25], $0x1F40  }
0xbf: {  	[sflag:s25] =	ssyncset.done $0x0  }
0xc0: {  	[sflag:s25] =	ssyncadd.s32 $0xFFFFE0C0  }
0xc1: {  	[hbm4b:s20+s3] =	stream.linear.scatter [tilespmem:s24], [sflag:$0x5], $0x1F40, $0x38;
	[tilespmem:$0x18880] =	vst v63  }
0xc2: {  	_ =	swait.ge [sflag:s25], $0x1F40  }
0xc3: {  	[sflag:s25] =	ssyncset.done $0x0  }
0xc4: {  	[sflag:s25] =	ssyncadd.s32 $0xFFFFE0C0  }
0xc5: {  	[tilespmem:s24], [sflag:$0x5] =	stream.linear.gather [spmem:s14], $0x1F40, $0x38;
	[tilespmem:$0x18880] =	vst v63  }
0xc6: {  	_ =	swait.ge [sflag:s25], $0x1F40  }
0xc7: {  	[sflag:s25] =	ssyncset.done $0x0  }
0xc8: {  	[sflag:s25] =	ssyncadd.s32 $0xFFFFE0C0  }
0xc9: {  	[hbm4b:s21+s3] =	stream.linear.scatter [tilespmem:s24], [sflag:$0x5], $0x1F40, $0x38;
	[tilespmem:$0x18880] =	vst v63  }
0xca: {  	_ =	swait.ge [sflag:s25], $0x1F40  }
0xcb: {  	[sflag:s25] =	ssyncset.done $0x0  }
0xcc: {  	[sflag:s25] =	ssyncadd.s32 $0xFFFFE0C0  }
0xcd: {  	[tilespmem:s24], [sflag:$0x5] =	stream.linear.gather [spmem:s16], $0x1F40, $0x38;
	[tilespmem:$0x18880] =	vst v63  }
0xce: {  	_ =	swait.ge [sflag:s25], $0x1F40  }
0xcf: {  	[sflag:s25] =	ssyncset.done $0x0  }
0xd0: {  	[sflag:s25] =	ssyncadd.s32 $0xFFFFE0C0  }
0xd1: {  	[hbm4b:s22+s3] =	stream.linear.scatter [tilespmem:s24], [sflag:$0x5], $0x1F40, $0x38;
	[tilespmem:$0x18880] =	vst v63  }
0xd2: {  	_ =	swait.ge [sflag:s25], $0x1F40  }
0xd3: {  	[sflag:s25] =	ssyncset.done $0x0  }
0xd4: {  	[sflag:s25] =	ssyncadd.s32 $0xFFFFE0C0  }
0xd5: {  	[tilespmem:s24], [sflag:$0x5] =	stream.linear.gather [spmem:s18], $0x1F40, $0x38;
	[tilespmem:$0x18880] =	vst v63  }
0xd6: {  	_ =	swait.ge [sflag:s25], $0x1F40  }
0xd7: {  	[sflag:s25] =	ssyncset.done $0x0  }
0xd8: {  	[sflag:s25] =	ssyncadd.s32 $0xFFFFE0C0  }
0xd9: {  	[hbm4b:s23+s3] =	stream.linear.scatter [tilespmem:s24], [sflag:$0x5], $0x1F40, $0x38;
	[tilespmem:$0x18880] =	vst v63  }
0xda: {  	_ =	swait.ge [sflag:s25], $0x1F40  }
0xdb: {  	s7 =	sadd.s32 $0x1, s7;
	s10 =	rddreg [dreg:$0x6]  }
0xdc: {  	p0 =	sne.s32 s7, s10  }
.Ltmp1:
0xdd: {  	_ = 	snop;
	(pc) =	sbr.rel @p0 .LBB2_1-.Ltmp1, $3  }
0xde: {  	_ =	sdelay $0x1  }
0xdf: {  	[sflag:s25] =	ssyncset.done $0x0  }
0xe0: {  	[sflag:s25] =	ssyncadd.s32 $0xFFFFE0C0  }
0xe1: {  	_ =	sfence.sel $0x180000  }
0xe2: {  	[bflag:$0x0] =	sbarrier.arrive $0xFFFF  }
0xe3: {  	_ =	strace $0x9000004D  }
0xe4: {  	s0 =	stileid.u32;
	[bflag:$0x2] =	sbarrier.arrive $0xFFFF  }
0xe5: {  	p0 =	sne.s32 s0, $0x0;
	s0 =	rddreg [dreg:$0x2]  }
0xe6: {  	s0 =	sadd.s32 @!p0 $0x100000, s0  }
0xe7: {  	[sflag:s0] =	ssyncadd.tile.s32 @!p0 $0x1;
	_ =	shalt  }
.Lfunc_end2:
_tile_overlayer_lowered:
.L_overlay_start_2:
0xe8: {  	(tag) =	ssettag $0x2  }
0xe9: {  	s0 =	rddreg [dreg:$0x0];
	s2 =	stileid.u32  }
0xea: {  	s1 =	rddreg [dreg:$0x1];
	p0 =	sne.s32 s2, $0x0  }
0xeb: {  	s3 =	rddreg [dreg:$0x2];
	[bflag:$0x3] =	sbarrier.arrive $0xFFFF;
	s2 =	simm.s32 @!p0 $0x1C05  }
0xec: {  	[timem:s3], [sflag:s2] =	dma.local @!p0 [hbm:s0], s1  }
0xed: {  	s0 =	simm.s32 @!p0 $0x5  }
0xee: {  	_ =	swait.ge @!p0 [sflag:s0], s1  }
0xef: {  	s1 =	ssub.s32 @!p0 $0x0, s1;
	[sflag:s0] =	ssyncset.done @!p0 $0x0  }
0xf0: {  	[sflag:s0] =	ssyncadd.s32 @!p0 s1  }
0xf1: {  	[bflag:$0x3] =	sbarrier.arrive $0xFFFF  }
0xf2: {  	_ =	shalt  }

// kernel: sc_edge_aggregate80.3.cloned.1.call-start
scs
__scs_entry_jumppad:
0x0: {  	(pc) =	sbr.rel $0x88, $3  }
0x1: {  	(tag) =	ssettag $0x0;
	lr =	simm.s32 $0x1  }
0x2: {  	[smem:$0x3F94] =	sst lr;
	_ =	strace $0xD0000000  }
0x3: {  	_ = 	snop  }
0x4: {  	_ = 	snop  }
0x5: {  	_ = 	snop  }
0x6: {  	_ = 	snop  }
0x7: {  	_ = 	snop  }
__scs_overlays_trampoline_lowered:
0x8: {  	[smem:$0x3FA3] =	sst s0  }
0x9: {  	[smem:$0x3FA4] =	sst s1  }
0xa: {  	[smem:$0x3FA5] =	sst s2  }
0xb: {  	[smem:$0x3FA6] =	sst s3  }
0xc: {  	[smem:$0x3FA7] =	sst s4  }
0xd: {  	[smem:$0x3FA8] =	sst s5  }
0xe: {  	[smem:$0x3FA9] =	sst s6  }
0xf: {  	[smem:$0x3FAA] =	sst s7  }
0x10: {  	[smem:$0x3FAB] =	sst s8  }
0x11: {  	[smem:$0x3FAC] =	sst s9;
	s0 =	simm.s32 @!p0 $0x0  }
0x12: {  	s1 =	sld [smem:$0x3F92];
	s0 =	simm.s32 @p0 $0x1  }
0x13: {  	[smem:$0x3FAD] =	sst s0;
	s0 =	simm.s32 @!p1 $0x0  }
0x14: {  	s2 =	sld [smem:$0x3F91];
	s0 =	simm.s32 @p1 $0x1  }
0x15: {  	[smem:$0x3FAE] =	sst s0;
	s0 =	simm.s32 @!p2 $0x0  }
0x16: {  	s3 =	sld [smem:$0x3FDB];
	s0 =	simm.s32 @p2 $0x1  }
0x17: {  	s4 =	simm.s32 $0x1BF5;
	[smem:$0x3FB0] =	sst s0  }
0x18: {  	s0 =	sld [smem:$0x3F93];
	_ =	swait.ge [sflag:s4], $0x0  }
0x19: {  	s7 =	sld [smem:$0x3F94]  }
0x1a: {  	s8 =	sadd.s32 $0xFFFFE003, lr  }
0x1b: {  	s9 =	sadd.s32 $0xFFFFFEF7, lr;
	s5 =	simm.s32 $0xFFFFFFFF;
	p2 =	slt.u32 s8, $0xFFFFF086  }
0x1c: {  	p1 =	slt.u32 s9, $0xF7A;
	s5 =	simm.s32 @!p2 $0x0  }
0x1d: {  	s5 =	simm.s32 @p1 $0x1;
	p0 =	seq.s32 s7, s2  }
0x1e: {  	s7 =	smul.u32 @!p0 $0xF7A, s2;
	p2 =	seq.s32 @!p0 s5, $0x0  }
0x1f: {  	s9 =	smul.u32 $0xF7A, s1;
	s8 =	simm.s32 @!p0 $0x1BF5;
	p2 =	por !p2, p0  }
0x20: {  	[sflag:s8] =	ssyncset.s32 @!p0 $0xFFFFF086;
	s6 =	sadd.s32 @!p0 s3, s7;
	s7 =	simm.s32 @!p0 $0x108  }
0x21: {  	s3 =	sadd.s32 s3, s9;
	s6 =	sadd.s32 @!p0 $0x88, s6;
	s7 =	simm.s32 @p2 $0x1082  }
0x22: {  	[simem:s7], [sflag:s8] =	dma.local @!p0 [hbm:s6], $0xF7A  }
0x23: {  	s9 =	sor.u32 $0xD0000000, s2;
	s6 =	simm.s32 $0x108;
	_ =	swait.ge @!p0 [sflag:s8], $0x0  }
0x24: {  	s3 =	sadd.s32 $0x88, s3;
	s6 =	simm.s32 @!p1 $0x1082;
	[sflag:s4] =	ssyncset.s32 $0xFFFFF086  }
0x25: {  	[simem:s6], [sflag:s4] =	dma.local [hbm:s3], $0xF7A  }
0x26: {  	[smem:$0x3F94] =	sst s1;
	(tag) =	ssettag s2;
	_ =	strace s9  }
0x27: {  	s1 =	sld [smem:$0x3FA4]  }
0x28: {  	s2 =	sld [smem:$0x3FA5]  }
0x29: {  	s4 =	sld [smem:$0x3FA7]  }
0x2a: {  	p0 =	seq.s32 s5, $0x0;
	s5 =	sld [smem:$0x3FA8]  }
0x2b: {  	s6 =	sld [smem:$0x3FA9]  }
0x2c: {  	s7 =	sld [smem:$0x3FAA]  }
0x2d: {  	s3 =	simm.s32 $0x108;
	s8 =	sld [smem:$0x3FAB]  }
0x2e: {  	s3 =	simm.s32 @!p0 $0x1082;
	s9 =	sld [smem:$0x3FAC]  }
0x2f: {  	lr =	sadd.s32 s0, s3;
	s0 =	sld [smem:$0x3FA3]  }
0x30: {  	s3 =	sld [smem:$0x3FA6]  }
0x31: {  	[smem:$0x3FAF] =	sst s10  }
0x32: {  	s10 =	sld [smem:$0x3FAD];
	_ =	sdelay $0x3  }
0x33: {  	p0 =	seq.s32 s10, $0x1;
	s10 =	sld [smem:$0x3FAF];
	_ =	sdelay $0x3  }
0x34: {  	[smem:$0x3FAF] =	sst s10  }
0x35: {  	s10 =	sld [smem:$0x3FAE];
	_ =	sdelay $0x3  }
0x36: {  	p1 =	seq.s32 s10, $0x1;
	s10 =	sld [smem:$0x3FAF];
	_ =	sdelay $0x3  }
0x37: {  	[smem:$0x3FAF] =	sst s10  }
0x38: {  	s10 =	sld [smem:$0x3FB0]  }
0x39: {  	_ = 	snop;
	(pc) =	sbr.ind lr, $3  }
0x3a: {  	_ = 	snop  }
0x3b: {  	_ = 	snop  }
0x3c: {  	p2 =	seq.s32 s10, $0x1;
	s10 =	sld [smem:$0x3FAF]  }
0x3d: {  	_ =	shalt  }
0x3e: {  	_ =	shalt  }
0x3f: {  	_ =	shalt  }
0x40: {  	_ =	shalt  }
0x41: {  	_ =	shalt  }
0x42: {  	_ =	shalt  }
0x43: {  	_ =	shalt  }
0x44: {  	_ =	shalt  }
0x45: {  	_ =	shalt  }
0x46: {  	_ =	shalt  }
0x47: {  	_ =	shalt  }
0x48: {  	_ =	shalt  }
0x49: {  	_ =	shalt  }
0x4a: {  	_ =	shalt  }
0x4b: {  	_ =	shalt  }
0x4c: {  	_ =	shalt  }
0x4d: {  	_ =	shalt  }
0x4e: {  	_ =	shalt  }
0x4f: {  	_ =	shalt  }
0x50: {  	_ =	shalt  }
0x51: {  	_ =	shalt  }
0x52: {  	_ =	shalt  }
0x53: {  	_ =	shalt  }
0x54: {  	_ =	shalt  }
0x55: {  	_ =	shalt  }
0x56: {  	_ =	shalt  }
0x57: {  	_ =	shalt  }
0x58: {  	_ =	shalt  }
0x59: {  	_ =	shalt  }
0x5a: {  	_ =	shalt  }
0x5b: {  	_ =	shalt  }
0x5c: {  	_ =	shalt  }
0x5d: {  	_ =	shalt  }
0x5e: {  	_ =	shalt  }
0x5f: {  	_ =	shalt  }
0x60: {  	_ =	shalt  }
0x61: {  	_ =	shalt  }
0x62: {  	_ =	shalt  }
0x63: {  	_ =	shalt  }
0x64: {  	_ =	shalt  }
0x65: {  	_ =	shalt  }
0x66: {  	_ =	shalt  }
0x67: {  	_ =	shalt  }
0x68: {  	_ =	shalt  }
0x69: {  	_ =	shalt  }
0x6a: {  	_ =	shalt  }
0x6b: {  	_ =	shalt  }
0x6c: {  	_ =	shalt  }
0x6d: {  	_ =	shalt  }
0x6e: {  	_ =	shalt  }
0x6f: {  	_ =	shalt  }
0x70: {  	_ =	shalt  }
0x71: {  	_ =	shalt  }
0x72: {  	_ =	shalt  }
0x73: {  	_ =	shalt  }
0x74: {  	_ =	shalt  }
0x75: {  	_ =	shalt  }
0x76: {  	_ =	shalt  }
0x77: {  	_ =	shalt  }
0x78: {  	_ =	shalt  }
0x79: {  	_ =	shalt  }
0x7a: {  	_ =	shalt  }
0x7b: {  	_ =	shalt  }
0x7c: {  	_ =	shalt  }
0x7d: {  	_ =	shalt  }
0x7e: {  	_ =	shalt  }
0x7f: {  	_ =	shalt  }
0x80: {  	_ =	shalt  }
0x81: {  	_ =	shalt  }
0x82: {  	_ =	shalt  }
0x83: {  	_ =	shalt  }
0x84: {  	_ =	shalt  }
0x85: {  	_ =	shalt  }
0x86: {  	_ =	shalt  }
0x87: {  	_ =	shalt  }
.Lfunc_end0:
.L_simem_size_0:
called_computation_lowered:
.L_overlay_start_0:
0x88: {  	s2 =	sld [smem:$0x3FD9]  }
0x89: {  	s3 =	sld [smem:$0x3FFE];
	_ =	sdelay $0x1  }
0x8a: {  	s1 =	srdreg.scid  }
0x8b: {  	s0 =	sand.u32 $0x1, s1  }
0x8c: {  	s16 =	sshll.u32 s0, $0xA;
	s2 =	sadd.s32 s3, s2  }
0x8d: {  	s2 =	sadd.s32 s2, s16  }
0x8e: {  	[smem:$0x3FBB] =	sst s2  }
0x8f: {  	_ = 	snop  }
0x90: {  	(tm) =	ssettm $0x1  }
0x91: {  	s17 =	sld [smem:$0x3FFB];
	_ =	sdelay $0x3  }
0x92: {  	_ =	strace s17  }
0x93: {  	s2 =	sld [smem:$0x3FFC];
	_ =	sdelay $0x3  }
0x94: {  	_ =	strace s2  }
0x95: {  	s2 =	sld [smem:$0x3FFD];
	_ =	sdelay $0x3  }
0x96: {  	_ =	strace s2  }
0x97: {  	_ =	strace $0x8FFFFFFF  }
0x98: {  	s18 =	sld [smem:$0x3FDB];
	_ =	sdelay $0x1  }
0x99: {  	s19 =	simm.s32 $_scs_section_size  }
0x9a: {  	s4 =	simm.s32 $_size__tile_overlayer_lowered;
	s5 =	simm.s32 $_tile_overlayer_lowered  }
0x9b: {  	s22 =	simm.s32 $0x1BFF;
	s21 =	sshll.u32 s5, $0x1;
	s2 =	sadd.s32 s19, s18  }
0x9c: {  	s6 =	simm.s32 $0x0;
	s20 =	sshll.u32 s4, $0x1;
	s4 =	sadd.s32 s21, s2  }
0x9d: {  	[timem:s6], [sflag:s22] =	dma.local [hbm:s4], s20  }
0x9e: {  	_ =	swait.ge [sflag:s22], s20  }
0x9f: {  	s3 =	ssub.s32 $0x0, s20;
	[sflag:s22] =	ssyncset.done $0x0  }
0xa0: {  	[sflag:s22] =	ssyncadd.s32 s3;
	_ =	sdelay $0x1  }
0xa1: {  	s23 =	simm.s32 $0x1B8B  }
0xa2: {  	_ =	swait.ge [sflag:s23], $0x1  }
0xa3: {  	[sflag:s23] =	ssyncset.done $0x0  }
0xa4: {  	s25 =	simm.s32 $0x1B8E;
	s24 =	sld [smem:$0x3FFE];
	[sflag:s23] =	ssyncadd.s32 $0xFFFFFFFF  }
0xa5: {  	s26 =	simm.s32 $execute0_lowered;
	[smem:$0x3FD2] =	sst s25  }
0xa6: {  	s4 =	sshll.u32 s26, $0x1;
	_ =	strace $0x80000046;
	[dreg:$0x1] =	wrdreg $0xFFFFFFFF  }
0xa7: {  	s28 =	simm.s32 $_size_execute0_lowered;
	s2 =	sadd.s32 s2, s4;
	[dreg:$0x0] =	wrdreg $0x0  }
0xa8: {  	s4 =	sshll.u32 s28, $0x1;
	[dreg:$0x2] =	wrdreg s2  }
0xa9: {  	[dreg:$0x3] =	wrdreg s4  }
0xaa: {  	[dreg:$0x4] =	wrdreg $0xC0  }
0xab: {  	_ =	task [dreg:s6], $0x5FFFF  }
0xac: {  	[dreg:$0x1] =	wrdreg $0xFFFFFFFF  }
0xad: {  	[dreg:$0x0] =	wrdreg $0x60  }
0xae: {  	[dreg:$0x2] =	wrdreg s24  }
0xaf: {  	[dreg:$0x3] =	wrdreg $0x113500  }
0xb0: {  	[dreg:$0x4] =	wrdreg $0x9  }
0xb1: {  	_ =	task.clear_ibuf [dreg:s6], $0x5FFFF;
	_ =	strace $0x90000046  }
0xb2: {  	s29 =	simm.s32 $0x9;
	_ =	strace $0x80000048  }
0xb3: {  	_ =	swait.ge [sflag:s29], $0x1  }
0xb4: {  	[sflag:s29] =	ssyncadd.s32 $0xFFFFFFFF  }
0xb5: {  	_ =	strace $0x90000048  }
0xb6: {  	_ =	sfence  }
0xb7: {  	s30 =	sld [smem:$0x0];
	_ =	sdelay $0x2  }
0xb8: {  	s31 =	sshll.u32 s1, $0xD;
	s1 =	sshrl.u32 s1, $0x2  }
0xb9: {  	s3 =	sand.u32 $0x4000, s31;
	s1 =	sadd.s32 s1, s30  }
0xba: {  	s0 =	sor.u32 s3, s0;
	s1 =	sshll.u32 s1, $0x11  }
0xbb: {  	s0 =	sor.u32 s1, s0  }
0xbc: {  	s0 =	sadd.s32 $0x8F2B, s0  }
0xbd: {  	[sflag:s0] =	ssyncadd.remote.s32 $0x1  }
0xbe: {  	_ =	sfence.sel $0xFFFF  }
0xbf: {  	[dreg:$0x0] =	wrdreg $0xFFFFFFFF;
	(pc) =	sbr.abs _section_cstart, $3  }
0xc0: {  	[dreg:$0x1] =	wrdreg $0xFFFFFFFF  }
0xc1: {  	_ =	task.clear_ibuf [dreg:s6], $0x2FFFF;
	_ =	strace $0x9FFFFFFF  }
0xc2: {  	(tm) =	ssettm $0x7FFFFFFF  }
0xc3: {  	_ =	shalt  }
tec
execute0_lowered:
.L_overlay_start_1:
0x0: {  	(tag) =	ssettag $0x1  }
0x1: {  	s0 =	srdreg.scid;
	s1 =	rddreg [dreg:$0x0]  }
0x2: {  	s2 =	rddreg [dreg:$0x1];
	s9 =	stileid.u32;
	s3 =	simm.s32 $0x0  }
0x3: {  	s28 =	simm.s32 $0x5000;
	s30 =	simm.s32 $0x7710;
	s29 =	simm.s32 $0x1  }
0x4: {  	s31 =	simm.s32 $0x2;
	s0 =	sand.u32 $0x1, s0;
	[smem:$0x7FF] =	sst s3  }
0x5: {  	s4 =	sshll.u32 s0, $0x4;
	s6 =	ssub.s32 $0x2, s0;
	s0 =	smul.u32 $0xC3500, s0  }
0x6: {  	s8 =	sadd.s32 $0x2F000, s1;
	s4 =	sor.u32 s9, s4;
	s9 =	smul.u32 $0xC350, s9  }
0x7: {  	_ =	strace $0x80000047;
	s7 =	sshrl.u32 s6, $0x1;
	s5 =	smul.u32 $0x500, s4  }
0x8: {  	s4 =	sadd.s32 $0x16800, s1;
	s6 =	ssub.s32 s6, s7;
	s7 =	sadd.s32 s9, s2  }
0x9: {  	s15 =	smax.u32 s6, $0x1;
	s16 =	sshrl.u32 s9, $0x3;
	s17 =	sadd.s32 $0x2710, s9  }
0xa: {  	s20 =	sadd.s32 $0x4E20, s9;
	s21 =	sadd.s32 $0x7530, s9;
	s23 =	sadd.s32 $0x9C40, s9  }
0xb: {  	s9 =	sadd.s32 s0, s9;
	s5 =	sadd.s32 s5, s1;
	s1 =	sadd.s32 $0x47800, s1  }
0xc: {  	[dreg:$0x5] =	wrdreg s15;
	s18 =	sshrl.u32 s17, $0x3;
	s19 =	sshrl.u32 s20, $0x3  }
0xd: {  	s11 =	sadd.s32 s17, s2;
	s22 =	sshrl.u32 s21, $0x3;
	s13 =	sadd.s32 s20, s2  }
0xe: {  	s15 =	sadd.s32 s21, s2;
	s24 =	sshrl.u32 s9, $0x3;
	s6 =	sadd.s32 s0, s17  }
0xf: {  	s17 =	sadd.s32 s23, s2;
	s25 =	sadd.s32 s0, s20;
	s26 =	sadd.s32 s0, s21  }
0x10: {  	s0 =	sadd.s32 s0, s23;
	s14 =	sadd.s32 $0xC800, s5;
	s5 =	sadd.s32 $0x2800, s5  }
0x11: {  	s12 =	sadd.s32 s8, s19;
	s6 =	sshrl.u32 s6, $0x3;
	[dreg:$0x3] =	wrdreg s14  }
0x12: {  	s0 =	sshrl.u32 s0, $0x3;
	[dreg:$0x4] =	wrdreg s5;
	s5 =	sadd.s32 s8, s16  }
0x13: {  	s14 =	sadd.s32 s8, s22;
	s16 =	sshrl.u32 s23, $0x3;
	s19 =	sadd.s32 s1, s6  }
0x14: {  	s6 =	sshrl.u32 s25, $0x3;
	s22 =	sadd.s32 s1, s0;
	s23 =	simm.s32 $0xEC40  }
0x15: {  	s0 =	simm.s32 $0x9E20;
	s25 =	simm.s32 $0xC530;
	[dreg:$0x6] =	wrdreg s5  }
0x16: {  	s5 =	sadd.s32 s8, s18;
	s16 =	sadd.s32 s8, s16;
	s18 =	sadd.s32 s1, s24  }
0x17: {  	s8 =	sshrl.u32 s26, $0x3;
	s20 =	sadd.s32 s1, s6;
	s24 =	simm.s32 $0x5  }
0x18: {  	s26 =	simm.s32 $0x7D;
	s6 =	simm.s32 $0x0;
	[dreg:$0x7] =	wrdreg s5  }
0x19: {  	s21 =	sadd.s32 s1, s8;
	s1 =	simm.s32 $0x3;
	s5 =	simm.s32 $0x4  }
.LBB2_1:
0x1a: {  	s8 =	rddreg [dreg:$0x6]  }
0x1b: {  	[tilespmem:s23], [sflag:$0x5] =	stream.linear.gather [hbm4b:s8+s3], $0x2710, $0x38;
	[tilespmem:$0x1D6A0] =	vst v63  }
0x1c: {  	_ =	swait.ge [sflag:s24], $0x2710  }
0x1d: {  	[sflag:s24] =	ssyncset.done $0x0  }
0x1e: {  	[sflag:s24] =	ssyncadd.s32 $0xFFFFD8F0  }
0x1f: {  	[spmem:s7] =	stream.linear.scatter [tilespmem:s23], [sflag:$0x5], $0x2710, $0x38;
	[tilespmem:$0x1D6A0] =	vst v63  }
0x20: {  	_ =	swait.ge [sflag:s24], $0x2710  }
0x21: {  	[sflag:s24] =	ssyncset.done $0x0  }
0x22: {  	s10 =	rddreg [dreg:$0x7];
	[sflag:s24] =	ssyncadd.s32 $0xFFFFD8F0  }
0x23: {  	[tilespmem:s23], [sflag:$0x5] =	stream.linear.gather [hbm4b:s10+s3], $0x2710, $0x38;
	[tilespmem:$0x1D6A0] =	vst v63  }
0x24: {  	_ =	swait.ge [sflag:s24], $0x2710  }
0x25: {  	[sflag:s24] =	ssyncset.done $0x0  }
0x26: {  	[sflag:s24] =	ssyncadd.s32 $0xFFFFD8F0  }
0x27: {  	[spmem:s11] =	stream.linear.scatter [tilespmem:s23], [sflag:$0x5], $0x2710, $0x38;
	[tilespmem:$0x1D6A0] =	vst v63  }
0x28: {  	_ =	swait.ge [sflag:s24], $0x2710  }
0x29: {  	[sflag:s24] =	ssyncset.done $0x0  }
0x2a: {  	[sflag:s24] =	ssyncadd.s32 $0xFFFFD8F0  }
0x2b: {  	[tilespmem:s23], [sflag:$0x5] =	stream.linear.gather [hbm4b:s12+s3], $0x2710, $0x38;
	[tilespmem:$0x1D6A0] =	vst v63  }
0x2c: {  	_ =	swait.ge [sflag:s24], $0x2710  }
0x2d: {  	[sflag:s24] =	ssyncset.done $0x0  }
0x2e: {  	[sflag:s24] =	ssyncadd.s32 $0xFFFFD8F0  }
0x2f: {  	[spmem:s13] =	stream.linear.scatter [tilespmem:s23], [sflag:$0x5], $0x2710, $0x38;
	[tilespmem:$0x1D6A0] =	vst v63  }
0x30: {  	_ =	swait.ge [sflag:s24], $0x2710  }
0x31: {  	[sflag:s24] =	ssyncset.done $0x0  }
0x32: {  	[sflag:s24] =	ssyncadd.s32 $0xFFFFD8F0  }
0x33: {  	[tilespmem:s23], [sflag:$0x5] =	stream.linear.gather [hbm4b:s14+s3], $0x2710, $0x38;
	[tilespmem:$0x1D6A0] =	vst v63  }
0x34: {  	_ =	swait.ge [sflag:s24], $0x2710  }
0x35: {  	[sflag:s24] =	ssyncset.done $0x0  }
0x36: {  	[sflag:s24] =	ssyncadd.s32 $0xFFFFD8F0  }
0x37: {  	[spmem:s15] =	stream.linear.scatter [tilespmem:s23], [sflag:$0x5], $0x2710, $0x38;
	[tilespmem:$0x1D6A0] =	vst v63  }
0x38: {  	_ =	swait.ge [sflag:s24], $0x2710  }
0x39: {  	[sflag:s24] =	ssyncset.done $0x0  }
0x3a: {  	[sflag:s24] =	ssyncadd.s32 $0xFFFFD8F0  }
0x3b: {  	[tilespmem:s23], [sflag:$0x5] =	stream.linear.gather [hbm4b:s16+s3], $0x2710, $0x38;
	[tilespmem:$0x1D6A0] =	vst v63  }
0x3c: {  	_ =	swait.ge [sflag:s24], $0x2710  }
0x3d: {  	[sflag:s24] =	ssyncset.done $0x0  }
0x3e: {  	[sflag:s24] =	ssyncadd.s32 $0xFFFFD8F0  }
0x3f: {  	[spmem:s17] =	stream.linear.scatter [tilespmem:s23], [sflag:$0x5], $0x2710, $0x38;
	[tilespmem:$0x1D6A0] =	vst v63  }
0x40: {  	_ =	swait.ge [sflag:s24], $0x2710  }
0x41: {  	[sflag:s24] =	ssyncset.done $0x0  }
0x42: {  	s9 =	rddreg [dreg:$0x3];
	[sflag:s24] =	ssyncadd.s32 $0xFFFFD8F0  }
0x43: {  	[tilespmem:s3], [sflag:$0x5] =	stream.linear.gather [hbm4b:s9+s3], $0x2800, $0x38;
	[tilespmem:$0x1D6A0] =	vst v63  }
0x44: {  	_ =	swait.ge [sflag:s24], $0x2800  }
0x45: {  	[sflag:s24] =	ssyncset.done $0x0  }
0x46: {  	s9 =	simm.s32 $0x2800;
	s10 =	rddreg [dreg:$0x4];
	[sflag:s24] =	ssyncadd.s32 $0xFFFFD800  }
0x47: {  	[tilespmem:s9], [sflag:$0x5] =	stream.linear.gather [hbm4b:s10+s3], $0x2800, $0x38;
	[tilespmem:$0x1D6A0] =	vst v63  }
0x48: {  	_ =	swait.ge [sflag:s24], $0x2800  }
0x49: {  	[sflag:s24] =	ssyncset.done $0x0  }
0x4a: {  	[sflag:s24] =	ssyncadd.s32 $0xFFFFD800  }
0x4b: {  	[bflag:$0x0] =	sbarrier.arrive $0xFFFF  }
0x4c: {  	[tilespmem:s28], [sflag:$0x1] =	stream.indirect.gather [hbm4b:s4+s26], $0x50, s3, s26, $0xb8;
	[tilespmem:$0x1D6A0] =	vst v63  }
0x4d: {  	s9 =	simm.s32 $0x80  }
0x4e: {  	[tilespmem:s30], [sflag:$0x2] =	stream.indirect.gather [hbm4b:s4+s26], $0x50, s9, s26, $0xb8;
	[tilespmem:$0x1D6A0] =	vst v63  }
0x4f: {  	s10 =	simm.s32 $0x100  }
0x50: {  	[tilespmem:s0], [sflag:$0x3] =	stream.indirect.gather [hbm4b:s4+s26], $0x50, s10, s26, $0xb8;
	[tilespmem:$0x1D6A0] =	vst v63  }
0x51: {  	s9 =	simm.s32 $0x180  }
0x52: {  	[tilespmem:s25], [sflag:$0x4] =	stream.indirect.gather [hbm4b:s4+s26], $0x50, s9, s26, $0xb8;
	[tilespmem:$0x1D6A0] =	vst v63  }
0x53: {  	_ =	swait.ge [sflag:s29], $0x2710  }
0x54: {  	[sflag:s29] =	ssyncset.done $0x0  }
0x55: {  	s10 =	simm.s32 $0x2800;
	[sflag:s29] =	ssyncadd.s32 $0xFFFFD8F0  }
0x56: {  	[spmem:s2] =	stream.indirect.scatter.add.f32 [tilespmem:s28], [sflag:$0x5], $0x50, s10, s26, $0xb8;
	[tilespmem:$0x1D6A0] =	vst v63  }
0x57: {  	_ =	swait.ge [sflag:s24], $0x2710  }
0x58: {  	[sflag:s24] =	ssyncset.done $0x0  }
0x59: {  	s9 =	simm.s32 $0x200;
	[sflag:s24] =	ssyncadd.s32 $0xFFFFD8F0  }
0x5a: {  	[tilespmem:s28], [sflag:$0x1] =	stream.indirect.gather [hbm4b:s4+s26], $0x50, s9, s26, $0xb8;
	[tilespmem:$0x1D6A0] =	vst v63  }
0x5b: {  	_ =	swait.ge [sflag:s31], $0x2710  }
0x5c: {  	[sflag:s31] =	ssyncset.done $0x0  }
0x5d: {  	s10 =	simm.s32 $0x2880;
	[sflag:s31] =	ssyncadd.s32 $0xFFFFD8F0  }
0x5e: {  	[spmem:s2] =	stream.indirect.scatter.add.f32 [tilespmem:s30], [sflag:$0x5], $0x50, s10, s26, $0xb8;
	[tilespmem:$0x1D6A0] =	vst v63  }
0x5f: {  	_ =	swait.ge [sflag:s24], $0x2710  }
0x60: {  	[sflag:s24] =	ssyncset.done $0x0  }
0x61: {  	s9 =	simm.s32 $0x280;
	[sflag:s24] =	ssyncadd.s32 $0xFFFFD8F0  }
0x62: {  	[tilespmem:s30], [sflag:$0x2] =	stream.indirect.gather [hbm4b:s4+s26], $0x50, s9, s26, $0xb8;
	[tilespmem:$0x1D6A0] =	vst v63  }
0x63: {  	_ =	swait.ge [sflag:s1], $0x2710  }
0x64: {  	[sflag:s1] =	ssyncset.done $0x0  }
0x65: {  	s10 =	simm.s32 $0x2900;
	[sflag:s1] =	ssyncadd.s32 $0xFFFFD8F0  }
0x66: {  	[spmem:s2] =	stream.indirect.scatter.add.f32 [tilespmem:s0], [sflag:$0x5], $0x50, s10, s26, $0xb8;
	[tilespmem:$0x1D6A0] =	vst v63  }
0x67: {  	_ =	swait.ge [sflag:s24], $0x2710  }
0x68: {  	[sflag:s24] =	ssyncset.done $0x0  }
0x69: {  	s9 =	simm.s32 $0x300;
	[sflag:s24] =	ssyncadd.s32 $0xFFFFD8F0  }
0x6a: {  	[tilespmem:s0], [sflag:$0x3] =	stream.indirect.gather [hbm4b:s4+s26], $0x50, s9, s26, $0xb8;
	[tilespmem:$0x1D6A0] =	vst v63  }
0x6b: {  	_ =	swait.ge [sflag:s5], $0x2710  }
0x6c: {  	[sflag:s5] =	ssyncset.done $0x0  }
0x6d: {  	s10 =	simm.s32 $0x2980;
	[sflag:s5] =	ssyncadd.s32 $0xFFFFD8F0  }
0x6e: {  	[spmem:s2] =	stream.indirect.scatter.add.f32 [tilespmem:s25], [sflag:$0x5], $0x50, s10, s26, $0xb8;
	[tilespmem:$0x1D6A0] =	vst v63  }
0x6f: {  	_ =	swait.ge [sflag:s24], $0x2710  }
0x70: {  	[sflag:s24] =	ssyncset.done $0x0  }
0x71: {  	s8 =	simm.s32 $0x800;
	s9 =	simm.s32 $0x380;
	[sflag:s24] =	ssyncadd.s32 $0xFFFFD8F0  }
.LBB2_2:
0x72: {  	[tilespmem:s25], [sflag:$0x4] =	stream.indirect.gather [hbm4b:s4+s26], $0x50, s9, s26, $0xb8;
	[tilespmem:$0x1D6A0] =	vst v63  }
0x73: {  	s9 =	smov.u32 s8  }
0x74: {  	p0 =	sne.s32 s8, $0x9000;
	s8 =	sadd.s32 $0x800, s8;
	_ =	swait.ge [sflag:s29], $0x2710  }
0x75: {  	s9 =	sshra.s32 s9, $0x2;
	[sflag:s29] =	ssyncset.done $0x0  }
0x76: {  	s10 =	sadd.s32 $0x2800, s9;
	[sflag:s29] =	ssyncadd.s32 $0xFFFFD8F0  }
0x77: {  	[spmem:s2] =	stream.indirect.scatter.add.f32 [tilespmem:s28], [sflag:$0x5], $0x50, s10, s26, $0xb8;
	[tilespmem:$0x1D6A0] =	vst v63  }
0x78: {  	_ =	swait.ge [sflag:s24], $0x2710  }
0x79: {  	[sflag:s24] =	ssyncset.done $0x0  }
0x7a: {  	s10 =	sadd.s32 $0x200, s9;
	[sflag:s24] =	ssyncadd.s32 $0xFFFFD8F0  }
0x7b: {  	[tilespmem:s28], [sflag:$0x1] =	stream.indirect.gather [hbm4b:s4+s26], $0x50, s10, s26, $0xb8;
	[tilespmem:$0x1D6A0] =	vst v63  }
0x7c: {  	_ =	swait.ge [sflag:s31], $0x2710  }
0x7d: {  	[sflag:s31] =	ssyncset.done $0x0  }
0x7e: {  	s10 =	sadd.s32 $0x2880, s9;
	[sflag:s31] =	ssyncadd.s32 $0xFFFFD8F0  }
0x7f: {  	[spmem:s2] =	stream.indirect.scatter.add.f32 [tilespmem:s30], [sflag:$0x5], $0x50, s10, s26, $0xb8;
	[tilespmem:$0x1D6A0] =	vst v63  }
0x80: {  	_ =	swait.ge [sflag:s24], $0x2710  }
0x81: {  	[sflag:s24] =	ssyncset.done $0x0  }
0x82: {  	s10 =	sadd.s32 $0x280, s9;
	[sflag:s24] =	ssyncadd.s32 $0xFFFFD8F0  }
0x83: {  	[tilespmem:s30], [sflag:$0x2] =	stream.indirect.gather [hbm4b:s4+s26], $0x50, s10, s26, $0xb8;
	[tilespmem:$0x1D6A0] =	vst v63  }
0x84: {  	_ =	swait.ge [sflag:s1], $0x2710  }
0x85: {  	[sflag:s1] =	ssyncset.done $0x0  }
0x86: {  	s10 =	sadd.s32 $0x2900, s9;
	[sflag:s1] =	ssyncadd.s32 $0xFFFFD8F0  }
0x87: {  	[spmem:s2] =	stream.indirect.scatter.add.f32 [tilespmem:s0], [sflag:$0x5], $0x50, s10, s26, $0xb8;
	[tilespmem:$0x1D6A0] =	vst v63  }
0x88: {  	_ =	swait.ge [sflag:s24], $0x2710  }
0x89: {  	[sflag:s24] =	ssyncset.done $0x0  }
0x8a: {  	s10 =	sadd.s32 $0x300, s9;
	[sflag:s24] =	ssyncadd.s32 $0xFFFFD8F0  }
0x8b: {  	[tilespmem:s0], [sflag:$0x3] =	stream.indirect.gather [hbm4b:s4+s26], $0x50, s10, s26, $0xb8;
	[tilespmem:$0x1D6A0] =	vst v63  }
0x8c: {  	_ =	swait.ge [sflag:s5], $0x2710  }
0x8d: {  	[sflag:s5] =	ssyncset.done $0x0  }
.Ltmp0:
0x8e: {  	s10 =	sadd.s32 $0x2980, s9;
	[sflag:s5] =	ssyncadd.s32 $0xFFFFD8F0;
	(pc) =	sbr.rel @p0 .LBB2_2-.Ltmp0, $4  }
0x8f: {  	[spmem:s2] =	stream.indirect.scatter.add.f32 [tilespmem:s25], [sflag:$0x5], $0x50, s10, s26, $0xb8;
	[tilespmem:$0x1D6A0] =	vst v63  }
0x90: {  	_ =	swait.ge [sflag:s24], $0x2710  }
0x91: {  	[sflag:s24] =	ssyncset.done $0x0  }
0x92: {  	s9 =	sadd.s32 $0x380, s9;
	[sflag:s24] =	ssyncadd.s32 $0xFFFFD8F0  }
0x93: {  	[tilespmem:s25], [sflag:$0x4] =	stream.indirect.gather [hbm4b:s4+s26], $0x50, s9, s26, $0xb8;
	[tilespmem:$0x1D6A0] =	vst v63  }
0x94: {  	_ =	swait.ge [sflag:s29], $0x2710  }
0x95: {  	[sflag:s29] =	ssyncset.done $0x0  }
0x96: {  	s8 =	simm.s32 $0x4E00;
	[sflag:s29] =	ssyncadd.s32 $0xFFFFD8F0  }
0x97: {  	[spmem:s2] =	stream.indirect.scatter.add.f32 [tilespmem:s28], [sflag:$0x5], $0x50, s8, s26, $0xb8;
	[tilespmem:$0x1D6A0] =	vst v63  }
0x98: {  	_ =	swait.ge [sflag:s24], $0x2710  }
0x99: {  	[sflag:s24] =	ssyncset.done $0x0  }
0x9a: {  	[sflag:s24] =	ssyncadd.s32 $0xFFFFD8F0  }
0x9b: {  	_ =	swait.ge [sflag:s31], $0x2710  }
0x9c: {  	[sflag:s31] =	ssyncset.done $0x0  }
0x9d: {  	s9 =	simm.s32 $0x4E80;
	[sflag:s31] =	ssyncadd.s32 $0xFFFFD8F0  }
0x9e: {  	[spmem:s2] =	stream.indirect.scatter.add.f32 [tilespmem:s30], [sflag:$0x5], $0x50, s9, s26, $0xb8;
	[tilespmem:$0x1D6A0] =	vst v63  }
0x9f: {  	_ =	swait.ge [sflag:s24], $0x2710  }
0xa0: {  	[sflag:s24] =	ssyncset.done $0x0  }
0xa1: {  	[sflag:s24] =	ssyncadd.s32 $0xFFFFD8F0  }
0xa2: {  	_ =	swait.ge [sflag:s1], $0x2710  }
0xa3: {  	[sflag:s1] =	ssyncset.done $0x0  }
0xa4: {  	s10 =	simm.s32 $0x4F00;
	[sflag:s1] =	ssyncadd.s32 $0xFFFFD8F0  }
0xa5: {  	[spmem:s2] =	stream.indirect.scatter.add.f32 [tilespmem:s0], [sflag:$0x5], $0x50, s10, s26, $0xb8;
	[tilespmem:$0x1D6A0] =	vst v63  }
0xa6: {  	_ =	swait.ge [sflag:s24], $0x2710  }
0xa7: {  	[sflag:s24] =	ssyncset.done $0x0  }
0xa8: {  	[sflag:s24] =	ssyncadd.s32 $0xFFFFD8F0  }
0xa9: {  	_ =	swait.ge [sflag:s5], $0x2710  }
0xaa: {  	[sflag:s5] =	ssyncset.done $0x0  }
0xab: {  	s9 =	simm.s32 $0x4F80;
	[sflag:s5] =	ssyncadd.s32 $0xFFFFD8F0  }
0xac: {  	[spmem:s2] =	stream.indirect.scatter.add.f32 [tilespmem:s25], [sflag:$0x5], $0x50, s9, s26, $0xb8;
	[tilespmem:$0x1D6A0] =	vst v63  }
0xad: {  	_ =	swait.ge [sflag:s24], $0x2710  }
0xae: {  	[sflag:s24] =	ssyncset.done $0x0  }
0xaf: {  	[sflag:s24] =	ssyncadd.s32 $0xFFFFD8F0  }
0xb0: {  	[bflag:$0x0] =	sbarrier.arrive $0xFFFF  }
0xb1: {  	[tilespmem:s23], [sflag:$0x5] =	stream.linear.gather [spmem:s7], $0x2710, $0x38;
	[tilespmem:$0x1D6A0] =	vst v63  }
0xb2: {  	_ =	swait.ge [sflag:s24], $0x2710  }
0xb3: {  	[sflag:s24] =	ssyncset.done $0x0  }
0xb4: {  	[sflag:s24] =	ssyncadd.s32 $0xFFFFD8F0  }
0xb5: {  	[hbm4b:s18+s3] =	stream.linear.scatter [tilespmem:s23], [sflag:$0x5], $0x2710, $0x38;
	[tilespmem:$0x1D6A0] =	vst v63  }
0xb6: {  	_ =	swait.ge [sflag:s24], $0x2710  }
0xb7: {  	[sflag:s24] =	ssyncset.done $0x0  }
0xb8: {  	[sflag:s24] =	ssyncadd.s32 $0xFFFFD8F0  }
0xb9: {  	[tilespmem:s23], [sflag:$0x5] =	stream.linear.gather [spmem:s11], $0x2710, $0x38;
	[tilespmem:$0x1D6A0] =	vst v63  }
0xba: {  	_ =	swait.ge [sflag:s24], $0x2710  }
0xbb: {  	[sflag:s24] =	ssyncset.done $0x0  }
0xbc: {  	[sflag:s24] =	ssyncadd.s32 $0xFFFFD8F0  }
0xbd: {  	[hbm4b:s19+s3] =	stream.linear.scatter [tilespmem:s23], [sflag:$0x5], $0x2710, $0x38;
	[tilespmem:$0x1D6A0] =	vst v63  }
0xbe: {  	_ =	swait.ge [sflag:s24], $0x2710  }
0xbf: {  	[sflag:s24] =	ssyncset.done $0x0  }
0xc0: {  	[sflag:s24] =	ssyncadd.s32 $0xFFFFD8F0  }
0xc1: {  	[tilespmem:s23], [sflag:$0x5] =	stream.linear.gather [spmem:s13], $0x2710, $0x38;
	[tilespmem:$0x1D6A0] =	vst v63  }
0xc2: {  	_ =	swait.ge [sflag:s24], $0x2710  }
0xc3: {  	[sflag:s24] =	ssyncset.done $0x0  }
0xc4: {  	[sflag:s24] =	ssyncadd.s32 $0xFFFFD8F0  }
0xc5: {  	[hbm4b:s20+s3] =	stream.linear.scatter [tilespmem:s23], [sflag:$0x5], $0x2710, $0x38;
	[tilespmem:$0x1D6A0] =	vst v63  }
0xc6: {  	_ =	swait.ge [sflag:s24], $0x2710  }
0xc7: {  	[sflag:s24] =	ssyncset.done $0x0  }
0xc8: {  	[sflag:s24] =	ssyncadd.s32 $0xFFFFD8F0  }
0xc9: {  	[tilespmem:s23], [sflag:$0x5] =	stream.linear.gather [spmem:s15], $0x2710, $0x38;
	[tilespmem:$0x1D6A0] =	vst v63  }
0xca: {  	_ =	swait.ge [sflag:s24], $0x2710  }
0xcb: {  	[sflag:s24] =	ssyncset.done $0x0  }
0xcc: {  	[sflag:s24] =	ssyncadd.s32 $0xFFFFD8F0  }
0xcd: {  	[hbm4b:s21+s3] =	stream.linear.scatter [tilespmem:s23], [sflag:$0x5], $0x2710, $0x38;
	[tilespmem:$0x1D6A0] =	vst v63  }
0xce: {  	_ =	swait.ge [sflag:s24], $0x2710  }
0xcf: {  	[sflag:s24] =	ssyncset.done $0x0  }
0xd0: {  	[sflag:s24] =	ssyncadd.s32 $0xFFFFD8F0  }
0xd1: {  	[tilespmem:s23], [sflag:$0x5] =	stream.linear.gather [spmem:s17], $0x2710, $0x38;
	[tilespmem:$0x1D6A0] =	vst v63  }
0xd2: {  	_ =	swait.ge [sflag:s24], $0x2710  }
0xd3: {  	[sflag:s24] =	ssyncset.done $0x0  }
0xd4: {  	[sflag:s24] =	ssyncadd.s32 $0xFFFFD8F0  }
0xd5: {  	[hbm4b:s22+s3] =	stream.linear.scatter [tilespmem:s23], [sflag:$0x5], $0x2710, $0x38;
	[tilespmem:$0x1D6A0] =	vst v63  }
0xd6: {  	_ =	swait.ge [sflag:s24], $0x2710  }
0xd7: {  	s6 =	sadd.s32 $0x1, s6;
	s10 =	rddreg [dreg:$0x5]  }
0xd8: {  	p0 =	sne.s32 s6, s10  }
.Ltmp1:
0xd9: {  	_ = 	snop;
	(pc) =	sbr.rel @p0 .LBB2_1-.Ltmp1, $3  }
0xda: {  	_ =	sdelay $0x1  }
0xdb: {  	[sflag:s24] =	ssyncset.done $0x0  }
0xdc: {  	[sflag:s24] =	ssyncadd.s32 $0xFFFFD8F0  }
0xdd: {  	_ =	sfence.sel $0x180000  }
0xde: {  	[bflag:$0x0] =	sbarrier.arrive $0xFFFF  }
0xdf: {  	_ =	strace $0x90000047  }
0xe0: {  	s0 =	stileid.u32;
	[bflag:$0x2] =	sbarrier.arrive $0xFFFF  }
0xe1: {  	p0 =	sne.s32 s0, $0x0;
	s0 =	rddreg [dreg:$0x2]  }
0xe2: {  	s0 =	sadd.s32 @!p0 $0x100000, s0  }
0xe3: {  	[sflag:s0] =	ssyncadd.tile.s32 @!p0 $0x1;
	_ =	shalt  }
.Lfunc_end2:
_tile_overlayer_lowered:
.L_overlay_start_2:
0xe4: {  	(tag) =	ssettag $0x2  }
0xe5: {  	s0 =	rddreg [dreg:$0x0];
	s2 =	stileid.u32  }
0xe6: {  	s1 =	rddreg [dreg:$0x1];
	p0 =	sne.s32 s2, $0x0  }
0xe7: {  	s3 =	rddreg [dreg:$0x2];
	[bflag:$0x3] =	sbarrier.arrive $0xFFFF;
	s2 =	simm.s32 @!p0 $0x1C05  }
0xe8: {  	[timem:s3], [sflag:s2] =	dma.local @!p0 [hbm:s0], s1  }
0xe9: {  	s0 =	simm.s32 @!p0 $0x5  }
0xea: {  	_ =	swait.ge @!p0 [sflag:s0], s1  }
0xeb: {  	s1 =	ssub.s32 @!p0 $0x0, s1;
	[sflag:s0] =	ssyncset.done @!p0 $0x0  }
0xec: {  	[sflag:s0] =	ssyncadd.s32 @!p0 s1  }
0xed: {  	[bflag:$0x3] =	sbarrier.arrive $0xFFFF  }
0xee: {  	_ =	shalt  }

</sc_bundles>
